<compile_context>
chip_gen: v7x
topology: tpu7x:2x2x1
jax: 0.10.2.dev20260603
libtpu: 0.0.44.dev20260713+nightly
codegen_flags: <defaults>
</compile_context>

<pallas_src>
import dataclasses
import functools

import jax
import jax.numpy as jnp
from jax import lax
from jax.experimental import pallas as pl
from jax.experimental.pallas import tpu as pltpu
from jax.experimental.pallas import tpu_sc as plsc

E = 160000
NSUB = 20000
B = 128
D = 256
DS = 128

NPAD = 20480
NC, NS, L = 2, 16, 16
NW = NC * NS
PER_TILE = 5120
EP = NW * PER_TILE
GCHUNK = 128
NCH = PER_TILE // L

EH = E // 2
PER_TILE_H = 2560
EP_H = NW * PER_TILE_H
NGCH_H = PER_TILE_H // GCHUNK

_mesh = plsc.VectorSubcoreMesh(core_axis_name="c", subcore_axis_name="s")

_sc_params = pltpu.CompilerParams()
if "needs_layout_passes" in pltpu.CompilerParams.__dataclass_fields__:
    _sc_params = dataclasses.replace(_sc_params, needs_layout_passes=False)


def _leaky(x):
    return jnp.where(x >= 0, x, 0.01 * x)



def _node_tables_body(mem_ref, w_ref, b_ref, nl_ref, nr_ref, hl_ref):
    x = jnp.dot(mem_ref[...], w_ref[...], preferred_element_type=jnp.float32)
    x = x + b_ref[...]
    nl_ref[...] = x[:, :DS]
    nr_ref[...] = x[:, DS:2 * DS]
    hl_ref[...] = x[:, 2 * DS:]


def _node_tables(mem_pad, w_node, b_node):
    blk = 2048
    return pl.pallas_call(
        _node_tables_body,
        grid=(NPAD // blk,),
        in_specs=[
            pl.BlockSpec((blk, D), lambda i: (i, 0)),
            pl.BlockSpec((D, 2 * DS + D), lambda i: (0, 0)),
            pl.BlockSpec((1, 2 * DS + D), lambda i: (0, 0)),
        ],
        out_specs=[
            pl.BlockSpec((blk, DS), lambda i: (i, 0)),
            pl.BlockSpec((blk, DS), lambda i: (i, 0)),
            pl.BlockSpec((blk, D), lambda i: (i, 0)),
        ],
        out_shape=[
            jax.ShapeDtypeStruct((NPAD, DS), jnp.float32),
            jax.ShapeDtypeStruct((NPAD, DS), jnp.float32),
            jax.ShapeDtypeStruct((NPAD, D), jnp.float32),
        ],
    )(mem_pad, w_node, b_node)


def _query_tables_body(q_ref, w_ref, c_ref, o_ref):
    o_ref[...] = (
        jnp.dot(q_ref[...], w_ref[...], preferred_element_type=jnp.float32)
        + c_ref[...]
    )


def _query_tables(qcat, w_q, c_q):
    return pl.pallas_call(
        _query_tables_body,
        out_shape=jax.ShapeDtypeStruct((B, 2 * DS), jnp.float32),
    )(qcat, w_q, c_q)


def _logits_body(rel_ref, g1_ref, g2_ref, eg_ref, wrel_ref, q_ref, wc_ref,
                 bc_ref, out_ref):
    rel = rel_ref[...]
    rl = jnp.dot(rel, wrel_ref[...], preferred_element_type=jnp.float32)
    eg = eg_ref[0, 0, :]
    lane = jax.lax.broadcasted_iota(jnp.int32, (1, B), 1)
    oh = (eg[:, None] == lane).astype(jnp.float32)
    q = jnp.dot(oh, q_ref[...], preferred_element_type=jnp.float32)
    lp = _leaky(g1_ref[...] + rl[:, :DS] + q[:, :DS])
    rp = _leaky(g2_ref[...] + rl[:, DS:] + q[:, DS:])
    c = jnp.dot(rp, wc_ref[...], preferred_element_type=jnp.float32) + bc_ref[...]
    out_ref[0, 0, :] = jnp.sum(lp * c, axis=1)


def _logits_half(h, rel_emb, g1, g2, eg3d, w_rel, qlqr, wc_t, bc):
    blk = 3200
    nblk = EH // blk
    off = h * nblk
    out = pl.pallas_call(
        _logits_body,
        grid=(nblk,),
        in_specs=[
            pl.BlockSpec((blk, D), lambda i: (i + off, 0)),
            pl.BlockSpec((blk, DS), lambda i: (i, 0)),
            pl.BlockSpec((blk, DS), lambda i: (i, 0)),
            pl.BlockSpec((1, 1, blk), lambda i: (i + off, 0, 0)),
            pl.BlockSpec((D, D), lambda i: (0, 0)),
            pl.BlockSpec((B, 2 * DS), lambda i: (0, 0)),
            pl.BlockSpec((DS, DS), lambda i: (0, 0)),
            pl.BlockSpec((1, DS), lambda i: (0, 0)),
        ],
        out_specs=pl.BlockSpec((1, 1, blk), lambda i: (i, 0, 0)),
        out_shape=jax.ShapeDtypeStruct((nblk, 1, blk), jnp.float32),
    )(rel_emb, g1, g2, eg3d, w_rel, qlqr, wc_t, bc)
    return out.reshape(EH)


def _combine_body(op, p_ref, o_ref):
    o_ref[...] = op(p_ref[...], axis=0)


def _combine(partials, op):
    blk = 4096
    return pl.pallas_call(
        functools.partial(_combine_body, op),
        grid=(NPAD // blk,),
        in_specs=[pl.BlockSpec((NW, blk), lambda i: (0, i))],
        out_specs=pl.BlockSpec((blk,), lambda i: (i,)),
        out_shape=jax.ShapeDtypeStruct((NPAD,), jnp.float32),
    )(partials)


def _final_body(ps_ref, pw_ref, hl_ref, o1_ref, o2_ref):
    s = jnp.sum(ps_ref[...], axis=0)
    o1_ref[...] = jnp.sum(pw_ref[...], axis=0)
    o2_ref[...] = s[:, None] * hl_ref[...]


def _final(partials_s, partials_w, hl):
    blk = 4096
    return pl.pallas_call(
        _final_body,
        grid=(NPAD // blk,),
        in_specs=[
            pl.BlockSpec((NW, blk), lambda i: (0, i)),
            pl.BlockSpec((NW, blk), lambda i: (0, i)),
            pl.BlockSpec((blk, D), lambda i: (i, 0)),
        ],
        out_specs=[
            pl.BlockSpec((blk,), lambda i: (i,)),
            pl.BlockSpec((blk, D), lambda i: (i, 0)),
        ],
        out_shape=[
            jax.ShapeDtypeStruct((NPAD,), jnp.float32),
            jax.ShapeDtypeStruct((NPAD, D), jnp.float32),
        ],
    )(partials_s, partials_w, hl)



def _wid():
    return lax.axis_index("s") * NC + lax.axis_index("c")


def _fill(ref, n, value):
    v = jnp.full((L,), value, dtype=ref.dtype)

    @pl.loop(0, n // L)
    def _(i):
        ref[pl.ds(i * L, L)] = v


def _rmw_scatter(acc, idx, vals, op):
    lane = lax.iota(jnp.int32, L)
    for k in range(L):
        g = plsc.load_gather(acc, [idx])
        plsc.store_scatter(acc, [idx], op(g, vals), mask=lane == k)


def _make_sc_gather():
    @functools.partial(
        pl.kernel,
        mesh=_mesh,
        out_type=[
            jax.ShapeDtypeStruct((EP_H, DS), jnp.float32),
            jax.ShapeDtypeStruct((EP_H, DS), jnp.float32),
        ],
        scratch_types=[
            pltpu.VMEM((PER_TILE_H,), jnp.int32),
            pltpu.VMEM((PER_TILE_H,), jnp.int32),
            pltpu.VMEM((GCHUNK, DS), jnp.float32),
            pltpu.VMEM((GCHUNK, DS), jnp.float32),
            pltpu.VMEM((GCHUNK, DS), jnp.float32),
            pltpu.VMEM((GCHUNK, DS), jnp.float32),
            pltpu.SemaphoreType.DMA,
            pltpu.SemaphoreType.DMA,
            pltpu.SemaphoreType.DMA,
            pltpu.SemaphoreType.DMA,
        ],
    )
    def _gather(nl_hbm, nr_hbm, ivi_hbm, ivj_hbm, g1_hbm, g2_hbm,
                ivi_buf, ivj_buf, r1a, r2a, r1b, r2b, sga, sgb, swa, swb):
        base = _wid() * PER_TILE_H
        pltpu.sync_copy(ivi_hbm.at[pl.ds(base, PER_TILE_H)], ivi_buf)
        pltpu.sync_copy(ivj_hbm.at[pl.ds(base, PER_TILE_H)], ivj_buf)

        def start_g(c, r1, r2, sg):
            pltpu.async_copy(nl_hbm.at[ivi_buf.at[pl.ds(c * GCHUNK, GCHUNK)]],
                             r1, sg)
            pltpu.async_copy(nr_hbm.at[ivj_buf.at[pl.ds(c * GCHUNK, GCHUNK)]],
                             r2, sg)

        def wait2(r1, r2, sem):
            pltpu.make_async_copy(nl_hbm.at[pl.ds(0, GCHUNK)], r1, sem).wait()
            pltpu.make_async_copy(nr_hbm.at[pl.ds(0, GCHUNK)], r2, sem).wait()

        def start_w(c, r1, r2, sw):
            off = base + c * GCHUNK
            pltpu.async_copy(r1, g1_hbm.at[pl.ds(off, GCHUNK)], sw)
            pltpu.async_copy(r2, g2_hbm.at[pl.ds(off, GCHUNK)], sw)

        start_g(0, r1a, r2a, sga)

        @pl.loop(0, NGCH_H // 2)
        def _(i):
            a = 2 * i

            @pl.when(i > 0)
            def _():
                wait2(r1b, r2b, swb)
            start_g(a + 1, r1b, r2b, sgb)
            wait2(r1a, r2a, sga)
            start_w(a, r1a, r2a, swa)
            wait2(r1a, r2a, swa)

            @pl.when(i < NGCH_H // 2 - 1)
            def _():
                start_g(a + 2, r1a, r2a, sga)
            wait2(r1b, r2b, sgb)
            start_w(a + 1, r1b, r2b, swb)

        wait2(r1b, r2b, swb)

    return _gather


_sc_gather_half = _make_sc_gather()


@functools.partial(
    pl.kernel,
    mesh=_mesh,
    compiler_params=_sc_params,
    out_type=jax.ShapeDtypeStruct((NW, NPAD), jnp.float32),
    scratch_types=[
        pltpu.VMEM((PER_TILE,), jnp.float32),
        pltpu.VMEM((PER_TILE,), jnp.int32),
        pltpu.VMEM((NPAD,), jnp.float32),
    ],
)
def _sc_segmax(logits_hbm, ivi_hbm, out_hbm, lbuf, ibuf, acc):
    wid = _wid()
    base = wid * PER_TILE
    _fill(acc, NPAD, -1e30)
    pltpu.sync_copy(logits_hbm.at[pl.ds(base, PER_TILE)], lbuf)
    pltpu.sync_copy(ivi_hbm.at[pl.ds(base, PER_TILE)], ibuf)

    @pl.loop(0, NCH)
    def _(c):
        iv = ibuf[pl.ds(c * L, L)]
        lv = lbuf[pl.ds(c * L, L)]
        _rmw_scatter(acc, iv, lv, jnp.maximum)

    pltpu.sync_copy(acc, out_hbm.at[wid])


@functools.partial(
    pl.kernel,
    mesh=_mesh,
    compiler_params=_sc_params,
    out_type=[
        jax.ShapeDtypeStruct((EP,), jnp.float32),
        jax.ShapeDtypeStruct((NW, NPAD), jnp.float32),
    ],
    scratch_types=[
        pltpu.VMEM((NPAD,), jnp.float32),
        pltpu.VMEM((PER_TILE,), jnp.float32),
        pltpu.VMEM((PER_TILE,), jnp.int32),
        pltpu.VMEM((PER_TILE,), jnp.float32),
        pltpu.VMEM((NPAD,), jnp.float32),
    ],
)
def _sc_denom(logits_hbm, ivi_hbm, segmax_hbm, ex_hbm, out_hbm,
              smtab, lbuf, ibuf, exbuf, acc):
    wid = _wid()
    base = wid * PER_TILE
    pltpu.sync_copy(segmax_hbm, smtab)
    _fill(acc, NPAD, 0.0)
    pltpu.sync_copy(logits_hbm.at[pl.ds(base, PER_TILE)], lbuf)
    pltpu.sync_copy(ivi_hbm.at[pl.ds(base, PER_TILE)], ibuf)

    @pl.loop(0, NCH)
    def _(c):
        iv = ibuf[pl.ds(c * L, L)]
        lv = lbuf[pl.ds(c * L, L)]
        m = plsc.load_gather(smtab, [iv])
        e = jnp.exp(lv - m)
        exbuf[pl.ds(c * L, L)] = e
        _rmw_scatter(acc, iv, e, jnp.add)

    pltpu.sync_copy(exbuf, ex_hbm.at[pl.ds(base, PER_TILE)])
    pltpu.sync_copy(acc, out_hbm.at[wid])


@functools.partial(
    pl.kernel,
    mesh=_mesh,
    compiler_params=_sc_params,
    out_type=[
        jax.ShapeDtypeStruct((NW, NPAD), jnp.float32),
        jax.ShapeDtypeStruct((NW, NPAD), jnp.float32),
    ],
    scratch_types=[
        pltpu.VMEM((NPAD,), jnp.float32),
        pltpu.VMEM((PER_TILE,), jnp.float32),
        pltpu.VMEM((PER_TILE,), jnp.float32),
        pltpu.VMEM((PER_TILE,), jnp.int32),
        pltpu.VMEM((PER_TILE,), jnp.int32),
        pltpu.VMEM((NPAD,), jnp.float32),
        pltpu.VMEM((NPAD,), jnp.float32),
    ],
)
def _sc_scatter_vj(ex_hbm, na_hbm, ivi_hbm, ivj_hbm, denom_hbm,
                   outs_hbm, outw_hbm,
                   dtab, exb, nab, ibi, ibj, acc_s, acc_w):
    wid = _wid()
    base = wid * PER_TILE
    pltpu.sync_copy(denom_hbm, dtab)
    _fill(acc_s, NPAD, 0.0)
    _fill(acc_w, NPAD, 0.0)
    pltpu.sync_copy(ex_hbm.at[pl.ds(base, PER_TILE)], exb)
    pltpu.sync_copy(na_hbm.at[pl.ds(base, PER_TILE)], nab)
    pltpu.sync_copy(ivi_hbm.at[pl.ds(base, PER_TILE)], ibi)
    pltpu.sync_copy(ivj_hbm.at[pl.ds(base, PER_TILE)], ibj)

    @pl.loop(0, NCH)
    def _(c):
        ivi = ibi[pl.ds(c * L, L)]
        ivj = ibj[pl.ds(c * L, L)]
        ev = exb[pl.ds(c * L, L)]
        nav = nab[pl.ds(c * L, L)]
        d = plsc.load_gather(dtab, [ivi])
        t = ev / (d + 1e-20)
        w = t * nav
        _rmw_scatter(acc_s, ivj, t, jnp.add)
        _rmw_scatter(acc_w, ivj, w, jnp.add)

    pltpu.sync_copy(acc_s, outs_hbm.at[wid])
    pltpu.sync_copy(acc_w, outw_hbm.at[wid])



def kernel(node_attention, memorized_embedding, rel_emb, query_src_emb,
           query_rel_emb, query_time_emb, edge_eg, idx_vi, idx_vj,
           W_proj, b_proj, W_left, b_left, W_right, b_right,
           W_center, b_center, W_lin, b_lin):
    f32 = jnp.float32
    P = W_proj
    Lb = [W_left[:, i * DS:(i + 1) * DS] for i in range(5)]
    Rb = [W_right[:, i * DS:(i + 1) * DS] for i in range(5)]

    w_node = jnp.concatenate([P.T @ Lb[0].T, P.T @ Rb[0].T, W_lin.T], axis=1)
    b_node = jnp.concatenate(
        [jnp.zeros((2 * DS,), f32), b_lin]).reshape(1, 2 * DS + D)
    w_rel = jnp.concatenate([P.T @ Lb[1].T, P.T @ Rb[1].T], axis=1)
    w_q = jnp.concatenate([
        jnp.concatenate([P.T @ Lb[2].T, P.T @ Rb[2].T], axis=1),
        jnp.concatenate([P.T @ Lb[3].T, P.T @ Rb[3].T], axis=1),
        jnp.concatenate([P.T @ Lb[4].T, P.T @ Rb[4].T], axis=1),
    ], axis=0)
    c_l = b_left + b_proj @ (Lb[0].T + Lb[1].T + Lb[2].T + Lb[3].T + Lb[4].T)
    c_r = b_right + b_proj @ (Rb[0].T + Rb[1].T + Rb[2].T + Rb[3].T + Rb[4].T)
    c_q = jnp.concatenate([c_l, c_r]).reshape(1, 2 * DS)
    qcat = jnp.concatenate([query_src_emb, query_rel_emb, query_time_emb],
                           axis=1)

    mem_pad = jnp.pad(memorized_embedding, ((0, NPAD - NSUB), (0, 0)))
    pad_e = EP - E
    ivi_p = jnp.concatenate(
        [idx_vi.astype(jnp.int32), jnp.full((pad_e,), NSUB, jnp.int32)])
    ivj_p = jnp.concatenate(
        [idx_vj.astype(jnp.int32), jnp.full((pad_e,), NSUB, jnp.int32)])
    na_p = jnp.concatenate([node_attention, jnp.zeros((pad_e,), f32)])
    eg3d = edge_eg.astype(jnp.int32).reshape(E // 3200, 1, 3200)

    nl_tab, nr_tab, hl_tab = _node_tables(mem_pad, w_node, b_node)
    qlqr = _query_tables(qcat, w_q, c_q)

    pad_h = EP_H - EH
    ivi32 = idx_vi.astype(jnp.int32)
    ivj32 = idx_vj.astype(jnp.int32)
    gs = []
    for h in (0, 1):
        ivi_h = jnp.concatenate([ivi32[h * EH:(h + 1) * EH],
                                 jnp.full((pad_h,), NSUB, jnp.int32)])
        ivj_h = jnp.concatenate([ivj32[h * EH:(h + 1) * EH],
                                 jnp.full((pad_h,), NSUB, jnp.int32)])
        gs.append(_sc_gather_half(nl_tab, nr_tab, ivi_h, ivj_h))
    halves = [
        _logits_half(h, rel_emb, gs[h][0], gs[h][1], eg3d, w_rel, qlqr,
                     W_center.T, b_center.reshape(1, DS))
        for h in (0, 1)
    ]
    logits_p = jnp.concatenate([halves[0], halves[1],
                                jnp.zeros((pad_e,), f32)])

    segmax_parts = _sc_segmax(logits_p, ivi_p)
    segmax = _combine(segmax_parts, jnp.max)
    ex, denom_parts = _sc_denom(logits_p, ivi_p, segmax)
    denom = _combine(denom_parts, jnp.sum)
    parts_s, parts_w = _sc_scatter_vj(ex, na_p, ivi_p, ivj_p, denom)

    out1_p, out2_p = _final(parts_s, parts_w, hl_tab)
    return out1_p[:NSUB], out2_p[:NSUB]

# --- scband reference (transcript-rebuilt; emitter-appended) ---
"""Pipeline reference for scband-attention-flow-420906795220 (READ-ONLY COPY).

The authoritative reference and input builder live on the scoring server;
editing this copy changes nothing except your own understanding.
"""

import jax, jax.numpy as jnp
import numpy as np

E = 160000
NSUB = 20000
B = 128
D = 256
DS = 128


def leaky_relu(x):
    return jnp.where(x >= 0, x, 0.01 * x)


def setup_inputs(seed: int = 0) -> dict:
    key = jax.random.key(seed)
    ks = jax.random.split(key, 20)
    inp = {}
    inp["node_attention"] = jax.random.uniform(ks[0], (E,), dtype=jnp.float32)
    inp["memorized_embedding"] = jax.random.normal(ks[1], (NSUB, D), dtype=jnp.float32)
    inp["rel_emb"] = jax.random.normal(ks[2], (E, D), dtype=jnp.float32)
    inp["query_src_emb"] = jax.random.normal(ks[3], (B, D), dtype=jnp.float32)
    inp["query_rel_emb"] = jax.random.normal(ks[4], (B, D), dtype=jnp.float32)
    inp["query_time_emb"] = jax.random.normal(ks[5], (B, D), dtype=jnp.float32)
    inp["edge_eg"] = jax.random.randint(ks[6], (E,), 0, B)
    inp["idx_vi"] = jnp.sort(jax.random.randint(ks[7], (E,), 0, NSUB))
    inp["idx_vj"] = jax.random.randint(ks[8], (E,), 0, NSUB)
    # parameters
    inp["W_proj"] = jax.random.normal(ks[9], (DS, D), dtype=jnp.float32) * np.sqrt(1.0 / D)
    inp["b_proj"] = jnp.zeros((DS,), dtype=jnp.float32)
    inp["W_left"] = jax.random.normal(ks[10], (DS, 5 * DS), dtype=jnp.float32) * np.sqrt(2.0 / (5 * DS))
    inp["b_left"] = jnp.zeros((DS,), dtype=jnp.float32)
    inp["W_right"] = jax.random.normal(ks[11], (DS, 5 * DS), dtype=jnp.float32) * np.sqrt(2.0 / (5 * DS))
    inp["b_right"] = jnp.zeros((DS,), dtype=jnp.float32)
    inp["W_center"] = jax.random.normal(ks[12], (DS, DS), dtype=jnp.float32) * np.sqrt(2.0 / (DS + DS))
    inp["b_center"] = jnp.zeros((DS,), dtype=jnp.float32)
    inp["W_lin"] = jax.random.normal(ks[13], (D, D), dtype=jnp.float32) * np.sqrt(1.0 / D)
    inp["b_lin"] = jnp.zeros((D,), dtype=jnp.float32)
    return inp


def reference(node_attention, memorized_embedding, rel_emb, query_src_emb,
              query_rel_emb, query_time_emb, edge_eg, idx_vi, idx_vj,
              W_proj, b_proj, W_left, b_left, W_right, b_right,
              W_center, b_center, W_lin, b_lin):
    proj = lambda x: x @ W_proj.T + b_proj
    # project queries and relation embeddings to small dim
    qs = proj(query_src_emb)
    qr = proj(query_rel_emb)
    qt = proj(query_time_emb)
    rel = proj(rel_emb)
    # gather memorized node embeddings for edge endpoints (dict lookup -> table gather)
    hvi_orig = jnp.take(memorized_embedding, idx_vi, axis=0)
    hvj_orig = jnp.take(memorized_embedding, idx_vj, axis=0)
    hvi = proj(hvi_orig)
    hvj = proj(hvj_orig)
    # repeat per-query vectors over edges (index_select by eg_idx)
    qs_r = jnp.take(qs, edge_eg, axis=0)
    qr_r = jnp.take(qr, edge_eg, axis=0)
    qt_r = jnp.take(qt, edge_eg, axis=0)
    # transition function G: bilinear attention score per edge
    left_x = jnp.concatenate([hvi, rel, qs_r, qr_r, qt_r], axis=-1)
    right_x = jnp.concatenate([hvj, rel, qs_r, qr_r, qt_r], axis=-1)
    left = leaky_relu(left_x @ W_left.T + b_left)
    right = leaky_relu(right_x @ W_right.T + b_right)
    center = right @ W_center.T + b_center
    logits = jnp.sum(left * center, axis=-1)
    # segment softmax over source node groups (idx_eg_vi_ti)
    seg_max = jax.ops.segment_max(logits, idx_vi, num_segments=NSUB)
    seg_max = jnp.where(jnp.isfinite(seg_max), seg_max, 0.0)
    ex = jnp.exp(logits - jnp.take(seg_max, idx_vi, axis=0))
    denom = jax.ops.segment_sum(ex, idx_vi, num_segments=NSUB)
    trans = ex / (jnp.take(denom, idx_vi, axis=0) + 1e-20)
    # sparse transition-matrix @ node_attention: aggregate by destination index
    new_node_attention = jax.ops.segment_sum(trans * node_attention, idx_vj, num_segments=NSUB)
    # updated node representation: aggregate linear(hidden_vj_orig) weighted by transition
    hvj_lin = hvj_orig @ W_lin.T + b_lin
    updated_node_representation = jax.ops.segment_sum(trans[:, None] * hvj_lin, idx_vj, num_segments=NSUB)
    return new_node_attention, updated_node_representation

if __name__ == "__main__":
    import jax
    _d = setup_inputs()
    print(jax.jit(kernel)(*tuple(_d.values())))

</pallas_src>

<mosaic_0001>
#map = affine_map<(d0, d1) -> (0)>
#map1 = affine_map<(d0, d1) -> (0, 0)>
module attributes {stable_mosaic.version = 14 : i64} {
  func.func @_sc_segmax(%arg0: i32, %arg1: i32, %arg2: memref<163840xf32, #tpu.memory_space<hbm>>, %arg3: memref<163840xi32, #tpu.memory_space<hbm>>, %arg4: memref<32x20480xf32, #tpu.memory_space<hbm>>, %arg5: memref<5120xf32, #tpu.memory_space<vmem>>, %arg6: memref<5120xi32, #tpu.memory_space<vmem>>, %arg7: memref<20480xf32, #tpu.memory_space<vmem>>) attributes {dimension_semantics = [#tpu.dimension_semantics<core_parallel>, #tpu.dimension_semantics<subcore_parallel>], iteration_bounds = array<i64: 2, 16>, scalar_prefetch = 0 : i64, scratch_operands = 3 : i64, tpu.core_type = #tpu.core_type<sc_vector_subcore>, window_params = [{transform_indices = #map}, {transform_indices = #map}, {transform_indices = #map1}]} {
    %mul3A = arith.constant 2 : i32
    %mul3A_0 = arith.muli %arg1, %mul3A : i32
    %add3A = arith.addi %mul3A_0, %arg0 : i32
    %mul3A_1 = arith.constant 5120 : i32
    %mul3A_2 = arith.muli %add3A, %mul3A_1 : i32
    %broadcast_in_dim3A = arith.constant -1.000000e+30 : f32
    %broadcast_in_dim3A_3 = vector.broadcast %broadcast_in_dim3A : f32 to vector<16xf32>
    %scan3A = arith.constant 0 : i32
    %scan3A_4 = arith.constant 1280 : i32
    %scan3A_5 = arith.addi %scan3A, %scan3A_4 : i32
    %scan3A_6 = arith.constant 1 : i32
    scf.for %scan3A_13 = %scan3A to %scan3A_5 step %scan3A_6  : i32 {
      %mul3A_14 = arith.constant 1 : i32
      %mul3A_15 = arith.muli %scan3A_13, %mul3A_14 : i32
      %add3A_16 = arith.constant 0 : i32
      %add3A_17 = arith.addi %add3A_16, %mul3A_15 : i32
      %mul3A_18 = arith.constant 16 : i32
      %mul3A_19 = arith.muli %add3A_17, %mul3A_18 : i32
      %swap3A = arith.index_cast %mul3A_19 : i32 to index
      %swap3A_20 = tpu.vector_load %arg7[%swap3A] {strides = array<i32>} : memref<20480xf32, #tpu.memory_space<vmem>>, vector<16xf32>,
      tpu.vector_store %arg7[%swap3A], %broadcast_in_dim3A_3 {strides = array<i32>} : memref<20480xf32, #tpu.memory_space<vmem>>, vector<16xf32>,
    }
    %scan3A_7 = arith.constant 1280 : i32
    "tpu.region"() ({
      %run_scoped3A = tpu.sem_alloc : memref<!tpu.dma_semaphore, #tpu.memory_space<semaphore_mem>>
      %dma_start3A = tpu.memref_slice %arg2[%mul3A_2] : memref<163840xf32, #tpu.memory_space<hbm>> -> memref<5120xf32, #tpu.memory_space<hbm>>
      %dma_start3A_13 = tpu.memref_slice %arg2[%mul3A_2] : memref<163840xf32, #tpu.memory_space<hbm>> -> memref<5120xf32, #tpu.memory_space<hbm>>
      tpu.enqueue_dma source(%dma_start3A_13 : memref<5120xf32, #tpu.memory_space<hbm>>) target(%arg5 : memref<5120xf32, #tpu.memory_space<vmem>>) target_semaphore(%run_scoped3A : memref<!tpu.dma_semaphore, #tpu.memory_space<semaphore_mem>>)
      %dma_wait3A = tpu.memref_slice %arg2[%mul3A_2] : memref<163840xf32, #tpu.memory_space<hbm>> -> memref<5120xf32, #tpu.memory_space<hbm>>
      %dma_wait3A_14 = tpu.memref_slice %arg2[%mul3A_2] : memref<163840xf32, #tpu.memory_space<hbm>> -> memref<5120xf32, #tpu.memory_space<hbm>>
      tpu.wait_dma2 semaphore(%run_scoped3A : memref<!tpu.dma_semaphore, #tpu.memory_space<semaphore_mem>>) src(%dma_wait3A_14 : memref<5120xf32, #tpu.memory_space<hbm>>) dst(%arg5 : memref<5120xf32, #tpu.memory_space<vmem>>)
      tpu.yield
    }) : () -> ()
    "tpu.region"() ({
      %run_scoped3A = tpu.sem_alloc : memref<!tpu.dma_semaphore, #tpu.memory_space<semaphore_mem>>
      %dma_start3A = tpu.memref_slice %arg3[%mul3A_2] : memref<163840xi32, #tpu.memory_space<hbm>> -> memref<5120xi32, #tpu.memory_space<hbm>>
      %dma_start3A_13 = tpu.memref_slice %arg3[%mul3A_2] : memref<163840xi32, #tpu.memory_space<hbm>> -> memref<5120xi32, #tpu.memory_space<hbm>>
      tpu.enqueue_dma source(%dma_start3A_13 : memref<5120xi32, #tpu.memory_space<hbm>>) target(%arg6 : memref<5120xi32, #tpu.memory_space<vmem>>) target_semaphore(%run_scoped3A : memref<!tpu.dma_semaphore, #tpu.memory_space<semaphore_mem>>)
      %dma_wait3A = tpu.memref_slice %arg3[%mul3A_2] : memref<163840xi32, #tpu.memory_space<hbm>> -> memref<5120xi32, #tpu.memory_space<hbm>>
      %dma_wait3A_14 = tpu.memref_slice %arg3[%mul3A_2] : memref<163840xi32, #tpu.memory_space<hbm>> -> memref<5120xi32, #tpu.memory_space<hbm>>
      tpu.wait_dma2 semaphore(%run_scoped3A : memref<!tpu.dma_semaphore, #tpu.memory_space<semaphore_mem>>) src(%dma_wait3A_14 : memref<5120xi32, #tpu.memory_space<hbm>>) dst(%arg6 : memref<5120xi32, #tpu.memory_space<vmem>>)
      tpu.yield
    }) : () -> ()
    %scan3A_8 = arith.constant 0 : i32
    %scan3A_9 = arith.constant 320 : i32
    %scan3A_10 = arith.addi %scan3A_8, %scan3A_9 : i32
    %scan3A_11 = arith.constant 1 : i32
    scf.for %scan3A_13 = %scan3A_8 to %scan3A_10 step %scan3A_11  : i32 {
      %mul3A_14 = arith.constant 1 : i32
      %mul3A_15 = arith.muli %scan3A_13, %mul3A_14 : i32
      %add3A_16 = arith.constant 0 : i32
      %add3A_17 = arith.addi %add3A_16, %mul3A_15 : i32
      %mul3A_18 = arith.constant 16 : i32
      %mul3A_19 = arith.muli %add3A_17, %mul3A_18 : i32
      %get3A = arith.index_cast %mul3A_19 : i32 to index
      %get3A_20 = tpu.vector_load %arg6[%get3A] {strides = array<i32>} : memref<5120xi32, #tpu.memory_space<vmem>>, vector<16xi32>,
      %mul3A_21 = arith.constant 16 : i32
      %mul3A_22 = arith.muli %add3A_17, %mul3A_21 : i32
      %get3A_23 = arith.index_cast %mul3A_22 : i32 to index
      %get3A_24 = tpu.vector_load %arg5[%get3A_23] {strides = array<i32>} : memref<5120xf32, #tpu.memory_space<vmem>>, vector<16xf32>,
      %iota3A = tpu.iota {dimensions = array<i32: 0>} : vector<16xi32>
      %gather3A = tpu.vector_load_idx %arg7[%get3A_20] : memref<20480xf32, #tpu.memory_space<vmem>>[vector<16xi32>], vector<16xf32>,
      %max3A = arith.maximumf %gather3A, %get3A_24 : vector<16xf32>
      %eq3A = arith.constant 0 : i32
      %eq3A_25 = vector.broadcast %eq3A : i32 to vector<16xi32>
      %eq3A_26 = arith.cmpi eq, %iota3A, %eq3A_25 : vector<16xi32>
      tpu.vector_store_idx %arg7[%get3A_20], %max3A masked %eq3A_26 : memref<20480xf32, #tpu.memory_space<vmem>>[vector<16xi32>], vector<16xf32>, vector<16xi1>
      %gather3A_27 = tpu.vector_load_idx %arg7[%get3A_20] : memref<20480xf32, #tpu.memory_space<vmem>>[vector<16xi32>], vector<16xf32>,
      %max3A_28 = arith.maximumf %gather3A_27, %get3A_24 : vector<16xf32>
      %eq3A_29 = arith.constant 1 : i32
      %eq3A_30 = vector.broadcast %eq3A_29 : i32 to vector<16xi32>
      %eq3A_31 = arith.cmpi eq, %iota3A, %eq3A_30 : vector<16xi32>
      tpu.vector_store_idx %arg7[%get3A_20], %max3A_28 masked %eq3A_31 : memref<20480xf32, #tpu.memory_space<vmem>>[vector<16xi32>], vector<16xf32>, vector<16xi1>
      %gather3A_32 = tpu.vector_load_idx %arg7[%get3A_20] : memref<20480xf32, #tpu.memory_space<vmem>>[vector<16xi32>], vector<16xf32>,
      %max3A_33 = arith.maximumf %gather3A_32, %get3A_24 : vector<16xf32>
      %eq3A_34 = arith.constant 2 : i32
      %eq3A_35 = vector.broadcast %eq3A_34 : i32 to vector<16xi32>
      %eq3A_36 = arith.cmpi eq, %iota3A, %eq3A_35 : vector<16xi32>
      tpu.vector_store_idx %arg7[%get3A_20], %max3A_33 masked %eq3A_36 : memref<20480xf32, #tpu.memory_space<vmem>>[vector<16xi32>], vector<16xf32>, vector<16xi1>
      %gather3A_37 = tpu.vector_load_idx %arg7[%get3A_20] : memref<20480xf32, #tpu.memory_space<vmem>>[vector<16xi32>], vector<16xf32>,
      %max3A_38 = arith.maximumf %gather3A_37, %get3A_24 : vector<16xf32>
      %eq3A_39 = arith.constant 3 : i32
      %eq3A_40 = vector.broadcast %eq3A_39 : i32 to vector<16xi32>
      %eq3A_41 = arith.cmpi eq, %iota3A, %eq3A_40 : vector<16xi32>
      tpu.vector_store_idx %arg7[%get3A_20], %max3A_38 masked %eq3A_41 : memref<20480xf32, #tpu.memory_space<vmem>>[vector<16xi32>], vector<16xf32>, vector<16xi1>
      %gather3A_42 = tpu.vector_load_idx %arg7[%get3A_20] : memref<20480xf32, #tpu.memory_space<vmem>>[vector<16xi32>], vector<16xf32>,
      %max3A_43 = arith.maximumf %gather3A_42, %get3A_24 : vector<16xf32>
      %eq3A_44 = arith.constant 4 : i32
      %eq3A_45 = vector.broadcast %eq3A_44 : i32 to vector<16xi32>
      %eq3A_46 = arith.cmpi eq, %iota3A, %eq3A_45 : vector<16xi32>
      tpu.vector_store_idx %arg7[%get3A_20], %max3A_43 masked %eq3A_46 : memref<20480xf32, #tpu.memory_space<vmem>>[vector<16xi32>], vector<16xf32>, vector<16xi1>
      %gather3A_47 = tpu.vector_load_idx %arg7[%get3A_20] : memref<20480xf32, #tpu.memory_space<vmem>>[vector<16xi32>], vector<16xf32>,
      %max3A_48 = arith.maximumf %gather3A_47, %get3A_24 : vector<16xf32>
      %eq3A_49 = arith.constant 5 : i32
      %eq3A_50 = vector.broadcast %eq3A_49 : i32 to vector<16xi32>
      %eq3A_51 = arith.cmpi eq, %iota3A, %eq3A_50 : vector<16xi32>
      tpu.vector_store_idx %arg7[%get3A_20], %max3A_48 masked %eq3A_51 : memref<20480xf32, #tpu.memory_space<vmem>>[vector<16xi32>], vector<16xf32>, vector<16xi1>
      %gather3A_52 = tpu.vector_load_idx %arg7[%get3A_20] : memref<20480xf32, #tpu.memory_space<vmem>>[vector<16xi32>], vector<16xf32>,
      %max3A_53 = arith.maximumf %gather3A_52, %get3A_24 : vector<16xf32>
      %eq3A_54 = arith.constant 6 : i32
      %eq3A_55 = vector.broadcast %eq3A_54 : i32 to vector<16xi32>
      %eq3A_56 = arith.cmpi eq, %iota3A, %eq3A_55 : vector<16xi32>
      tpu.vector_store_idx %arg7[%get3A_20], %max3A_53 masked %eq3A_56 : memref<20480xf32, #tpu.memory_space<vmem>>[vector<16xi32>], vector<16xf32>, vector<16xi1>
      %gather3A_57 = tpu.vector_load_idx %arg7[%get3A_20] : memref<20480xf32, #tpu.memory_space<vmem>>[vector<16xi32>], vector<16xf32>,
      %max3A_58 = arith.maximumf %gather3A_57, %get3A_24 : vector<16xf32>
      %eq3A_59 = arith.constant 7 : i32
      %eq3A_60 = vector.broadcast %eq3A_59 : i32 to vector<16xi32>
      %eq3A_61 = arith.cmpi eq, %iota3A, %eq3A_60 : vector<16xi32>
      tpu.vector_store_idx %arg7[%get3A_20], %max3A_58 masked %eq3A_61 : memref<20480xf32, #tpu.memory_space<vmem>>[vector<16xi32>], vector<16xf32>, vector<16xi1>
      %gather3A_62 = tpu.vector_load_idx %arg7[%get3A_20] : memref<20480xf32, #tpu.memory_space<vmem>>[vector<16xi32>], vector<16xf32>,
      %max3A_63 = arith.maximumf %gather3A_62, %get3A_24 : vector<16xf32>
      %eq3A_64 = arith.constant 8 : i32
      %eq3A_65 = vector.broadcast %eq3A_64 : i32 to vector<16xi32>
      %eq3A_66 = arith.cmpi eq, %iota3A, %eq3A_65 : vector<16xi32>
      tpu.vector_store_idx %arg7[%get3A_20], %max3A_63 masked %eq3A_66 : memref<20480xf32, #tpu.memory_space<vmem>>[vector<16xi32>], vector<16xf32>, vector<16xi1>
      %gather3A_67 = tpu.vector_load_idx %arg7[%get3A_20] : memref<20480xf32, #tpu.memory_space<vmem>>[vector<16xi32>], vector<16xf32>,
      %max3A_68 = arith.maximumf %gather3A_67, %get3A_24 : vector<16xf32>
      %eq3A_69 = arith.constant 9 : i32
      %eq3A_70 = vector.broadcast %eq3A_69 : i32 to vector<16xi32>
      %eq3A_71 = arith.cmpi eq, %iota3A, %eq3A_70 : vector<16xi32>
      tpu.vector_store_idx %arg7[%get3A_20], %max3A_68 masked %eq3A_71 : memref<20480xf32, #tpu.memory_space<vmem>>[vector<16xi32>], vector<16xf32>, vector<16xi1>
      %gather3A_72 = tpu.vector_load_idx %arg7[%get3A_20] : memref<20480xf32, #tpu.memory_space<vmem>>[vector<16xi32>], vector<16xf32>,
      %max3A_73 = arith.maximumf %gather3A_72, %get3A_24 : vector<16xf32>
      %eq3A_74 = arith.constant 10 : i32
      %eq3A_75 = vector.broadcast %eq3A_74 : i32 to vector<16xi32>
      %eq3A_76 = arith.cmpi eq, %iota3A, %eq3A_75 : vector<16xi32>
      tpu.vector_store_idx %arg7[%get3A_20], %max3A_73 masked %eq3A_76 : memref<20480xf32, #tpu.memory_space<vmem>>[vector<16xi32>], vector<16xf32>, vector<16xi1>
      %gather3A_77 = tpu.vector_load_idx %arg7[%get3A_20] : memref<20480xf32, #tpu.memory_space<vmem>>[vector<16xi32>], vector<16xf32>,
      %max3A_78 = arith.maximumf %gather3A_77, %get3A_24 : vector<16xf32>
      %eq3A_79 = arith.constant 11 : i32
      %eq3A_80 = vector.broadcast %eq3A_79 : i32 to vector<16xi32>
      %eq3A_81 = arith.cmpi eq, %iota3A, %eq3A_80 : vector<16xi32>
      tpu.vector_store_idx %arg7[%get3A_20], %max3A_78 masked %eq3A_81 : memref<20480xf32, #tpu.memory_space<vmem>>[vector<16xi32>], vector<16xf32>, vector<16xi1>
      %gather3A_82 = tpu.vector_load_idx %arg7[%get3A_20] : memref<20480xf32, #tpu.memory_space<vmem>>[vector<16xi32>], vector<16xf32>,
      %max3A_83 = arith.maximumf %gather3A_82, %get3A_24 : vector<16xf32>
      %eq3A_84 = arith.constant 12 : i32
      %eq3A_85 = vector.broadcast %eq3A_84 : i32 to vector<16xi32>
      %eq3A_86 = arith.cmpi eq, %iota3A, %eq3A_85 : vector<16xi32>
      tpu.vector_store_idx %arg7[%get3A_20], %max3A_83 masked %eq3A_86 : memref<20480xf32, #tpu.memory_space<vmem>>[vector<16xi32>], vector<16xf32>, vector<16xi1>
      %gather3A_87 = tpu.vector_load_idx %arg7[%get3A_20] : memref<20480xf32, #tpu.memory_space<vmem>>[vector<16xi32>], vector<16xf32>,
      %max3A_88 = arith.maximumf %gather3A_87, %get3A_24 : vector<16xf32>
      %eq3A_89 = arith.constant 13 : i32
      %eq3A_90 = vector.broadcast %eq3A_89 : i32 to vector<16xi32>
      %eq3A_91 = arith.cmpi eq, %iota3A, %eq3A_90 : vector<16xi32>
      tpu.vector_store_idx %arg7[%get3A_20], %max3A_88 masked %eq3A_91 : memref<20480xf32, #tpu.memory_space<vmem>>[vector<16xi32>], vector<16xf32>, vector<16xi1>
      %gather3A_92 = tpu.vector_load_idx %arg7[%get3A_20] : memref<20480xf32, #tpu.memory_space<vmem>>[vector<16xi32>], vector<16xf32>,
      %max3A_93 = arith.maximumf %gather3A_92, %get3A_24 : vector<16xf32>
      %eq3A_94 = arith.constant 14 : i32
      %eq3A_95 = vector.broadcast %eq3A_94 : i32 to vector<16xi32>
      %eq3A_96 = arith.cmpi eq, %iota3A, %eq3A_95 : vector<16xi32>
      tpu.vector_store_idx %arg7[%get3A_20], %max3A_93 masked %eq3A_96 : memref<20480xf32, #tpu.memory_space<vmem>>[vector<16xi32>], vector<16xf32>, vector<16xi1>
      %gather3A_97 = tpu.vector_load_idx %arg7[%get3A_20] : memref<20480xf32, #tpu.memory_space<vmem>>[vector<16xi32>], vector<16xf32>,
      %max3A_98 = arith.maximumf %gather3A_97, %get3A_24 : vector<16xf32>
      %eq3A_99 = arith.constant 15 : i32
      %eq3A_100 = vector.broadcast %eq3A_99 : i32 to vector<16xi32>
      %eq3A_101 = arith.cmpi eq, %iota3A, %eq3A_100 : vector<16xi32>
      tpu.vector_store_idx %arg7[%get3A_20], %max3A_98 masked %eq3A_101 : memref<20480xf32, #tpu.memory_space<vmem>>[vector<16xi32>], vector<16xf32>, vector<16xi1>
    }
    %scan3A_12 = arith.constant 320 : i32
    "tpu.region"() ({
      %run_scoped3A = tpu.sem_alloc : memref<!tpu.dma_semaphore, #tpu.memory_space<semaphore_mem>>
      %dma_start3A = arith.constant 0 : i32
      %dma_start3A_13 = tpu.memref_slice %arg4[%add3A, %dma_start3A] : memref<32x20480xf32, #tpu.memory_space<hbm>> -> memref<1x20480xf32, #tpu.memory_space<hbm>>
      %dma_start3A_14 = tpu.memref_squeeze %dma_start3A_13 : memref<1x20480xf32, #tpu.memory_space<hbm>> -> memref<20480xf32, #tpu.memory_space<hbm>>
      %dma_start3A_15 = arith.constant 0 : i32
      %dma_start3A_16 = tpu.memref_slice %arg4[%add3A, %dma_start3A_15] : memref<32x20480xf32, #tpu.memory_space<hbm>> -> memref<1x20480xf32, #tpu.memory_space<hbm>>
      %dma_start3A_17 = tpu.memref_squeeze %dma_start3A_16 : memref<1x20480xf32, #tpu.memory_space<hbm>> -> memref<20480xf32, #tpu.memory_space<hbm>>
      tpu.enqueue_dma source(%arg7 : memref<20480xf32, #tpu.memory_space<vmem>>) target(%dma_start3A_17 : memref<20480xf32, #tpu.memory_space<hbm>>) target_semaphore(%run_scoped3A : memref<!tpu.dma_semaphore, #tpu.memory_space<semaphore_mem>>)
      %dma_wait3A = arith.constant 0 : i32
      %dma_wait3A_18 = tpu.memref_slice %arg4[%add3A, %dma_wait3A] : memref<32x20480xf32, #tpu.memory_space<hbm>> -> memref<1x20480xf32, #tpu.memory_space<hbm>>
      %dma_wait3A_19 = tpu.memref_squeeze %dma_wait3A_18 : memref<1x20480xf32, #tpu.memory_space<hbm>> -> memref<20480xf32, #tpu.memory_space<hbm>>
      %dma_wait3A_20 = arith.constant 0 : i32
      %dma_wait3A_21 = tpu.memref_slice %arg4[%add3A, %dma_wait3A_20] : memref<32x20480xf32, #tpu.memory_space<hbm>> -> memref<1x20480xf32, #tpu.memory_space<hbm>>
      %dma_wait3A_22 = tpu.memref_squeeze %dma_wait3A_21 : memref<1x20480xf32, #tpu.memory_space<hbm>> -> memref<20480xf32, #tpu.memory_space<hbm>>
      tpu.wait_dma2 semaphore(%run_scoped3A : memref<!tpu.dma_semaphore, #tpu.memory_space<semaphore_mem>>) src(%arg7 : memref<20480xf32, #tpu.memory_space<vmem>>) dst(%dma_wait3A_22 : memref<20480xf32, #tpu.memory_space<hbm>>)
      tpu.yield
    }) : () -> ()
    return
  }
}

#map = affine_map<(d0, d1) -> (0)>
#map1 = affine_map<(d0, d1) -> (0, 0)>
module attributes {stable_mosaic.version = 14 : i64} {
  func.func @_sc_denom(%arg0: i32, %arg1: i32, %arg2: memref<163840xf32, #tpu.memory_space<hbm>>, %arg3: memref<163840xi32, #tpu.memory_space<hbm>>, %arg4: memref<20480xf32, #tpu.memory_space<hbm>>, %arg5: memref<163840xf32, #tpu.memory_space<hbm>>, %arg6: memref<32x20480xf32, #tpu.memory_space<hbm>>, %arg7: memref<20480xf32, #tpu.memory_space<vmem>>, %arg8: memref<5120xf32, #tpu.memory_space<vmem>>, %arg9: memref<5120xi32, #tpu.memory_space<vmem>>, %arg10: memref<5120xf32, #tpu.memory_space<vmem>>, %arg11: memref<20480xf32, #tpu.memory_space<vmem>>) attributes {dimension_semantics = [#tpu.dimension_semantics<core_parallel>, #tpu.dimension_semantics<subcore_parallel>], iteration_bounds = array<i64: 2, 16>, scalar_prefetch = 0 : i64, scratch_operands = 5 : i64, tpu.core_type = #tpu.core_type<sc_vector_subcore>, window_params = [{transform_indices = #map}, {transform_indices = #map}, {transform_indices = #map}, {transform_indices = #map}, {transform_indices = #map1}]} {
    %mul3A = arith.constant 2 : i32
    %mul3A_0 = arith.muli %arg1, %mul3A : i32
    %add3A = arith.addi %mul3A_0, %arg0 : i32
    %mul3A_1 = arith.constant 5120 : i32
    %mul3A_2 = arith.muli %add3A, %mul3A_1 : i32
    "tpu.region"() ({
      %run_scoped3A = tpu.sem_alloc : memref<!tpu.dma_semaphore, #tpu.memory_space<semaphore_mem>>
      tpu.enqueue_dma source(%arg4 : memref<20480xf32, #tpu.memory_space<hbm>>) target(%arg7 : memref<20480xf32, #tpu.memory_space<vmem>>) target_semaphore(%run_scoped3A : memref<!tpu.dma_semaphore, #tpu.memory_space<semaphore_mem>>)
      tpu.wait_dma2 semaphore(%run_scoped3A : memref<!tpu.dma_semaphore, #tpu.memory_space<semaphore_mem>>) src(%arg4 : memref<20480xf32, #tpu.memory_space<hbm>>) dst(%arg7 : memref<20480xf32, #tpu.memory_space<vmem>>)
      tpu.yield
    }) : () -> ()
    %broadcast_in_dim3A = arith.constant 0.000000e+00 : f32
    %broadcast_in_dim3A_3 = vector.broadcast %broadcast_in_dim3A : f32 to vector<16xf32>
    %scan3A = arith.constant 0 : i32
    %scan3A_4 = arith.constant 1280 : i32
    %scan3A_5 = arith.addi %scan3A, %scan3A_4 : i32
    %scan3A_6 = arith.constant 1 : i32
    scf.for %scan3A_13 = %scan3A to %scan3A_5 step %scan3A_6  : i32 {
      %mul3A_14 = arith.constant 1 : i32
      %mul3A_15 = arith.muli %scan3A_13, %mul3A_14 : i32
      %add3A_16 = arith.constant 0 : i32
      %add3A_17 = arith.addi %add3A_16, %mul3A_15 : i32
      %mul3A_18 = arith.constant 16 : i32
      %mul3A_19 = arith.muli %add3A_17, %mul3A_18 : i32
      %swap3A = arith.index_cast %mul3A_19 : i32 to index
      %swap3A_20 = tpu.vector_load %arg11[%swap3A] {strides = array<i32>} : memref<20480xf32, #tpu.memory_space<vmem>>, vector<16xf32>,
      tpu.vector_store %arg11[%swap3A], %broadcast_in_dim3A_3 {strides = array<i32>} : memref<20480xf32, #tpu.memory_space<vmem>>, vector<16xf32>,
    }
    %scan3A_7 = arith.constant 1280 : i32
    "tpu.region"() ({
      %run_scoped3A = tpu.sem_alloc : memref<!tpu.dma_semaphore, #tpu.memory_space<semaphore_mem>>
      %dma_start3A = tpu.memref_slice %arg2[%mul3A_2] : memref<163840xf32, #tpu.memory_space<hbm>> -> memref<5120xf32, #tpu.memory_space<hbm>>
      %dma_start3A_13 = tpu.memref_slice %arg2[%mul3A_2] : memref<163840xf32, #tpu.memory_space<hbm>> -> memref<5120xf32, #tpu.memory_space<hbm>>
      tpu.enqueue_dma source(%dma_start3A_13 : memref<5120xf32, #tpu.memory_space<hbm>>) target(%arg8 : memref<5120xf32, #tpu.memory_space<vmem>>) target_semaphore(%run_scoped3A : memref<!tpu.dma_semaphore, #tpu.memory_space<semaphore_mem>>)
      %dma_wait3A = tpu.memref_slice %arg2[%mul3A_2] : memref<163840xf32, #tpu.memory_space<hbm>> -> memref<5120xf32, #tpu.memory_space<hbm>>
      %dma_wait3A_14 = tpu.memref_slice %arg2[%mul3A_2] : memref<163840xf32, #tpu.memory_space<hbm>> -> memref<5120xf32, #tpu.memory_space<hbm>>
      tpu.wait_dma2 semaphore(%run_scoped3A : memref<!tpu.dma_semaphore, #tpu.memory_space<semaphore_mem>>) src(%dma_wait3A_14 : memref<5120xf32, #tpu.memory_space<hbm>>) dst(%arg8 : memref<5120xf32, #tpu.memory_space<vmem>>)
      tpu.yield
    }) : () -> ()
    "tpu.region"() ({
      %run_scoped3A = tpu.sem_alloc : memref<!tpu.dma_semaphore, #tpu.memory_space<semaphore_mem>>
      %dma_start3A = tpu.memref_slice %arg3[%mul3A_2] : memref<163840xi32, #tpu.memory_space<hbm>> -> memref<5120xi32, #tpu.memory_space<hbm>>
      %dma_start3A_13 = tpu.memref_slice %arg3[%mul3A_2] : memref<163840xi32, #tpu.memory_space<hbm>> -> memref<5120xi32, #tpu.memory_space<hbm>>
      tpu.enqueue_dma source(%dma_start3A_13 : memref<5120xi32, #tpu.memory_space<hbm>>) target(%arg9 : memref<5120xi32, #tpu.memory_space<vmem>>) target_semaphore(%run_scoped3A : memref<!tpu.dma_semaphore, #tpu.memory_space<semaphore_mem>>)
      %dma_wait3A = tpu.memref_slice %arg3[%mul3A_2] : memref<163840xi32, #tpu.memory_space<hbm>> -> memref<5120xi32, #tpu.memory_space<hbm>>
      %dma_wait3A_14 = tpu.memref_slice %arg3[%mul3A_2] : memref<163840xi32, #tpu.memory_space<hbm>> -> memref<5120xi32, #tpu.memory_space<hbm>>
      tpu.wait_dma2 semaphore(%run_scoped3A : memref<!tpu.dma_semaphore, #tpu.memory_space<semaphore_mem>>) src(%dma_wait3A_14 : memref<5120xi32, #tpu.memory_space<hbm>>) dst(%arg9 : memref<5120xi32, #tpu.memory_space<vmem>>)
      tpu.yield
    }) : () -> ()
    %scan3A_8 = arith.constant 0 : i32
    %scan3A_9 = arith.constant 320 : i32
    %scan3A_10 = arith.addi %scan3A_8, %scan3A_9 : i32
    %scan3A_11 = arith.constant 1 : i32
    scf.for %scan3A_13 = %scan3A_8 to %scan3A_10 step %scan3A_11  : i32 {
      %mul3A_14 = arith.constant 1 : i32
      %mul3A_15 = arith.muli %scan3A_13, %mul3A_14 : i32
      %add3A_16 = arith.constant 0 : i32
      %add3A_17 = arith.addi %add3A_16, %mul3A_15 : i32
      %mul3A_18 = arith.constant 16 : i32
      %mul3A_19 = arith.muli %add3A_17, %mul3A_18 : i32
      %get3A = arith.index_cast %mul3A_19 : i32 to index
      %get3A_20 = tpu.vector_load %arg9[%get3A] {strides = array<i32>} : memref<5120xi32, #tpu.memory_space<vmem>>, vector<16xi32>,
      %mul3A_21 = arith.constant 16 : i32
      %mul3A_22 = arith.muli %add3A_17, %mul3A_21 : i32
      %get3A_23 = arith.index_cast %mul3A_22 : i32 to index
      %get3A_24 = tpu.vector_load %arg8[%get3A_23] {strides = array<i32>} : memref<5120xf32, #tpu.memory_space<vmem>>, vector<16xf32>,
      %gather3A = tpu.vector_load_idx %arg7[%get3A_20] : memref<20480xf32, #tpu.memory_space<vmem>>[vector<16xi32>], vector<16xf32>,
      %sub3A = arith.subf %get3A_24, %gather3A : vector<16xf32>
      %exp3A = math.exp %sub3A : vector<16xf32>
      %mul3A_25 = arith.constant 16 : i32
      %mul3A_26 = arith.muli %add3A_17, %mul3A_25 : i32
      %swap3A = arith.index_cast %mul3A_26 : i32 to index
      %swap3A_27 = tpu.vector_load %arg10[%swap3A] {strides = array<i32>} : memref<5120xf32, #tpu.memory_space<vmem>>, vector<16xf32>,
      tpu.vector_store %arg10[%swap3A], %exp3A {strides = array<i32>} : memref<5120xf32, #tpu.memory_space<vmem>>, vector<16xf32>,
      %iota3A = tpu.iota {dimensions = array<i32: 0>} : vector<16xi32>
      %gather3A_28 = tpu.vector_load_idx %arg11[%get3A_20] : memref<20480xf32, #tpu.memory_space<vmem>>[vector<16xi32>], vector<16xf32>,
      %add3A_29 = arith.addf %gather3A_28, %exp3A : vector<16xf32>
      %eq3A = arith.constant 0 : i32
      %eq3A_30 = vector.broadcast %eq3A : i32 to vector<16xi32>
      %eq3A_31 = arith.cmpi eq, %iota3A, %eq3A_30 : vector<16xi32>
      tpu.vector_store_idx %arg11[%get3A_20], %add3A_29 masked %eq3A_31 : memref<20480xf32, #tpu.memory_space<vmem>>[vector<16xi32>], vector<16xf32>, vector<16xi1>
      %gather3A_32 = tpu.vector_load_idx %arg11[%get3A_20] : memref<20480xf32, #tpu.memory_space<vmem>>[vector<16xi32>], vector<16xf32>,
      %add3A_33 = arith.addf %gather3A_32, %exp3A : vector<16xf32>
      %eq3A_34 = arith.constant 1 : i32
      %eq3A_35 = vector.broadcast %eq3A_34 : i32 to vector<16xi32>
      %eq3A_36 = arith.cmpi eq, %iota3A, %eq3A_35 : vector<16xi32>
      tpu.vector_store_idx %arg11[%get3A_20], %add3A_33 masked %eq3A_36 : memref<20480xf32, #tpu.memory_space<vmem>>[vector<16xi32>], vector<16xf32>, vector<16xi1>
      %gather3A_37 = tpu.vector_load_idx %arg11[%get3A_20] : memref<20480xf32, #tpu.memory_space<vmem>>[vector<16xi32>], vector<16xf32>,
      %add3A_38 = arith.addf %gather3A_37, %exp3A : vector<16xf32>
      %eq3A_39 = arith.constant 2 : i32
      %eq3A_40 = vector.broadcast %eq3A_39 : i32 to vector<16xi32>
      %eq3A_41 = arith.cmpi eq, %iota3A, %eq3A_40 : vector<16xi32>
      tpu.vector_store_idx %arg11[%get3A_20], %add3A_38 masked %eq3A_41 : memref<20480xf32, #tpu.memory_space<vmem>>[vector<16xi32>], vector<16xf32>, vector<16xi1>
      %gather3A_42 = tpu.vector_load_idx %arg11[%get3A_20] : memref<20480xf32, #tpu.memory_space<vmem>>[vector<16xi32>], vector<16xf32>,
      %add3A_43 = arith.addf %gather3A_42, %exp3A : vector<16xf32>
      %eq3A_44 = arith.constant 3 : i32
      %eq3A_45 = vector.broadcast %eq3A_44 : i32 to vector<16xi32>
      %eq3A_46 = arith.cmpi eq, %iota3A, %eq3A_45 : vector<16xi32>
      tpu.vector_store_idx %arg11[%get3A_20], %add3A_43 masked %eq3A_46 : memref<20480xf32, #tpu.memory_space<vmem>>[vector<16xi32>], vector<16xf32>, vector<16xi1>
      %gather3A_47 = tpu.vector_load_idx %arg11[%get3A_20] : memref<20480xf32, #tpu.memory_space<vmem>>[vector<16xi32>], vector<16xf32>,
      %add3A_48 = arith.addf %gather3A_47, %exp3A : vector<16xf32>
      %eq3A_49 = arith.constant 4 : i32
      %eq3A_50 = vector.broadcast %eq3A_49 : i32 to vector<16xi32>
      %eq3A_51 = arith.cmpi eq, %iota3A, %eq3A_50 : vector<16xi32>
      tpu.vector_store_idx %arg11[%get3A_20], %add3A_48 masked %eq3A_51 : memref<20480xf32, #tpu.memory_space<vmem>>[vector<16xi32>], vector<16xf32>, vector<16xi1>
      %gather3A_52 = tpu.vector_load_idx %arg11[%get3A_20] : memref<20480xf32, #tpu.memory_space<vmem>>[vector<16xi32>], vector<16xf32>,
      %add3A_53 = arith.addf %gather3A_52, %exp3A : vector<16xf32>
      %eq3A_54 = arith.constant 5 : i32
      %eq3A_55 = vector.broadcast %eq3A_54 : i32 to vector<16xi32>
      %eq3A_56 = arith.cmpi eq, %iota3A, %eq3A_55 : vector<16xi32>
      tpu.vector_store_idx %arg11[%get3A_20], %add3A_53 masked %eq3A_56 : memref<20480xf32, #tpu.memory_space<vmem>>[vector<16xi32>], vector<16xf32>, vector<16xi1>
      %gather3A_57 = tpu.vector_load_idx %arg11[%get3A_20] : memref<20480xf32, #tpu.memory_space<vmem>>[vector<16xi32>], vector<16xf32>,
      %add3A_58 = arith.addf %gather3A_57, %exp3A : vector<16xf32>
      %eq3A_59 = arith.constant 6 : i32
      %eq3A_60 = vector.broadcast %eq3A_59 : i32 to vector<16xi32>
      %eq3A_61 = arith.cmpi eq, %iota3A, %eq3A_60 : vector<16xi32>
      tpu.vector_store_idx %arg11[%get3A_20], %add3A_58 masked %eq3A_61 : memref<20480xf32, #tpu.memory_space<vmem>>[vector<16xi32>], vector<16xf32>, vector<16xi1>
      %gather3A_62 = tpu.vector_load_idx %arg11[%get3A_20] : memref<20480xf32, #tpu.memory_space<vmem>>[vector<16xi32>], vector<16xf32>,
      %add3A_63 = arith.addf %gather3A_62, %exp3A : vector<16xf32>
      %eq3A_64 = arith.constant 7 : i32
      %eq3A_65 = vector.broadcast %eq3A_64 : i32 to vector<16xi32>
      %eq3A_66 = arith.cmpi eq, %iota3A, %eq3A_65 : vector<16xi32>
      tpu.vector_store_idx %arg11[%get3A_20], %add3A_63 masked %eq3A_66 : memref<20480xf32, #tpu.memory_space<vmem>>[vector<16xi32>], vector<16xf32>, vector<16xi1>
      %gather3A_67 = tpu.vector_load_idx %arg11[%get3A_20] : memref<20480xf32, #tpu.memory_space<vmem>>[vector<16xi32>], vector<16xf32>,
      %add3A_68 = arith.addf %gather3A_67, %exp3A : vector<16xf32>
      %eq3A_69 = arith.constant 8 : i32
      %eq3A_70 = vector.broadcast %eq3A_69 : i32 to vector<16xi32>
      %eq3A_71 = arith.cmpi eq, %iota3A, %eq3A_70 : vector<16xi32>
      tpu.vector_store_idx %arg11[%get3A_20], %add3A_68 masked %eq3A_71 : memref<20480xf32, #tpu.memory_space<vmem>>[vector<16xi32>], vector<16xf32>, vector<16xi1>
      %gather3A_72 = tpu.vector_load_idx %arg11[%get3A_20] : memref<20480xf32, #tpu.memory_space<vmem>>[vector<16xi32>], vector<16xf32>,
      %add3A_73 = arith.addf %gather3A_72, %exp3A : vector<16xf32>
      %eq3A_74 = arith.constant 9 : i32
      %eq3A_75 = vector.broadcast %eq3A_74 : i32 to vector<16xi32>
      %eq3A_76 = arith.cmpi eq, %iota3A, %eq3A_75 : vector<16xi32>
      tpu.vector_store_idx %arg11[%get3A_20], %add3A_73 masked %eq3A_76 : memref<20480xf32, #tpu.memory_space<vmem>>[vector<16xi32>], vector<16xf32>, vector<16xi1>
      %gather3A_77 = tpu.vector_load_idx %arg11[%get3A_20] : memref<20480xf32, #tpu.memory_space<vmem>>[vector<16xi32>], vector<16xf32>,
      %add3A_78 = arith.addf %gather3A_77, %exp3A : vector<16xf32>
      %eq3A_79 = arith.constant 10 : i32
      %eq3A_80 = vector.broadcast %eq3A_79 : i32 to vector<16xi32>
      %eq3A_81 = arith.cmpi eq, %iota3A, %eq3A_80 : vector<16xi32>
      tpu.vector_store_idx %arg11[%get3A_20], %add3A_78 masked %eq3A_81 : memref<20480xf32, #tpu.memory_space<vmem>>[vector<16xi32>], vector<16xf32>, vector<16xi1>
      %gather3A_82 = tpu.vector_load_idx %arg11[%get3A_20] : memref<20480xf32, #tpu.memory_space<vmem>>[vector<16xi32>], vector<16xf32>,
      %add3A_83 = arith.addf %gather3A_82, %exp3A : vector<16xf32>
      %eq3A_84 = arith.constant 11 : i32
      %eq3A_85 = vector.broadcast %eq3A_84 : i32 to vector<16xi32>
      %eq3A_86 = arith.cmpi eq, %iota3A, %eq3A_85 : vector<16xi32>
      tpu.vector_store_idx %arg11[%get3A_20], %add3A_83 masked %eq3A_86 : memref<20480xf32, #tpu.memory_space<vmem>>[vector<16xi32>], vector<16xf32>, vector<16xi1>
      %gather3A_87 = tpu.vector_load_idx %arg11[%get3A_20] : memref<20480xf32, #tpu.memory_space<vmem>>[vector<16xi32>], vector<16xf32>,
      %add3A_88 = arith.addf %gather3A_87, %exp3A : vector<16xf32>
      %eq3A_89 = arith.constant 12 : i32
      %eq3A_90 = vector.broadcast %eq3A_89 : i32 to vector<16xi32>
      %eq3A_91 = arith.cmpi eq, %iota3A, %eq3A_90 : vector<16xi32>
      tpu.vector_store_idx %arg11[%get3A_20], %add3A_88 masked %eq3A_91 : memref<20480xf32, #tpu.memory_space<vmem>>[vector<16xi32>], vector<16xf32>, vector<16xi1>
      %gather3A_92 = tpu.vector_load_idx %arg11[%get3A_20] : memref<20480xf32, #tpu.memory_space<vmem>>[vector<16xi32>], vector<16xf32>,
      %add3A_93 = arith.addf %gather3A_92, %exp3A : vector<16xf32>
      %eq3A_94 = arith.constant 13 : i32
      %eq3A_95 = vector.broadcast %eq3A_94 : i32 to vector<16xi32>
      %eq3A_96 = arith.cmpi eq, %iota3A, %eq3A_95 : vector<16xi32>
      tpu.vector_store_idx %arg11[%get3A_20], %add3A_93 masked %eq3A_96 : memref<20480xf32, #tpu.memory_space<vmem>>[vector<16xi32>], vector<16xf32>, vector<16xi1>
      %gather3A_97 = tpu.vector_load_idx %arg11[%get3A_20] : memref<20480xf32, #tpu.memory_space<vmem>>[vector<16xi32>], vector<16xf32>,
      %add3A_98 = arith.addf %gather3A_97, %exp3A : vector<16xf32>
      %eq3A_99 = arith.constant 14 : i32
      %eq3A_100 = vector.broadcast %eq3A_99 : i32 to vector<16xi32>
      %eq3A_101 = arith.cmpi eq, %iota3A, %eq3A_100 : vector<16xi32>
      tpu.vector_store_idx %arg11[%get3A_20], %add3A_98 masked %eq3A_101 : memref<20480xf32, #tpu.memory_space<vmem>>[vector<16xi32>], vector<16xf32>, vector<16xi1>
      %gather3A_102 = tpu.vector_load_idx %arg11[%get3A_20] : memref<20480xf32, #tpu.memory_space<vmem>>[vector<16xi32>], vector<16xf32>,
      %add3A_103 = arith.addf %gather3A_102, %exp3A : vector<16xf32>
      %eq3A_104 = arith.constant 15 : i32
      %eq3A_105 = vector.broadcast %eq3A_104 : i32 to vector<16xi32>
      %eq3A_106 = arith.cmpi eq, %iota3A, %eq3A_105 : vector<16xi32>
      tpu.vector_store_idx %arg11[%get3A_20], %add3A_103 masked %eq3A_106 : memref<20480xf32, #tpu.memory_space<vmem>>[vector<16xi32>], vector<16xf32>, vector<16xi1>
    }
    %scan3A_12 = arith.constant 320 : i32
    "tpu.region"() ({
      %run_scoped3A = tpu.sem_alloc : memref<!tpu.dma_semaphore, #tpu.memory_space<semaphore_mem>>
      %dma_start3A = tpu.memref_slice %arg5[%mul3A_2] : memref<163840xf32, #tpu.memory_space<hbm>> -> memref<5120xf32, #tpu.memory_space<hbm>>
      %dma_start3A_13 = tpu.memref_slice %arg5[%mul3A_2] : memref<163840xf32, #tpu.memory_space<hbm>> -> memref<5120xf32, #tpu.memory_space<hbm>>
      tpu.enqueue_dma source(%arg10 : memref<5120xf32, #tpu.memory_space<vmem>>) target(%dma_start3A_13 : memref<5120xf32, #tpu.memory_space<hbm>>) target_semaphore(%run_scoped3A : memref<!tpu.dma_semaphore, #tpu.memory_space<semaphore_mem>>)
      %dma_wait3A = tpu.memref_slice %arg5[%mul3A_2] : memref<163840xf32, #tpu.memory_space<hbm>> -> memref<5120xf32, #tpu.memory_space<hbm>>
      %dma_wait3A_14 = tpu.memref_slice %arg5[%mul3A_2] : memref<163840xf32, #tpu.memory_space<hbm>> -> memref<5120xf32, #tpu.memory_space<hbm>>
      tpu.wait_dma2 semaphore(%run_scoped3A : memref<!tpu.dma_semaphore, #tpu.memory_space<semaphore_mem>>) src(%arg10 : memref<5120xf32, #tpu.memory_space<vmem>>) dst(%dma_wait3A_14 : memref<5120xf32, #tpu.memory_space<hbm>>)
      tpu.yield
    }) : () -> ()
    "tpu.region"() ({
      %run_scoped3A = tpu.sem_alloc : memref<!tpu.dma_semaphore, #tpu.memory_space<semaphore_mem>>
      %dma_start3A = arith.constant 0 : i32
      %dma_start3A_13 = tpu.memref_slice %arg6[%add3A, %dma_start3A] : memref<32x20480xf32, #tpu.memory_space<hbm>> -> memref<1x20480xf32, #tpu.memory_space<hbm>>
      %dma_start3A_14 = tpu.memref_squeeze %dma_start3A_13 : memref<1x20480xf32, #tpu.memory_space<hbm>> -> memref<20480xf32, #tpu.memory_space<hbm>>
      %dma_start3A_15 = arith.constant 0 : i32
      %dma_start3A_16 = tpu.memref_slice %arg6[%add3A, %dma_start3A_15] : memref<32x20480xf32, #tpu.memory_space<hbm>> -> memref<1x20480xf32, #tpu.memory_space<hbm>>
      %dma_start3A_17 = tpu.memref_squeeze %dma_start3A_16 : memref<1x20480xf32, #tpu.memory_space<hbm>> -> memref<20480xf32, #tpu.memory_space<hbm>>
      tpu.enqueue_dma source(%arg11 : memref<20480xf32, #tpu.memory_space<vmem>>) target(%dma_start3A_17 : memref<20480xf32, #tpu.memory_space<hbm>>) target_semaphore(%run_scoped3A : memref<!tpu.dma_semaphore, #tpu.memory_space<semaphore_mem>>)
      %dma_wait3A = arith.constant 0 : i32
      %dma_wait3A_18 = tpu.memref_slice %arg6[%add3A, %dma_wait3A] : memref<32x20480xf32, #tpu.memory_space<hbm>> -> memref<1x20480xf32, #tpu.memory_space<hbm>>
      %dma_wait3A_19 = tpu.memref_squeeze %dma_wait3A_18 : memref<1x20480xf32, #tpu.memory_space<hbm>> -> memref<20480xf32, #tpu.memory_space<hbm>>
      %dma_wait3A_20 = arith.constant 0 : i32
      %dma_wait3A_21 = tpu.memref_slice %arg6[%add3A, %dma_wait3A_20] : memref<32x20480xf32, #tpu.memory_space<hbm>> -> memref<1x20480xf32, #tpu.memory_space<hbm>>
      %dma_wait3A_22 = tpu.memref_squeeze %dma_wait3A_21 : memref<1x20480xf32, #tpu.memory_space<hbm>> -> memref<20480xf32, #tpu.memory_space<hbm>>
      tpu.wait_dma2 semaphore(%run_scoped3A : memref<!tpu.dma_semaphore, #tpu.memory_space<semaphore_mem>>) src(%arg11 : memref<20480xf32, #tpu.memory_space<vmem>>) dst(%dma_wait3A_22 : memref<20480xf32, #tpu.memory_space<hbm>>)
      tpu.yield
    }) : () -> ()
    return
  }
}

#map = affine_map<(d0, d1) -> (0, 0)>
#map1 = affine_map<(d0, d1) -> (0)>
module attributes {stable_mosaic.version = 14 : i64} {
  func.func @_gather(%arg0: i32, %arg1: i32, %arg2: memref<20480x128xf32, #tpu.memory_space<hbm>>, %arg3: memref<20480x128xf32, #tpu.memory_space<hbm>>, %arg4: memref<81920xi32, #tpu.memory_space<hbm>>, %arg5: memref<81920xi32, #tpu.memory_space<hbm>>, %arg6: memref<81920x128xf32, #tpu.memory_space<hbm>>, %arg7: memref<81920x128xf32, #tpu.memory_space<hbm>>, %arg8: memref<2560xi32, #tpu.memory_space<vmem>>, %arg9: memref<2560xi32, #tpu.memory_space<vmem>>, %arg10: memref<128x128xf32, #tpu.memory_space<vmem>>, %arg11: memref<128x128xf32, #tpu.memory_space<vmem>>, %arg12: memref<128x128xf32, #tpu.memory_space<vmem>>, %arg13: memref<128x128xf32, #tpu.memory_space<vmem>>, %arg14: memref<!tpu.dma_semaphore, #tpu.memory_space<semaphore_mem>>, %arg15: memref<!tpu.dma_semaphore, #tpu.memory_space<semaphore_mem>>, %arg16: memref<!tpu.dma_semaphore, #tpu.memory_space<semaphore_mem>>, %arg17: memref<!tpu.dma_semaphore, #tpu.memory_space<semaphore_mem>>) attributes {dimension_semantics = [#tpu.dimension_semantics<core_parallel>, #tpu.dimension_semantics<subcore_parallel>], iteration_bounds = array<i64: 2, 16>, scalar_prefetch = 0 : i64, scratch_operands = 10 : i64, tpu.core_type = #tpu.core_type<sc_vector_subcore>, window_params = [{transform_indices = #map}, {transform_indices = #map}, {transform_indices = #map1}, {transform_indices = #map1}, {transform_indices = #map}, {transform_indices = #map}]} {
    %mul3A = arith.constant 2 : i32
    %mul3A_0 = arith.muli %arg1, %mul3A : i32
    %add3A = arith.addi %mul3A_0, %arg0 : i32
    %mul3A_1 = arith.constant 2560 : i32
    %mul3A_2 = arith.muli %add3A, %mul3A_1 : i32
    "tpu.region"() ({
      %run_scoped3A = tpu.sem_alloc : memref<!tpu.dma_semaphore, #tpu.memory_space<semaphore_mem>>
      %dma_start3A_27 = tpu.memref_slice %arg4[%mul3A_2] : memref<81920xi32, #tpu.memory_space<hbm>> -> memref<2560xi32, #tpu.memory_space<hbm>>
      %dma_start3A_28 = tpu.memref_slice %arg4[%mul3A_2] : memref<81920xi32, #tpu.memory_space<hbm>> -> memref<2560xi32, #tpu.memory_space<hbm>>
      tpu.enqueue_dma source(%dma_start3A_28 : memref<2560xi32, #tpu.memory_space<hbm>>) target(%arg8 : memref<2560xi32, #tpu.memory_space<vmem>>) target_semaphore(%run_scoped3A : memref<!tpu.dma_semaphore, #tpu.memory_space<semaphore_mem>>)
      %dma_wait3A_29 = tpu.memref_slice %arg4[%mul3A_2] : memref<81920xi32, #tpu.memory_space<hbm>> -> memref<2560xi32, #tpu.memory_space<hbm>>
      %dma_wait3A_30 = tpu.memref_slice %arg4[%mul3A_2] : memref<81920xi32, #tpu.memory_space<hbm>> -> memref<2560xi32, #tpu.memory_space<hbm>>
      tpu.wait_dma2 semaphore(%run_scoped3A : memref<!tpu.dma_semaphore, #tpu.memory_space<semaphore_mem>>) src(%dma_wait3A_30 : memref<2560xi32, #tpu.memory_space<hbm>>) dst(%arg8 : memref<2560xi32, #tpu.memory_space<vmem>>)
      tpu.yield
    }) : () -> ()
    "tpu.region"() ({
      %run_scoped3A = tpu.sem_alloc : memref<!tpu.dma_semaphore, #tpu.memory_space<semaphore_mem>>
      %dma_start3A_27 = tpu.memref_slice %arg5[%mul3A_2] : memref<81920xi32, #tpu.memory_space<hbm>> -> memref<2560xi32, #tpu.memory_space<hbm>>
      %dma_start3A_28 = tpu.memref_slice %arg5[%mul3A_2] : memref<81920xi32, #tpu.memory_space<hbm>> -> memref<2560xi32, #tpu.memory_space<hbm>>
      tpu.enqueue_dma source(%dma_start3A_28 : memref<2560xi32, #tpu.memory_space<hbm>>) target(%arg9 : memref<2560xi32, #tpu.memory_space<vmem>>) target_semaphore(%run_scoped3A : memref<!tpu.dma_semaphore, #tpu.memory_space<semaphore_mem>>)
      %dma_wait3A_29 = tpu.memref_slice %arg5[%mul3A_2] : memref<81920xi32, #tpu.memory_space<hbm>> -> memref<2560xi32, #tpu.memory_space<hbm>>
      %dma_wait3A_30 = tpu.memref_slice %arg5[%mul3A_2] : memref<81920xi32, #tpu.memory_space<hbm>> -> memref<2560xi32, #tpu.memory_space<hbm>>
      tpu.wait_dma2 semaphore(%run_scoped3A : memref<!tpu.dma_semaphore, #tpu.memory_space<semaphore_mem>>) src(%dma_wait3A_30 : memref<2560xi32, #tpu.memory_space<hbm>>) dst(%arg9 : memref<2560xi32, #tpu.memory_space<vmem>>)
      tpu.yield
    }) : () -> ()
    %dma_start3A = arith.constant 0 : i32
    %dma_start3A_3 = tpu.memref_slice %arg8[%dma_start3A] : memref<2560xi32, #tpu.memory_space<vmem>> -> memref<128xi32, #tpu.memory_space<vmem>>
    %dma_start3A_4 = arith.constant 0 : i32
    %dma_start3A_5 = arith.constant 0 : i32
    %dma_start3A_6 = tpu.memref_slice %arg2[%dma_start3A_4, %dma_start3A_5] : memref<20480x128xf32, #tpu.memory_space<hbm>> -> memref<20480x128xf32, #tpu.memory_space<hbm>>
    tpu.enqueue_indirect_dma source(%dma_start3A_6 : memref<20480x128xf32, #tpu.memory_space<hbm>>) target(%arg10 : memref<128x128xf32, #tpu.memory_space<vmem>>) offsets(%dma_start3A_3 : memref<128xi32, #tpu.memory_space<vmem>>) semaphore(%arg14 : memref<!tpu.dma_semaphore, #tpu.memory_space<semaphore_mem>>)
    %dma_start3A_7 = arith.constant 0 : i32
    %dma_start3A_8 = tpu.memref_slice %arg9[%dma_start3A_7] : memref<2560xi32, #tpu.memory_space<vmem>> -> memref<128xi32, #tpu.memory_space<vmem>>
    %dma_start3A_9 = arith.constant 0 : i32
    %dma_start3A_10 = arith.constant 0 : i32
    %dma_start3A_11 = tpu.memref_slice %arg3[%dma_start3A_9, %dma_start3A_10] : memref<20480x128xf32, #tpu.memory_space<hbm>> -> memref<20480x128xf32, #tpu.memory_space<hbm>>
    tpu.enqueue_indirect_dma source(%dma_start3A_11 : memref<20480x128xf32, #tpu.memory_space<hbm>>) target(%arg11 : memref<128x128xf32, #tpu.memory_space<vmem>>) offsets(%dma_start3A_8 : memref<128xi32, #tpu.memory_space<vmem>>) semaphore(%arg14 : memref<!tpu.dma_semaphore, #tpu.memory_space<semaphore_mem>>)
    %scan3A = arith.constant 0 : i32
    %scan3A_12 = arith.constant 10 : i32
    %scan3A_13 = arith.addi %scan3A, %scan3A_12 : i32
    %scan3A_14 = arith.constant 1 : i32
    scf.for %scan3A_27 = %scan3A to %scan3A_13 step %scan3A_14  : i32 {
      %mul3A_28 = arith.constant 1 : i32
      %mul3A_29 = arith.muli %scan3A_27, %mul3A_28 : i32
      %add3A_30 = arith.constant 0 : i32
      %add3A_31 = arith.addi %add3A_30, %mul3A_29 : i32
      %mul3A_32 = arith.constant 2 : i32
      %mul3A_33 = arith.muli %mul3A_32, %add3A_31 : i32
      %gt3A = arith.constant 0 : i32
      %gt3A_34 = arith.cmpi sgt, %add3A_31, %gt3A : i32
      %convert_element_type3A = arith.extui %gt3A_34 : i1 to i32
      %cond3A = arith.constant 0 : i32
      %cond3A_35 = arith.cmpi ne, %convert_element_type3A, %cond3A : i32
      scf.if %cond3A_35 {
        %dma_wait3A_114 = arith.constant 0 : i32
        %dma_wait3A_115 = arith.constant 0 : i32
        %dma_wait3A_116 = tpu.memref_slice %arg2[%dma_wait3A_114, %dma_wait3A_115] : memref<20480x128xf32, #tpu.memory_space<hbm>> -> memref<128x128xf32, #tpu.memory_space<hbm>>
        %dma_wait3A_117 = arith.constant 0 : i32
        %dma_wait3A_118 = arith.constant 0 : i32
        %dma_wait3A_119 = tpu.memref_slice %arg2[%dma_wait3A_117, %dma_wait3A_118] : memref<20480x128xf32, #tpu.memory_space<hbm>> -> memref<128x128xf32, #tpu.memory_space<hbm>>
        tpu.wait_dma2 semaphore(%arg17 : memref<!tpu.dma_semaphore, #tpu.memory_space<semaphore_mem>>) src(%dma_wait3A_119 : memref<128x128xf32, #tpu.memory_space<hbm>>) dst(%arg12 : memref<128x128xf32, #tpu.memory_space<vmem>>)
        %dma_wait3A_120 = arith.constant 0 : i32
        %dma_wait3A_121 = arith.constant 0 : i32
        %dma_wait3A_122 = tpu.memref_slice %arg3[%dma_wait3A_120, %dma_wait3A_121] : memref<20480x128xf32, #tpu.memory_space<hbm>> -> memref<128x128xf32, #tpu.memory_space<hbm>>
        %dma_wait3A_123 = arith.constant 0 : i32
        %dma_wait3A_124 = arith.constant 0 : i32
        %dma_wait3A_125 = tpu.memref_slice %arg3[%dma_wait3A_123, %dma_wait3A_124] : memref<20480x128xf32, #tpu.memory_space<hbm>> -> memref<128x128xf32, #tpu.memory_space<hbm>>
        tpu.wait_dma2 semaphore(%arg17 : memref<!tpu.dma_semaphore, #tpu.memory_space<semaphore_mem>>) src(%dma_wait3A_125 : memref<128x128xf32, #tpu.memory_space<hbm>>) dst(%arg13 : memref<128x128xf32, #tpu.memory_space<vmem>>)
      } else {
      }
      %add3A_36 = arith.constant 1 : i32
      %add3A_37 = arith.addi %mul3A_33, %add3A_36 : i32
      %mul3A_38 = arith.constant 128 : i32
      %mul3A_39 = arith.muli %add3A_37, %mul3A_38 : i32
      %dma_start3A_40 = tpu.memref_slice %arg8[%mul3A_39] : memref<2560xi32, #tpu.memory_space<vmem>> -> memref<128xi32, #tpu.memory_space<vmem>>
      %dma_start3A_41 = arith.constant 0 : i32
      %dma_start3A_42 = arith.constant 0 : i32
      %dma_start3A_43 = tpu.memref_slice %arg2[%dma_start3A_41, %dma_start3A_42] : memref<20480x128xf32, #tpu.memory_space<hbm>> -> memref<20480x128xf32, #tpu.memory_space<hbm>>
      tpu.enqueue_indirect_dma source(%dma_start3A_43 : memref<20480x128xf32, #tpu.memory_space<hbm>>) target(%arg12 : memref<128x128xf32, #tpu.memory_space<vmem>>) offsets(%dma_start3A_40 : memref<128xi32, #tpu.memory_space<vmem>>) semaphore(%arg15 : memref<!tpu.dma_semaphore, #tpu.memory_space<semaphore_mem>>)
      %mul3A_44 = arith.constant 128 : i32
      %mul3A_45 = arith.muli %add3A_37, %mul3A_44 : i32
      %dma_start3A_46 = tpu.memref_slice %arg9[%mul3A_45] : memref<2560xi32, #tpu.memory_space<vmem>> -> memref<128xi32, #tpu.memory_space<vmem>>
      %dma_start3A_47 = arith.constant 0 : i32
      %dma_start3A_48 = arith.constant 0 : i32
      %dma_start3A_49 = tpu.memref_slice %arg3[%dma_start3A_47, %dma_start3A_48] : memref<20480x128xf32, #tpu.memory_space<hbm>> -> memref<20480x128xf32, #tpu.memory_space<hbm>>
      tpu.enqueue_indirect_dma source(%dma_start3A_49 : memref<20480x128xf32, #tpu.memory_space<hbm>>) target(%arg13 : memref<128x128xf32, #tpu.memory_space<vmem>>) offsets(%dma_start3A_46 : memref<128xi32, #tpu.memory_space<vmem>>) semaphore(%arg15 : memref<!tpu.dma_semaphore, #tpu.memory_space<semaphore_mem>>)
      %dma_wait3A_50 = arith.constant 0 : i32
      %dma_wait3A_51 = arith.constant 0 : i32
      %dma_wait3A_52 = tpu.memref_slice %arg2[%dma_wait3A_50, %dma_wait3A_51] : memref<20480x128xf32, #tpu.memory_space<hbm>> -> memref<128x128xf32, #tpu.memory_space<hbm>>
      %dma_wait3A_53 = arith.constant 0 : i32
      %dma_wait3A_54 = arith.constant 0 : i32
      %dma_wait3A_55 = tpu.memref_slice %arg2[%dma_wait3A_53, %dma_wait3A_54] : memref<20480x128xf32, #tpu.memory_space<hbm>> -> memref<128x128xf32, #tpu.memory_space<hbm>>
      tpu.wait_dma2 semaphore(%arg14 : memref<!tpu.dma_semaphore, #tpu.memory_space<semaphore_mem>>) src(%dma_wait3A_55 : memref<128x128xf32, #tpu.memory_space<hbm>>) dst(%arg10 : memref<128x128xf32, #tpu.memory_space<vmem>>)
      %dma_wait3A_56 = arith.constant 0 : i32
      %dma_wait3A_57 = arith.constant 0 : i32
      %dma_wait3A_58 = tpu.memref_slice %arg3[%dma_wait3A_56, %dma_wait3A_57] : memref<20480x128xf32, #tpu.memory_space<hbm>> -> memref<128x128xf32, #tpu.memory_space<hbm>>
      %dma_wait3A_59 = arith.constant 0 : i32
      %dma_wait3A_60 = arith.constant 0 : i32
      %dma_wait3A_61 = tpu.memref_slice %arg3[%dma_wait3A_59, %dma_wait3A_60] : memref<20480x128xf32, #tpu.memory_space<hbm>> -> memref<128x128xf32, #tpu.memory_space<hbm>>
      tpu.wait_dma2 semaphore(%arg14 : memref<!tpu.dma_semaphore, #tpu.memory_space<semaphore_mem>>) src(%dma_wait3A_61 : memref<128x128xf32, #tpu.memory_space<hbm>>) dst(%arg11 : memref<128x128xf32, #tpu.memory_space<vmem>>)
      %mul3A_62 = arith.constant 128 : i32
      %mul3A_63 = arith.muli %mul3A_33, %mul3A_62 : i32
      %add3A_64 = arith.addi %mul3A_2, %mul3A_63 : i32
      %dma_start3A_65 = arith.constant 0 : i32
      %dma_start3A_66 = tpu.memref_slice %arg6[%add3A_64, %dma_start3A_65] : memref<81920x128xf32, #tpu.memory_space<hbm>> -> memref<128x128xf32, #tpu.memory_space<hbm>>
      %dma_start3A_67 = arith.constant 0 : i32
      %dma_start3A_68 = tpu.memref_slice %arg6[%add3A_64, %dma_start3A_67] : memref<81920x128xf32, #tpu.memory_space<hbm>> -> memref<128x128xf32, #tpu.memory_space<hbm>>
      tpu.enqueue_dma source(%arg10 : memref<128x128xf32, #tpu.memory_space<vmem>>) target(%dma_start3A_68 : memref<128x128xf32, #tpu.memory_space<hbm>>) target_semaphore(%arg16 : memref<!tpu.dma_semaphore, #tpu.memory_space<semaphore_mem>>)
      %dma_start3A_69 = arith.constant 0 : i32
      %dma_start3A_70 = tpu.memref_slice %arg7[%add3A_64, %dma_start3A_69] : memref<81920x128xf32, #tpu.memory_space<hbm>> -> memref<128x128xf32, #tpu.memory_space<hbm>>
      %dma_start3A_71 = arith.constant 0 : i32
      %dma_start3A_72 = tpu.memref_slice %arg7[%add3A_64, %dma_start3A_71] : memref<81920x128xf32, #tpu.memory_space<hbm>> -> memref<128x128xf32, #tpu.memory_space<hbm>>
      tpu.enqueue_dma source(%arg11 : memref<128x128xf32, #tpu.memory_space<vmem>>) target(%dma_start3A_72 : memref<128x128xf32, #tpu.memory_space<hbm>>) target_semaphore(%arg16 : memref<!tpu.dma_semaphore, #tpu.memory_space<semaphore_mem>>)
      %dma_wait3A_73 = arith.constant 0 : i32
      %dma_wait3A_74 = arith.constant 0 : i32
      %dma_wait3A_75 = tpu.memref_slice %arg2[%dma_wait3A_73, %dma_wait3A_74] : memref<20480x128xf32, #tpu.memory_space<hbm>> -> memref<128x128xf32, #tpu.memory_space<hbm>>
      %dma_wait3A_76 = arith.constant 0 : i32
      %dma_wait3A_77 = arith.constant 0 : i32
      %dma_wait3A_78 = tpu.memref_slice %arg2[%dma_wait3A_76, %dma_wait3A_77] : memref<20480x128xf32, #tpu.memory_space<hbm>> -> memref<128x128xf32, #tpu.memory_space<hbm>>
      tpu.wait_dma2 semaphore(%arg16 : memref<!tpu.dma_semaphore, #tpu.memory_space<semaphore_mem>>) src(%dma_wait3A_78 : memref<128x128xf32, #tpu.memory_space<hbm>>) dst(%arg10 : memref<128x128xf32, #tpu.memory_space<vmem>>)
      %dma_wait3A_79 = arith.constant 0 : i32
      %dma_wait3A_80 = arith.constant 0 : i32
      %dma_wait3A_81 = tpu.memref_slice %arg3[%dma_wait3A_79, %dma_wait3A_80] : memref<20480x128xf32, #tpu.memory_space<hbm>> -> memref<128x128xf32, #tpu.memory_space<hbm>>
      %dma_wait3A_82 = arith.constant 0 : i32
      %dma_wait3A_83 = arith.constant 0 : i32
      %dma_wait3A_84 = tpu.memref_slice %arg3[%dma_wait3A_82, %dma_wait3A_83] : memref<20480x128xf32, #tpu.memory_space<hbm>> -> memref<128x128xf32, #tpu.memory_space<hbm>>
      tpu.wait_dma2 semaphore(%arg16 : memref<!tpu.dma_semaphore, #tpu.memory_space<semaphore_mem>>) src(%dma_wait3A_84 : memref<128x128xf32, #tpu.memory_space<hbm>>) dst(%arg11 : memref<128x128xf32, #tpu.memory_space<vmem>>)
      %lt3A = arith.constant 9 : i32
      %lt3A_85 = arith.cmpi slt, %add3A_31, %lt3A : i32
      %convert_element_type3A_86 = arith.extui %lt3A_85 : i1 to i32
      %cond3A_87 = arith.constant 0 : i32
      %cond3A_88 = arith.cmpi ne, %convert_element_type3A_86, %cond3A_87 : i32
      scf.if %cond3A_88 {
        %add3A_114 = arith.constant 2 : i32
        %add3A_115 = arith.addi %mul3A_33, %add3A_114 : i32
        %mul3A_116 = arith.constant 128 : i32
        %mul3A_117 = arith.muli %add3A_115, %mul3A_116 : i32
        %dma_start3A_118 = tpu.memref_slice %arg8[%mul3A_117] : memref<2560xi32, #tpu.memory_space<vmem>> -> memref<128xi32, #tpu.memory_space<vmem>>
        %dma_start3A_119 = arith.constant 0 : i32
        %dma_start3A_120 = arith.constant 0 : i32
        %dma_start3A_121 = tpu.memref_slice %arg2[%dma_start3A_119, %dma_start3A_120] : memref<20480x128xf32, #tpu.memory_space<hbm>> -> memref<20480x128xf32, #tpu.memory_space<hbm>>
        tpu.enqueue_indirect_dma source(%dma_start3A_121 : memref<20480x128xf32, #tpu.memory_space<hbm>>) target(%arg10 : memref<128x128xf32, #tpu.memory_space<vmem>>) offsets(%dma_start3A_118 : memref<128xi32, #tpu.memory_space<vmem>>) semaphore(%arg14 : memref<!tpu.dma_semaphore, #tpu.memory_space<semaphore_mem>>)
        %mul3A_122 = arith.constant 128 : i32
        %mul3A_123 = arith.muli %add3A_115, %mul3A_122 : i32
        %dma_start3A_124 = tpu.memref_slice %arg9[%mul3A_123] : memref<2560xi32, #tpu.memory_space<vmem>> -> memref<128xi32, #tpu.memory_space<vmem>>
        %dma_start3A_125 = arith.constant 0 : i32
        %dma_start3A_126 = arith.constant 0 : i32
        %dma_start3A_127 = tpu.memref_slice %arg3[%dma_start3A_125, %dma_start3A_126] : memref<20480x128xf32, #tpu.memory_space<hbm>> -> memref<20480x128xf32, #tpu.memory_space<hbm>>
        tpu.enqueue_indirect_dma source(%dma_start3A_127 : memref<20480x128xf32, #tpu.memory_space<hbm>>) target(%arg11 : memref<128x128xf32, #tpu.memory_space<vmem>>) offsets(%dma_start3A_124 : memref<128xi32, #tpu.memory_space<vmem>>) semaphore(%arg14 : memref<!tpu.dma_semaphore, #tpu.memory_space<semaphore_mem>>)
      } else {
      }
      %dma_wait3A_89 = arith.constant 0 : i32
      %dma_wait3A_90 = arith.constant 0 : i32
      %dma_wait3A_91 = tpu.memref_slice %arg2[%dma_wait3A_89, %dma_wait3A_90] : memref<20480x128xf32, #tpu.memory_space<hbm>> -> memref<128x128xf32, #tpu.memory_space<hbm>>
      %dma_wait3A_92 = arith.constant 0 : i32
      %dma_wait3A_93 = arith.constant 0 : i32
      %dma_wait3A_94 = tpu.memref_slice %arg2[%dma_wait3A_92, %dma_wait3A_93] : memref<20480x128xf32, #tpu.memory_space<hbm>> -> memref<128x128xf32, #tpu.memory_space<hbm>>
      tpu.wait_dma2 semaphore(%arg15 : memref<!tpu.dma_semaphore, #tpu.memory_space<semaphore_mem>>) src(%dma_wait3A_94 : memref<128x128xf32, #tpu.memory_space<hbm>>) dst(%arg12 : memref<128x128xf32, #tpu.memory_space<vmem>>)
      %dma_wait3A_95 = arith.constant 0 : i32
      %dma_wait3A_96 = arith.constant 0 : i32
      %dma_wait3A_97 = tpu.memref_slice %arg3[%dma_wait3A_95, %dma_wait3A_96] : memref<20480x128xf32, #tpu.memory_space<hbm>> -> memref<128x128xf32, #tpu.memory_space<hbm>>
      %dma_wait3A_98 = arith.constant 0 : i32
      %dma_wait3A_99 = arith.constant 0 : i32
      %dma_wait3A_100 = tpu.memref_slice %arg3[%dma_wait3A_98, %dma_wait3A_99] : memref<20480x128xf32, #tpu.memory_space<hbm>> -> memref<128x128xf32, #tpu.memory_space<hbm>>
      tpu.wait_dma2 semaphore(%arg15 : memref<!tpu.dma_semaphore, #tpu.memory_space<semaphore_mem>>) src(%dma_wait3A_100 : memref<128x128xf32, #tpu.memory_space<hbm>>) dst(%arg13 : memref<128x128xf32, #tpu.memory_space<vmem>>)
      %add3A_101 = arith.constant 1 : i32
      %add3A_102 = arith.addi %mul3A_33, %add3A_101 : i32
      %mul3A_103 = arith.constant 128 : i32
      %mul3A_104 = arith.muli %add3A_102, %mul3A_103 : i32
      %add3A_105 = arith.addi %mul3A_2, %mul3A_104 : i32
      %dma_start3A_106 = arith.constant 0 : i32
      %dma_start3A_107 = tpu.memref_slice %arg6[%add3A_105, %dma_start3A_106] : memref<81920x128xf32, #tpu.memory_space<hbm>> -> memref<128x128xf32, #tpu.memory_space<hbm>>
      %dma_start3A_108 = arith.constant 0 : i32
      %dma_start3A_109 = tpu.memref_slice %arg6[%add3A_105, %dma_start3A_108] : memref<81920x128xf32, #tpu.memory_space<hbm>> -> memref<128x128xf32, #tpu.memory_space<hbm>>
      tpu.enqueue_dma source(%arg12 : memref<128x128xf32, #tpu.memory_space<vmem>>) target(%dma_start3A_109 : memref<128x128xf32, #tpu.memory_space<hbm>>) target_semaphore(%arg17 : memref<!tpu.dma_semaphore, #tpu.memory_space<semaphore_mem>>)
      %dma_start3A_110 = arith.constant 0 : i32
      %dma_start3A_111 = tpu.memref_slice %arg7[%add3A_105, %dma_start3A_110] : memref<81920x128xf32, #tpu.memory_space<hbm>> -> memref<128x128xf32, #tpu.memory_space<hbm>>
      %dma_start3A_112 = arith.constant 0 : i32
      %dma_start3A_113 = tpu.memref_slice %arg7[%add3A_105, %dma_start3A_112] : memref<81920x128xf32, #tpu.memory_space<hbm>> -> memref<128x128xf32, #tpu.memory_space<hbm>>
      tpu.enqueue_dma source(%arg13 : memref<128x128xf32, #tpu.memory_space<vmem>>) target(%dma_start3A_113 : memref<128x128xf32, #tpu.memory_space<hbm>>) target_semaphore(%arg17 : memref<!tpu.dma_semaphore, #tpu.memory_space<semaphore_mem>>)
    }
    %scan3A_15 = arith.constant 10 : i32
    %dma_wait3A = arith.constant 0 : i32
    %dma_wait3A_16 = arith.constant 0 : i32
    %dma_wait3A_17 = tpu.memref_slice %arg2[%dma_wait3A, %dma_wait3A_16] : memref<20480x128xf32, #tpu.memory_space<hbm>> -> memref<128x128xf32, #tpu.memory_space<hbm>>
    %dma_wait3A_18 = arith.constant 0 : i32
    %dma_wait3A_19 = arith.constant 0 : i32
    %dma_wait3A_20 = tpu.memref_slice %arg2[%dma_wait3A_18, %dma_wait3A_19] : memref<20480x128xf32, #tpu.memory_space<hbm>> -> memref<128x128xf32, #tpu.memory_space<hbm>>
    tpu.wait_dma2 semaphore(%arg17 : memref<!tpu.dma_semaphore, #tpu.memory_space<semaphore_mem>>) src(%dma_wait3A_20 : memref<128x128xf32, #tpu.memory_space<hbm>>) dst(%arg12 : memref<128x128xf32, #tpu.memory_space<vmem>>)
    %dma_wait3A_21 = arith.constant 0 : i32
    %dma_wait3A_22 = arith.constant 0 : i32
    %dma_wait3A_23 = tpu.memref_slice %arg3[%dma_wait3A_21, %dma_wait3A_22] : memref<20480x128xf32, #tpu.memory_space<hbm>> -> memref<128x128xf32, #tpu.memory_space<hbm>>
    %dma_wait3A_24 = arith.constant 0 : i32
    %dma_wait3A_25 = arith.constant 0 : i32
    %dma_wait3A_26 = tpu.memref_slice %arg3[%dma_wait3A_24, %dma_wait3A_25] : memref<20480x128xf32, #tpu.memory_space<hbm>> -> memref<128x128xf32, #tpu.memory_space<hbm>>
    tpu.wait_dma2 semaphore(%arg17 : memref<!tpu.dma_semaphore, #tpu.memory_space<semaphore_mem>>) src(%dma_wait3A_26 : memref<128x128xf32, #tpu.memory_space<hbm>>) dst(%arg13 : memref<128x128xf32, #tpu.memory_space<vmem>>)
    return
  }
}

#map = affine_map<(d0, d1) -> (0, 0)>
#map1 = affine_map<(d0, d1) -> (0)>
module attributes {stable_mosaic.version = 14 : i64} {
  func.func @_gather(%arg0: i32, %arg1: i32, %arg2: memref<20480x128xf32, #tpu.memory_space<hbm>>, %arg3: memref<20480x128xf32, #tpu.memory_space<hbm>>, %arg4: memref<81920xi32, #tpu.memory_space<hbm>>, %arg5: memref<81920xi32, #tpu.memory_space<hbm>>, %arg6: memref<81920x128xf32, #tpu.memory_space<hbm>>, %arg7: memref<81920x128xf32, #tpu.memory_space<hbm>>, %arg8: memref<2560xi32, #tpu.memory_space<vmem>>, %arg9: memref<2560xi32, #tpu.memory_space<vmem>>, %arg10: memref<128x128xf32, #tpu.memory_space<vmem>>, %arg11: memref<128x128xf32, #tpu.memory_space<vmem>>, %arg12: memref<128x128xf32, #tpu.memory_space<vmem>>, %arg13: memref<128x128xf32, #tpu.memory_space<vmem>>, %arg14: memref<!tpu.dma_semaphore, #tpu.memory_space<semaphore_mem>>, %arg15: memref<!tpu.dma_semaphore, #tpu.memory_space<semaphore_mem>>, %arg16: memref<!tpu.dma_semaphore, #tpu.memory_space<semaphore_mem>>, %arg17: memref<!tpu.dma_semaphore, #tpu.memory_space<semaphore_mem>>) attributes {dimension_semantics = [#tpu.dimension_semantics<core_parallel>, #tpu.dimension_semantics<subcore_parallel>], iteration_bounds = array<i64: 2, 16>, scalar_prefetch = 0 : i64, scratch_operands = 10 : i64, tpu.core_type = #tpu.core_type<sc_vector_subcore>, window_params = [{transform_indices = #map}, {transform_indices = #map}, {transform_indices = #map1}, {transform_indices = #map1}, {transform_indices = #map}, {transform_indices = #map}]} {
    %mul3A = arith.constant 2 : i32
    %mul3A_0 = arith.muli %arg1, %mul3A : i32
    %add3A = arith.addi %mul3A_0, %arg0 : i32
    %mul3A_1 = arith.constant 2560 : i32
    %mul3A_2 = arith.muli %add3A, %mul3A_1 : i32
    "tpu.region"() ({
      %run_scoped3A = tpu.sem_alloc : memref<!tpu.dma_semaphore, #tpu.memory_space<semaphore_mem>>
      %dma_start3A_27 = tpu.memref_slice %arg4[%mul3A_2] : memref<81920xi32, #tpu.memory_space<hbm>> -> memref<2560xi32, #tpu.memory_space<hbm>>
      %dma_start3A_28 = tpu.memref_slice %arg4[%mul3A_2] : memref<81920xi32, #tpu.memory_space<hbm>> -> memref<2560xi32, #tpu.memory_space<hbm>>
      tpu.enqueue_dma source(%dma_start3A_28 : memref<2560xi32, #tpu.memory_space<hbm>>) target(%arg8 : memref<2560xi32, #tpu.memory_space<vmem>>) target_semaphore(%run_scoped3A : memref<!tpu.dma_semaphore, #tpu.memory_space<semaphore_mem>>)
      %dma_wait3A_29 = tpu.memref_slice %arg4[%mul3A_2] : memref<81920xi32, #tpu.memory_space<hbm>> -> memref<2560xi32, #tpu.memory_space<hbm>>
      %dma_wait3A_30 = tpu.memref_slice %arg4[%mul3A_2] : memref<81920xi32, #tpu.memory_space<hbm>> -> memref<2560xi32, #tpu.memory_space<hbm>>
      tpu.wait_dma2 semaphore(%run_scoped3A : memref<!tpu.dma_semaphore, #tpu.memory_space<semaphore_mem>>) src(%dma_wait3A_30 : memref<2560xi32, #tpu.memory_space<hbm>>) dst(%arg8 : memref<2560xi32, #tpu.memory_space<vmem>>)
      tpu.yield
    }) : () -> ()
    "tpu.region"() ({
      %run_scoped3A = tpu.sem_alloc : memref<!tpu.dma_semaphore, #tpu.memory_space<semaphore_mem>>
      %dma_start3A_27 = tpu.memref_slice %arg5[%mul3A_2] : memref<81920xi32, #tpu.memory_space<hbm>> -> memref<2560xi32, #tpu.memory_space<hbm>>
      %dma_start3A_28 = tpu.memref_slice %arg5[%mul3A_2] : memref<81920xi32, #tpu.memory_space<hbm>> -> memref<2560xi32, #tpu.memory_space<hbm>>
      tpu.enqueue_dma source(%dma_start3A_28 : memref<2560xi32, #tpu.memory_space<hbm>>) target(%arg9 : memref<2560xi32, #tpu.memory_space<vmem>>) target_semaphore(%run_scoped3A : memref<!tpu.dma_semaphore, #tpu.memory_space<semaphore_mem>>)
      %dma_wait3A_29 = tpu.memref_slice %arg5[%mul3A_2] : memref<81920xi32, #tpu.memory_space<hbm>> -> memref<2560xi32, #tpu.memory_space<hbm>>
      %dma_wait3A_30 = tpu.memref_slice %arg5[%mul3A_2] : memref<81920xi32, #tpu.memory_space<hbm>> -> memref<2560xi32, #tpu.memory_space<hbm>>
      tpu.wait_dma2 semaphore(%run_scoped3A : memref<!tpu.dma_semaphore, #tpu.memory_space<semaphore_mem>>) src(%dma_wait3A_30 : memref<2560xi32, #tpu.memory_space<hbm>>) dst(%arg9 : memref<2560xi32, #tpu.memory_space<vmem>>)
      tpu.yield
    }) : () -> ()
    %dma_start3A = arith.constant 0 : i32
    %dma_start3A_3 = tpu.memref_slice %arg8[%dma_start3A] : memref<2560xi32, #tpu.memory_space<vmem>> -> memref<128xi32, #tpu.memory_space<vmem>>
    %dma_start3A_4 = arith.constant 0 : i32
    %dma_start3A_5 = arith.constant 0 : i32
    %dma_start3A_6 = tpu.memref_slice %arg2[%dma_start3A_4, %dma_start3A_5] : memref<20480x128xf32, #tpu.memory_space<hbm>> -> memref<20480x128xf32, #tpu.memory_space<hbm>>
    tpu.enqueue_indirect_dma source(%dma_start3A_6 : memref<20480x128xf32, #tpu.memory_space<hbm>>) target(%arg10 : memref<128x128xf32, #tpu.memory_space<vmem>>) offsets(%dma_start3A_3 : memref<128xi32, #tpu.memory_space<vmem>>) semaphore(%arg14 : memref<!tpu.dma_semaphore, #tpu.memory_space<semaphore_mem>>)
    %dma_start3A_7 = arith.constant 0 : i32
    %dma_start3A_8 = tpu.memref_slice %arg9[%dma_start3A_7] : memref<2560xi32, #tpu.memory_space<vmem>> -> memref<128xi32, #tpu.memory_space<vmem>>
    %dma_start3A_9 = arith.constant 0 : i32
    %dma_start3A_10 = arith.constant 0 : i32
    %dma_start3A_11 = tpu.memref_slice %arg3[%dma_start3A_9, %dma_start3A_10] : memref<20480x128xf32, #tpu.memory_space<hbm>> -> memref<20480x128xf32, #tpu.memory_space<hbm>>
    tpu.enqueue_indirect_dma source(%dma_start3A_11 : memref<20480x128xf32, #tpu.memory_space<hbm>>) target(%arg11 : memref<128x128xf32, #tpu.memory_space<vmem>>) offsets(%dma_start3A_8 : memref<128xi32, #tpu.memory_space<vmem>>) semaphore(%arg14 : memref<!tpu.dma_semaphore, #tpu.memory_space<semaphore_mem>>)
    %scan3A = arith.constant 0 : i32
    %scan3A_12 = arith.constant 10 : i32
    %scan3A_13 = arith.addi %scan3A, %scan3A_12 : i32
    %scan3A_14 = arith.constant 1 : i32
    scf.for %scan3A_27 = %scan3A to %scan3A_13 step %scan3A_14  : i32 {
      %mul3A_28 = arith.constant 1 : i32
      %mul3A_29 = arith.muli %scan3A_27, %mul3A_28 : i32
      %add3A_30 = arith.constant 0 : i32
      %add3A_31 = arith.addi %add3A_30, %mul3A_29 : i32
      %mul3A_32 = arith.constant 2 : i32
      %mul3A_33 = arith.muli %mul3A_32, %add3A_31 : i32
      %gt3A = arith.constant 0 : i32
      %gt3A_34 = arith.cmpi sgt, %add3A_31, %gt3A : i32
      %convert_element_type3A = arith.extui %gt3A_34 : i1 to i32
      %cond3A = arith.constant 0 : i32
      %cond3A_35 = arith.cmpi ne, %convert_element_type3A, %cond3A : i32
      scf.if %cond3A_35 {
        %dma_wait3A_114 = arith.constant 0 : i32
        %dma_wait3A_115 = arith.constant 0 : i32
        %dma_wait3A_116 = tpu.memref_slice %arg2[%dma_wait3A_114, %dma_wait3A_115] : memref<20480x128xf32, #tpu.memory_space<hbm>> -> memref<128x128xf32, #tpu.memory_space<hbm>>
        %dma_wait3A_117 = arith.constant 0 : i32
        %dma_wait3A_118 = arith.constant 0 : i32
        %dma_wait3A_119 = tpu.memref_slice %arg2[%dma_wait3A_117, %dma_wait3A_118] : memref<20480x128xf32, #tpu.memory_space<hbm>> -> memref<128x128xf32, #tpu.memory_space<hbm>>
        tpu.wait_dma2 semaphore(%arg17 : memref<!tpu.dma_semaphore, #tpu.memory_space<semaphore_mem>>) src(%dma_wait3A_119 : memref<128x128xf32, #tpu.memory_space<hbm>>) dst(%arg12 : memref<128x128xf32, #tpu.memory_space<vmem>>)
        %dma_wait3A_120 = arith.constant 0 : i32
        %dma_wait3A_121 = arith.constant 0 : i32
        %dma_wait3A_122 = tpu.memref_slice %arg3[%dma_wait3A_120, %dma_wait3A_121] : memref<20480x128xf32, #tpu.memory_space<hbm>> -> memref<128x128xf32, #tpu.memory_space<hbm>>
        %dma_wait3A_123 = arith.constant 0 : i32
        %dma_wait3A_124 = arith.constant 0 : i32
        %dma_wait3A_125 = tpu.memref_slice %arg3[%dma_wait3A_123, %dma_wait3A_124] : memref<20480x128xf32, #tpu.memory_space<hbm>> -> memref<128x128xf32, #tpu.memory_space<hbm>>
        tpu.wait_dma2 semaphore(%arg17 : memref<!tpu.dma_semaphore, #tpu.memory_space<semaphore_mem>>) src(%dma_wait3A_125 : memref<128x128xf32, #tpu.memory_space<hbm>>) dst(%arg13 : memref<128x128xf32, #tpu.memory_space<vmem>>)
      } else {
      }
      %add3A_36 = arith.constant 1 : i32
      %add3A_37 = arith.addi %mul3A_33, %add3A_36 : i32
      %mul3A_38 = arith.constant 128 : i32
      %mul3A_39 = arith.muli %add3A_37, %mul3A_38 : i32
      %dma_start3A_40 = tpu.memref_slice %arg8[%mul3A_39] : memref<2560xi32, #tpu.memory_space<vmem>> -> memref<128xi32, #tpu.memory_space<vmem>>
      %dma_start3A_41 = arith.constant 0 : i32
      %dma_start3A_42 = arith.constant 0 : i32
      %dma_start3A_43 = tpu.memref_slice %arg2[%dma_start3A_41, %dma_start3A_42] : memref<20480x128xf32, #tpu.memory_space<hbm>> -> memref<20480x128xf32, #tpu.memory_space<hbm>>
      tpu.enqueue_indirect_dma source(%dma_start3A_43 : memref<20480x128xf32, #tpu.memory_space<hbm>>) target(%arg12 : memref<128x128xf32, #tpu.memory_space<vmem>>) offsets(%dma_start3A_40 : memref<128xi32, #tpu.memory_space<vmem>>) semaphore(%arg15 : memref<!tpu.dma_semaphore, #tpu.memory_space<semaphore_mem>>)
      %mul3A_44 = arith.constant 128 : i32
      %mul3A_45 = arith.muli %add3A_37, %mul3A_44 : i32
      %dma_start3A_46 = tpu.memref_slice %arg9[%mul3A_45] : memref<2560xi32, #tpu.memory_space<vmem>> -> memref<128xi32, #tpu.memory_space<vmem>>
      %dma_start3A_47 = arith.constant 0 : i32
      %dma_start3A_48 = arith.constant 0 : i32
      %dma_start3A_49 = tpu.memref_slice %arg3[%dma_start3A_47, %dma_start3A_48] : memref<20480x128xf32, #tpu.memory_space<hbm>> -> memref<20480x128xf32, #tpu.memory_space<hbm>>
      tpu.enqueue_indirect_dma source(%dma_start3A_49 : memref<20480x128xf32, #tpu.memory_space<hbm>>) target(%arg13 : memref<128x128xf32, #tpu.memory_space<vmem>>) offsets(%dma_start3A_46 : memref<128xi32, #tpu.memory_space<vmem>>) semaphore(%arg15 : memref<!tpu.dma_semaphore, #tpu.memory_space<semaphore_mem>>)
      %dma_wait3A_50 = arith.constant 0 : i32
      %dma_wait3A_51 = arith.constant 0 : i32
      %dma_wait3A_52 = tpu.memref_slice %arg2[%dma_wait3A_50, %dma_wait3A_51] : memref<20480x128xf32, #tpu.memory_space<hbm>> -> memref<128x128xf32, #tpu.memory_space<hbm>>
      %dma_wait3A_53 = arith.constant 0 : i32
      %dma_wait3A_54 = arith.constant 0 : i32
      %dma_wait3A_55 = tpu.memref_slice %arg2[%dma_wait3A_53, %dma_wait3A_54] : memref<20480x128xf32, #tpu.memory_space<hbm>> -> memref<128x128xf32, #tpu.memory_space<hbm>>
      tpu.wait_dma2 semaphore(%arg14 : memref<!tpu.dma_semaphore, #tpu.memory_space<semaphore_mem>>) src(%dma_wait3A_55 : memref<128x128xf32, #tpu.memory_space<hbm>>) dst(%arg10 : memref<128x128xf32, #tpu.memory_space<vmem>>)
      %dma_wait3A_56 = arith.constant 0 : i32
      %dma_wait3A_57 = arith.constant 0 : i32
      %dma_wait3A_58 = tpu.memref_slice %arg3[%dma_wait3A_56, %dma_wait3A_57] : memref<20480x128xf32, #tpu.memory_space<hbm>> -> memref<128x128xf32, #tpu.memory_space<hbm>>
      %dma_wait3A_59 = arith.constant 0 : i32
      %dma_wait3A_60 = arith.constant 0 : i32
      %dma_wait3A_61 = tpu.memref_slice %arg3[%dma_wait3A_59, %dma_wait3A_60] : memref<20480x128xf32, #tpu.memory_space<hbm>> -> memref<128x128xf32, #tpu.memory_space<hbm>>
      tpu.wait_dma2 semaphore(%arg14 : memref<!tpu.dma_semaphore, #tpu.memory_space<semaphore_mem>>) src(%dma_wait3A_61 : memref<128x128xf32, #tpu.memory_space<hbm>>) dst(%arg11 : memref<128x128xf32, #tpu.memory_space<vmem>>)
      %mul3A_62 = arith.constant 128 : i32
      %mul3A_63 = arith.muli %mul3A_33, %mul3A_62 : i32
      %add3A_64 = arith.addi %mul3A_2, %mul3A_63 : i32
      %dma_start3A_65 = arith.constant 0 : i32
      %dma_start3A_66 = tpu.memref_slice %arg6[%add3A_64, %dma_start3A_65] : memref<81920x128xf32, #tpu.memory_space<hbm>> -> memref<128x128xf32, #tpu.memory_space<hbm>>
      %dma_start3A_67 = arith.constant 0 : i32
      %dma_start3A_68 = tpu.memref_slice %arg6[%add3A_64, %dma_start3A_67] : memref<81920x128xf32, #tpu.memory_space<hbm>> -> memref<128x128xf32, #tpu.memory_space<hbm>>
      tpu.enqueue_dma source(%arg10 : memref<128x128xf32, #tpu.memory_space<vmem>>) target(%dma_start3A_68 : memref<128x128xf32, #tpu.memory_space<hbm>>) target_semaphore(%arg16 : memref<!tpu.dma_semaphore, #tpu.memory_space<semaphore_mem>>)
      %dma_start3A_69 = arith.constant 0 : i32
      %dma_start3A_70 = tpu.memref_slice %arg7[%add3A_64, %dma_start3A_69] : memref<81920x128xf32, #tpu.memory_space<hbm>> -> memref<128x128xf32, #tpu.memory_space<hbm>>
      %dma_start3A_71 = arith.constant 0 : i32
      %dma_start3A_72 = tpu.memref_slice %arg7[%add3A_64, %dma_start3A_71] : memref<81920x128xf32, #tpu.memory_space<hbm>> -> memref<128x128xf32, #tpu.memory_space<hbm>>
      tpu.enqueue_dma source(%arg11 : memref<128x128xf32, #tpu.memory_space<vmem>>) target(%dma_start3A_72 : memref<128x128xf32, #tpu.memory_space<hbm>>) target_semaphore(%arg16 : memref<!tpu.dma_semaphore, #tpu.memory_space<semaphore_mem>>)
      %dma_wait3A_73 = arith.constant 0 : i32
      %dma_wait3A_74 = arith.constant 0 : i32
      %dma_wait3A_75 = tpu.memref_slice %arg2[%dma_wait3A_73, %dma_wait3A_74] : memref<20480x128xf32, #tpu.memory_space<hbm>> -> memref<128x128xf32, #tpu.memory_space<hbm>>
      %dma_wait3A_76 = arith.constant 0 : i32
      %dma_wait3A_77 = arith.constant 0 : i32
      %dma_wait3A_78 = tpu.memref_slice %arg2[%dma_wait3A_76, %dma_wait3A_77] : memref<20480x128xf32, #tpu.memory_space<hbm>> -> memref<128x128xf32, #tpu.memory_space<hbm>>
      tpu.wait_dma2 semaphore(%arg16 : memref<!tpu.dma_semaphore, #tpu.memory_space<semaphore_mem>>) src(%dma_wait3A_78 : memref<128x128xf32, #tpu.memory_space<hbm>>) dst(%arg10 : memref<128x128xf32, #tpu.memory_space<vmem>>)
      %dma_wait3A_79 = arith.constant 0 : i32
      %dma_wait3A_80 = arith.constant 0 : i32
      %dma_wait3A_81 = tpu.memref_slice %arg3[%dma_wait3A_79, %dma_wait3A_80] : memref<20480x128xf32, #tpu.memory_space<hbm>> -> memref<128x128xf32, #tpu.memory_space<hbm>>
      %dma_wait3A_82 = arith.constant 0 : i32
      %dma_wait3A_83 = arith.constant 0 : i32
      %dma_wait3A_84 = tpu.memref_slice %arg3[%dma_wait3A_82, %dma_wait3A_83] : memref<20480x128xf32, #tpu.memory_space<hbm>> -> memref<128x128xf32, #tpu.memory_space<hbm>>
      tpu.wait_dma2 semaphore(%arg16 : memref<!tpu.dma_semaphore, #tpu.memory_space<semaphore_mem>>) src(%dma_wait3A_84 : memref<128x128xf32, #tpu.memory_space<hbm>>) dst(%arg11 : memref<128x128xf32, #tpu.memory_space<vmem>>)
      %lt3A = arith.constant 9 : i32
      %lt3A_85 = arith.cmpi slt, %add3A_31, %lt3A : i32
      %convert_element_type3A_86 = arith.extui %lt3A_85 : i1 to i32
      %cond3A_87 = arith.constant 0 : i32
      %cond3A_88 = arith.cmpi ne, %convert_element_type3A_86, %cond3A_87 : i32
      scf.if %cond3A_88 {
        %add3A_114 = arith.constant 2 : i32
        %add3A_115 = arith.addi %mul3A_33, %add3A_114 : i32
        %mul3A_116 = arith.constant 128 : i32
        %mul3A_117 = arith.muli %add3A_115, %mul3A_116 : i32
        %dma_start3A_118 = tpu.memref_slice %arg8[%mul3A_117] : memref<2560xi32, #tpu.memory_space<vmem>> -> memref<128xi32, #tpu.memory_space<vmem>>
        %dma_start3A_119 = arith.constant 0 : i32
        %dma_start3A_120 = arith.constant 0 : i32
        %dma_start3A_121 = tpu.memref_slice %arg2[%dma_start3A_119, %dma_start3A_120] : memref<20480x128xf32, #tpu.memory_space<hbm>> -> memref<20480x128xf32, #tpu.memory_space<hbm>>
        tpu.enqueue_indirect_dma source(%dma_start3A_121 : memref<20480x128xf32, #tpu.memory_space<hbm>>) target(%arg10 : memref<128x128xf32, #tpu.memory_space<vmem>>) offsets(%dma_start3A_118 : memref<128xi32, #tpu.memory_space<vmem>>) semaphore(%arg14 : memref<!tpu.dma_semaphore, #tpu.memory_space<semaphore_mem>>)
        %mul3A_122 = arith.constant 128 : i32
        %mul3A_123 = arith.muli %add3A_115, %mul3A_122 : i32
        %dma_start3A_124 = tpu.memref_slice %arg9[%mul3A_123] : memref<2560xi32, #tpu.memory_space<vmem>> -> memref<128xi32, #tpu.memory_space<vmem>>
        %dma_start3A_125 = arith.constant 0 : i32
        %dma_start3A_126 = arith.constant 0 : i32
        %dma_start3A_127 = tpu.memref_slice %arg3[%dma_start3A_125, %dma_start3A_126] : memref<20480x128xf32, #tpu.memory_space<hbm>> -> memref<20480x128xf32, #tpu.memory_space<hbm>>
        tpu.enqueue_indirect_dma source(%dma_start3A_127 : memref<20480x128xf32, #tpu.memory_space<hbm>>) target(%arg11 : memref<128x128xf32, #tpu.memory_space<vmem>>) offsets(%dma_start3A_124 : memref<128xi32, #tpu.memory_space<vmem>>) semaphore(%arg14 : memref<!tpu.dma_semaphore, #tpu.memory_space<semaphore_mem>>)
      } else {
      }
      %dma_wait3A_89 = arith.constant 0 : i32
      %dma_wait3A_90 = arith.constant 0 : i32
      %dma_wait3A_91 = tpu.memref_slice %arg2[%dma_wait3A_89, %dma_wait3A_90] : memref<20480x128xf32, #tpu.memory_space<hbm>> -> memref<128x128xf32, #tpu.memory_space<hbm>>
      %dma_wait3A_92 = arith.constant 0 : i32
      %dma_wait3A_93 = arith.constant 0 : i32
      %dma_wait3A_94 = tpu.memref_slice %arg2[%dma_wait3A_92, %dma_wait3A_93] : memref<20480x128xf32, #tpu.memory_space<hbm>> -> memref<128x128xf32, #tpu.memory_space<hbm>>
      tpu.wait_dma2 semaphore(%arg15 : memref<!tpu.dma_semaphore, #tpu.memory_space<semaphore_mem>>) src(%dma_wait3A_94 : memref<128x128xf32, #tpu.memory_space<hbm>>) dst(%arg12 : memref<128x128xf32, #tpu.memory_space<vmem>>)
      %dma_wait3A_95 = arith.constant 0 : i32
      %dma_wait3A_96 = arith.constant 0 : i32
      %dma_wait3A_97 = tpu.memref_slice %arg3[%dma_wait3A_95, %dma_wait3A_96] : memref<20480x128xf32, #tpu.memory_space<hbm>> -> memref<128x128xf32, #tpu.memory_space<hbm>>
      %dma_wait3A_98 = arith.constant 0 : i32
      %dma_wait3A_99 = arith.constant 0 : i32
      %dma_wait3A_100 = tpu.memref_slice %arg3[%dma_wait3A_98, %dma_wait3A_99] : memref<20480x128xf32, #tpu.memory_space<hbm>> -> memref<128x128xf32, #tpu.memory_space<hbm>>
      tpu.wait_dma2 semaphore(%arg15 : memref<!tpu.dma_semaphore, #tpu.memory_space<semaphore_mem>>) src(%dma_wait3A_100 : memref<128x128xf32, #tpu.memory_space<hbm>>) dst(%arg13 : memref<128x128xf32, #tpu.memory_space<vmem>>)
      %add3A_101 = arith.constant 1 : i32
      %add3A_102 = arith.addi %mul3A_33, %add3A_101 : i32
      %mul3A_103 = arith.constant 128 : i32
      %mul3A_104 = arith.muli %add3A_102, %mul3A_103 : i32
      %add3A_105 = arith.addi %mul3A_2, %mul3A_104 : i32
      %dma_start3A_106 = arith.constant 0 : i32
      %dma_start3A_107 = tpu.memref_slice %arg6[%add3A_105, %dma_start3A_106] : memref<81920x128xf32, #tpu.memory_space<hbm>> -> memref<128x128xf32, #tpu.memory_space<hbm>>
      %dma_start3A_108 = arith.constant 0 : i32
      %dma_start3A_109 = tpu.memref_slice %arg6[%add3A_105, %dma_start3A_108] : memref<81920x128xf32, #tpu.memory_space<hbm>> -> memref<128x128xf32, #tpu.memory_space<hbm>>
      tpu.enqueue_dma source(%arg12 : memref<128x128xf32, #tpu.memory_space<vmem>>) target(%dma_start3A_109 : memref<128x128xf32, #tpu.memory_space<hbm>>) target_semaphore(%arg17 : memref<!tpu.dma_semaphore, #tpu.memory_space<semaphore_mem>>)
      %dma_start3A_110 = arith.constant 0 : i32
      %dma_start3A_111 = tpu.memref_slice %arg7[%add3A_105, %dma_start3A_110] : memref<81920x128xf32, #tpu.memory_space<hbm>> -> memref<128x128xf32, #tpu.memory_space<hbm>>
      %dma_start3A_112 = arith.constant 0 : i32
      %dma_start3A_113 = tpu.memref_slice %arg7[%add3A_105, %dma_start3A_112] : memref<81920x128xf32, #tpu.memory_space<hbm>> -> memref<128x128xf32, #tpu.memory_space<hbm>>
      tpu.enqueue_dma source(%arg13 : memref<128x128xf32, #tpu.memory_space<vmem>>) target(%dma_start3A_113 : memref<128x128xf32, #tpu.memory_space<hbm>>) target_semaphore(%arg17 : memref<!tpu.dma_semaphore, #tpu.memory_space<semaphore_mem>>)
    }
    %scan3A_15 = arith.constant 10 : i32
    %dma_wait3A = arith.constant 0 : i32
    %dma_wait3A_16 = arith.constant 0 : i32
    %dma_wait3A_17 = tpu.memref_slice %arg2[%dma_wait3A, %dma_wait3A_16] : memref<20480x128xf32, #tpu.memory_space<hbm>> -> memref<128x128xf32, #tpu.memory_space<hbm>>
    %dma_wait3A_18 = arith.constant 0 : i32
    %dma_wait3A_19 = arith.constant 0 : i32
    %dma_wait3A_20 = tpu.memref_slice %arg2[%dma_wait3A_18, %dma_wait3A_19] : memref<20480x128xf32, #tpu.memory_space<hbm>> -> memref<128x128xf32, #tpu.memory_space<hbm>>
    tpu.wait_dma2 semaphore(%arg17 : memref<!tpu.dma_semaphore, #tpu.memory_space<semaphore_mem>>) src(%dma_wait3A_20 : memref<128x128xf32, #tpu.memory_space<hbm>>) dst(%arg12 : memref<128x128xf32, #tpu.memory_space<vmem>>)
    %dma_wait3A_21 = arith.constant 0 : i32
    %dma_wait3A_22 = arith.constant 0 : i32
    %dma_wait3A_23 = tpu.memref_slice %arg3[%dma_wait3A_21, %dma_wait3A_22] : memref<20480x128xf32, #tpu.memory_space<hbm>> -> memref<128x128xf32, #tpu.memory_space<hbm>>
    %dma_wait3A_24 = arith.constant 0 : i32
    %dma_wait3A_25 = arith.constant 0 : i32
    %dma_wait3A_26 = tpu.memref_slice %arg3[%dma_wait3A_24, %dma_wait3A_25] : memref<20480x128xf32, #tpu.memory_space<hbm>> -> memref<128x128xf32, #tpu.memory_space<hbm>>
    tpu.wait_dma2 semaphore(%arg17 : memref<!tpu.dma_semaphore, #tpu.memory_space<semaphore_mem>>) src(%dma_wait3A_26 : memref<128x128xf32, #tpu.memory_space<hbm>>) dst(%arg13 : memref<128x128xf32, #tpu.memory_space<vmem>>)
    return
  }
}

#map = affine_map<(d0, d1) -> (0)>
#map1 = affine_map<(d0, d1) -> (0, 0)>
module attributes {stable_mosaic.version = 14 : i64} {
  func.func @_sc_scatter_vj(%arg0: i32, %arg1: i32, %arg2: memref<163840xf32, #tpu.memory_space<hbm>>, %arg3: memref<163840xf32, #tpu.memory_space<hbm>>, %arg4: memref<163840xi32, #tpu.memory_space<hbm>>, %arg5: memref<163840xi32, #tpu.memory_space<hbm>>, %arg6: memref<20480xf32, #tpu.memory_space<hbm>>, %arg7: memref<32x20480xf32, #tpu.memory_space<hbm>>, %arg8: memref<32x20480xf32, #tpu.memory_space<hbm>>, %arg9: memref<20480xf32, #tpu.memory_space<vmem>>, %arg10: memref<5120xf32, #tpu.memory_space<vmem>>, %arg11: memref<5120xf32, #tpu.memory_space<vmem>>, %arg12: memref<5120xi32, #tpu.memory_space<vmem>>, %arg13: memref<5120xi32, #tpu.memory_space<vmem>>, %arg14: memref<20480xf32, #tpu.memory_space<vmem>>, %arg15: memref<20480xf32, #tpu.memory_space<vmem>>) attributes {dimension_semantics = [#tpu.dimension_semantics<core_parallel>, #tpu.dimension_semantics<subcore_parallel>], iteration_bounds = array<i64: 2, 16>, scalar_prefetch = 0 : i64, scratch_operands = 7 : i64, tpu.core_type = #tpu.core_type<sc_vector_subcore>, window_params = [{transform_indices = #map}, {transform_indices = #map}, {transform_indices = #map}, {transform_indices = #map}, {transform_indices = #map}, {transform_indices = #map1}, {transform_indices = #map1}]} {
    %mul3A = arith.constant 2 : i32
    %mul3A_0 = arith.muli %arg1, %mul3A : i32
    %add3A = arith.addi %mul3A_0, %arg0 : i32
    %mul3A_1 = arith.constant 5120 : i32
    %mul3A_2 = arith.muli %add3A, %mul3A_1 : i32
    "tpu.region"() ({
      %run_scoped3A = tpu.sem_alloc : memref<!tpu.dma_semaphore, #tpu.memory_space<semaphore_mem>>
      tpu.enqueue_dma source(%arg6 : memref<20480xf32, #tpu.memory_space<hbm>>) target(%arg9 : memref<20480xf32, #tpu.memory_space<vmem>>) target_semaphore(%run_scoped3A : memref<!tpu.dma_semaphore, #tpu.memory_space<semaphore_mem>>)
      tpu.wait_dma2 semaphore(%run_scoped3A : memref<!tpu.dma_semaphore, #tpu.memory_space<semaphore_mem>>) src(%arg6 : memref<20480xf32, #tpu.memory_space<hbm>>) dst(%arg9 : memref<20480xf32, #tpu.memory_space<vmem>>)
      tpu.yield
    }) : () -> ()
    %broadcast_in_dim3A = arith.constant 0.000000e+00 : f32
    %broadcast_in_dim3A_3 = vector.broadcast %broadcast_in_dim3A : f32 to vector<16xf32>
    %scan3A = arith.constant 0 : i32
    %scan3A_4 = arith.constant 1280 : i32
    %scan3A_5 = arith.addi %scan3A, %scan3A_4 : i32
    %scan3A_6 = arith.constant 1 : i32
    scf.for %scan3A_20 = %scan3A to %scan3A_5 step %scan3A_6  : i32 {
      %mul3A_21 = arith.constant 1 : i32
      %mul3A_22 = arith.muli %scan3A_20, %mul3A_21 : i32
      %add3A_23 = arith.constant 0 : i32
      %add3A_24 = arith.addi %add3A_23, %mul3A_22 : i32
      %mul3A_25 = arith.constant 16 : i32
      %mul3A_26 = arith.muli %add3A_24, %mul3A_25 : i32
      %swap3A = arith.index_cast %mul3A_26 : i32 to index
      %swap3A_27 = tpu.vector_load %arg14[%swap3A] {strides = array<i32>} : memref<20480xf32, #tpu.memory_space<vmem>>, vector<16xf32>,
      tpu.vector_store %arg14[%swap3A], %broadcast_in_dim3A_3 {strides = array<i32>} : memref<20480xf32, #tpu.memory_space<vmem>>, vector<16xf32>,
    }
    %scan3A_7 = arith.constant 1280 : i32
    %broadcast_in_dim3A_8 = arith.constant 0.000000e+00 : f32
    %broadcast_in_dim3A_9 = vector.broadcast %broadcast_in_dim3A_8 : f32 to vector<16xf32>
    %scan3A_10 = arith.constant 0 : i32
    %scan3A_11 = arith.constant 1280 : i32
    %scan3A_12 = arith.addi %scan3A_10, %scan3A_11 : i32
    %scan3A_13 = arith.constant 1 : i32
    scf.for %scan3A_20 = %scan3A_10 to %scan3A_12 step %scan3A_13  : i32 {
      %mul3A_21 = arith.constant 1 : i32
      %mul3A_22 = arith.muli %scan3A_20, %mul3A_21 : i32
      %add3A_23 = arith.constant 0 : i32
      %add3A_24 = arith.addi %add3A_23, %mul3A_22 : i32
      %mul3A_25 = arith.constant 16 : i32
      %mul3A_26 = arith.muli %add3A_24, %mul3A_25 : i32
      %swap3A = arith.index_cast %mul3A_26 : i32 to index
      %swap3A_27 = tpu.vector_load %arg15[%swap3A] {strides = array<i32>} : memref<20480xf32, #tpu.memory_space<vmem>>, vector<16xf32>,
      tpu.vector_store %arg15[%swap3A], %broadcast_in_dim3A_9 {strides = array<i32>} : memref<20480xf32, #tpu.memory_space<vmem>>, vector<16xf32>,
    }
    %scan3A_14 = arith.constant 1280 : i32
    "tpu.region"() ({
      %run_scoped3A = tpu.sem_alloc : memref<!tpu.dma_semaphore, #tpu.memory_space<semaphore_mem>>
      %dma_start3A = tpu.memref_slice %arg2[%mul3A_2] : memref<163840xf32, #tpu.memory_space<hbm>> -> memref<5120xf32, #tpu.memory_space<hbm>>
      %dma_start3A_20 = tpu.memref_slice %arg2[%mul3A_2] : memref<163840xf32, #tpu.memory_space<hbm>> -> memref<5120xf32, #tpu.memory_space<hbm>>
      tpu.enqueue_dma source(%dma_start3A_20 : memref<5120xf32, #tpu.memory_space<hbm>>) target(%arg10 : memref<5120xf32, #tpu.memory_space<vmem>>) target_semaphore(%run_scoped3A : memref<!tpu.dma_semaphore, #tpu.memory_space<semaphore_mem>>)
      %dma_wait3A = tpu.memref_slice %arg2[%mul3A_2] : memref<163840xf32, #tpu.memory_space<hbm>> -> memref<5120xf32, #tpu.memory_space<hbm>>
      %dma_wait3A_21 = tpu.memref_slice %arg2[%mul3A_2] : memref<163840xf32, #tpu.memory_space<hbm>> -> memref<5120xf32, #tpu.memory_space<hbm>>
      tpu.wait_dma2 semaphore(%run_scoped3A : memref<!tpu.dma_semaphore, #tpu.memory_space<semaphore_mem>>) src(%dma_wait3A_21 : memref<5120xf32, #tpu.memory_space<hbm>>) dst(%arg10 : memref<5120xf32, #tpu.memory_space<vmem>>)
      tpu.yield
    }) : () -> ()
    "tpu.region"() ({
      %run_scoped3A = tpu.sem_alloc : memref<!tpu.dma_semaphore, #tpu.memory_space<semaphore_mem>>
      %dma_start3A = tpu.memref_slice %arg3[%mul3A_2] : memref<163840xf32, #tpu.memory_space<hbm>> -> memref<5120xf32, #tpu.memory_space<hbm>>
      %dma_start3A_20 = tpu.memref_slice %arg3[%mul3A_2] : memref<163840xf32, #tpu.memory_space<hbm>> -> memref<5120xf32, #tpu.memory_space<hbm>>
      tpu.enqueue_dma source(%dma_start3A_20 : memref<5120xf32, #tpu.memory_space<hbm>>) target(%arg11 : memref<5120xf32, #tpu.memory_space<vmem>>) target_semaphore(%run_scoped3A : memref<!tpu.dma_semaphore, #tpu.memory_space<semaphore_mem>>)
      %dma_wait3A = tpu.memref_slice %arg3[%mul3A_2] : memref<163840xf32, #tpu.memory_space<hbm>> -> memref<5120xf32, #tpu.memory_space<hbm>>
      %dma_wait3A_21 = tpu.memref_slice %arg3[%mul3A_2] : memref<163840xf32, #tpu.memory_space<hbm>> -> memref<5120xf32, #tpu.memory_space<hbm>>
      tpu.wait_dma2 semaphore(%run_scoped3A : memref<!tpu.dma_semaphore, #tpu.memory_space<semaphore_mem>>) src(%dma_wait3A_21 : memref<5120xf32, #tpu.memory_space<hbm>>) dst(%arg11 : memref<5120xf32, #tpu.memory_space<vmem>>)
      tpu.yield
    }) : () -> ()
    "tpu.region"() ({
      %run_scoped3A = tpu.sem_alloc : memref<!tpu.dma_semaphore, #tpu.memory_space<semaphore_mem>>
      %dma_start3A = tpu.memref_slice %arg4[%mul3A_2] : memref<163840xi32, #tpu.memory_space<hbm>> -> memref<5120xi32, #tpu.memory_space<hbm>>
      %dma_start3A_20 = tpu.memref_slice %arg4[%mul3A_2] : memref<163840xi32, #tpu.memory_space<hbm>> -> memref<5120xi32, #tpu.memory_space<hbm>>
      tpu.enqueue_dma source(%dma_start3A_20 : memref<5120xi32, #tpu.memory_space<hbm>>) target(%arg12 : memref<5120xi32, #tpu.memory_space<vmem>>) target_semaphore(%run_scoped3A : memref<!tpu.dma_semaphore, #tpu.memory_space<semaphore_mem>>)
      %dma_wait3A = tpu.memref_slice %arg4[%mul3A_2] : memref<163840xi32, #tpu.memory_space<hbm>> -> memref<5120xi32, #tpu.memory_space<hbm>>
      %dma_wait3A_21 = tpu.memref_slice %arg4[%mul3A_2] : memref<163840xi32, #tpu.memory_space<hbm>> -> memref<5120xi32, #tpu.memory_space<hbm>>
      tpu.wait_dma2 semaphore(%run_scoped3A : memref<!tpu.dma_semaphore, #tpu.memory_space<semaphore_mem>>) src(%dma_wait3A_21 : memref<5120xi32, #tpu.memory_space<hbm>>) dst(%arg12 : memref<5120xi32, #tpu.memory_space<vmem>>)
      tpu.yield
    }) : () -> ()
    "tpu.region"() ({
      %run_scoped3A = tpu.sem_alloc : memref<!tpu.dma_semaphore, #tpu.memory_space<semaphore_mem>>
      %dma_start3A = tpu.memref_slice %arg5[%mul3A_2] : memref<163840xi32, #tpu.memory_space<hbm>> -> memref<5120xi32, #tpu.memory_space<hbm>>
      %dma_start3A_20 = tpu.memref_slice %arg5[%mul3A_2] : memref<163840xi32, #tpu.memory_space<hbm>> -> memref<5120xi32, #tpu.memory_space<hbm>>
      tpu.enqueue_dma source(%dma_start3A_20 : memref<5120xi32, #tpu.memory_space<hbm>>) target(%arg13 : memref<5120xi32, #tpu.memory_space<vmem>>) target_semaphore(%run_scoped3A : memref<!tpu.dma_semaphore, #tpu.memory_space<semaphore_mem>>)
      %dma_wait3A = tpu.memref_slice %arg5[%mul3A_2] : memref<163840xi32, #tpu.memory_space<hbm>> -> memref<5120xi32, #tpu.memory_space<hbm>>
      %dma_wait3A_21 = tpu.memref_slice %arg5[%mul3A_2] : memref<163840xi32, #tpu.memory_space<hbm>> -> memref<5120xi32, #tpu.memory_space<hbm>>
      tpu.wait_dma2 semaphore(%run_scoped3A : memref<!tpu.dma_semaphore, #tpu.memory_space<semaphore_mem>>) src(%dma_wait3A_21 : memref<5120xi32, #tpu.memory_space<hbm>>) dst(%arg13 : memref<5120xi32, #tpu.memory_space<vmem>>)
      tpu.yield
    }) : () -> ()
    %scan3A_15 = arith.constant 0 : i32
    %scan3A_16 = arith.constant 320 : i32
    %scan3A_17 = arith.addi %scan3A_15, %scan3A_16 : i32
    %scan3A_18 = arith.constant 1 : i32
    scf.for %scan3A_20 = %scan3A_15 to %scan3A_17 step %scan3A_18  : i32 {
      %mul3A_21 = arith.constant 1 : i32
      %mul3A_22 = arith.muli %scan3A_20, %mul3A_21 : i32
      %add3A_23 = arith.constant 0 : i32
      %add3A_24 = arith.addi %add3A_23, %mul3A_22 : i32
      %mul3A_25 = arith.constant 16 : i32
      %mul3A_26 = arith.muli %add3A_24, %mul3A_25 : i32
      %get3A = arith.index_cast %mul3A_26 : i32 to index
      %get3A_27 = tpu.vector_load %arg12[%get3A] {strides = array<i32>} : memref<5120xi32, #tpu.memory_space<vmem>>, vector<16xi32>,
      %mul3A_28 = arith.constant 16 : i32
      %mul3A_29 = arith.muli %add3A_24, %mul3A_28 : i32
      %get3A_30 = arith.index_cast %mul3A_29 : i32 to index
      %get3A_31 = tpu.vector_load %arg13[%get3A_30] {strides = array<i32>} : memref<5120xi32, #tpu.memory_space<vmem>>, vector<16xi32>,
      %mul3A_32 = arith.constant 16 : i32
      %mul3A_33 = arith.muli %add3A_24, %mul3A_32 : i32
      %get3A_34 = arith.index_cast %mul3A_33 : i32 to index
      %get3A_35 = tpu.vector_load %arg10[%get3A_34] {strides = array<i32>} : memref<5120xf32, #tpu.memory_space<vmem>>, vector<16xf32>,
      %mul3A_36 = arith.constant 16 : i32
      %mul3A_37 = arith.muli %add3A_24, %mul3A_36 : i32
      %get3A_38 = arith.index_cast %mul3A_37 : i32 to index
      %get3A_39 = tpu.vector_load %arg11[%get3A_38] {strides = array<i32>} : memref<5120xf32, #tpu.memory_space<vmem>>, vector<16xf32>,
      %gather3A = tpu.vector_load_idx %arg9[%get3A_27] : memref<20480xf32, #tpu.memory_space<vmem>>[vector<16xi32>], vector<16xf32>,
      %add3A_40 = arith.constant 9.99999968E-21 : f32
      %add3A_41 = vector.broadcast %add3A_40 : f32 to vector<16xf32>
      %add3A_42 = arith.addf %gather3A, %add3A_41 : vector<16xf32>
      %div3A = arith.divf %get3A_35, %add3A_42 : vector<16xf32>
      %mul3A_43 = arith.mulf %div3A, %get3A_39 : vector<16xf32>
      %iota3A = tpu.iota {dimensions = array<i32: 0>} : vector<16xi32>
      %gather3A_44 = tpu.vector_load_idx %arg14[%get3A_31] : memref<20480xf32, #tpu.memory_space<vmem>>[vector<16xi32>], vector<16xf32>,
      %add3A_45 = arith.addf %gather3A_44, %div3A : vector<16xf32>
      %eq3A = arith.constant 0 : i32
      %eq3A_46 = vector.broadcast %eq3A : i32 to vector<16xi32>
      %eq3A_47 = arith.cmpi eq, %iota3A, %eq3A_46 : vector<16xi32>
      tpu.vector_store_idx %arg14[%get3A_31], %add3A_45 masked %eq3A_47 : memref<20480xf32, #tpu.memory_space<vmem>>[vector<16xi32>], vector<16xf32>, vector<16xi1>
      %gather3A_48 = tpu.vector_load_idx %arg14[%get3A_31] : memref<20480xf32, #tpu.memory_space<vmem>>[vector<16xi32>], vector<16xf32>,
      %add3A_49 = arith.addf %gather3A_48, %div3A : vector<16xf32>
      %eq3A_50 = arith.constant 1 : i32
      %eq3A_51 = vector.broadcast %eq3A_50 : i32 to vector<16xi32>
      %eq3A_52 = arith.cmpi eq, %iota3A, %eq3A_51 : vector<16xi32>
      tpu.vector_store_idx %arg14[%get3A_31], %add3A_49 masked %eq3A_52 : memref<20480xf32, #tpu.memory_space<vmem>>[vector<16xi32>], vector<16xf32>, vector<16xi1>
      %gather3A_53 = tpu.vector_load_idx %arg14[%get3A_31] : memref<20480xf32, #tpu.memory_space<vmem>>[vector<16xi32>], vector<16xf32>,
      %add3A_54 = arith.addf %gather3A_53, %div3A : vector<16xf32>
      %eq3A_55 = arith.constant 2 : i32
      %eq3A_56 = vector.broadcast %eq3A_55 : i32 to vector<16xi32>
      %eq3A_57 = arith.cmpi eq, %iota3A, %eq3A_56 : vector<16xi32>
      tpu.vector_store_idx %arg14[%get3A_31], %add3A_54 masked %eq3A_57 : memref<20480xf32, #tpu.memory_space<vmem>>[vector<16xi32>], vector<16xf32>, vector<16xi1>
      %gather3A_58 = tpu.vector_load_idx %arg14[%get3A_31] : memref<20480xf32, #tpu.memory_space<vmem>>[vector<16xi32>], vector<16xf32>,
      %add3A_59 = arith.addf %gather3A_58, %div3A : vector<16xf32>
      %eq3A_60 = arith.constant 3 : i32
      %eq3A_61 = vector.broadcast %eq3A_60 : i32 to vector<16xi32>
      %eq3A_62 = arith.cmpi eq, %iota3A, %eq3A_61 : vector<16xi32>
      tpu.vector_store_idx %arg14[%get3A_31], %add3A_59 masked %eq3A_62 : memref<20480xf32, #tpu.memory_space<vmem>>[vector<16xi32>], vector<16xf32>, vector<16xi1>
      %gather3A_63 = tpu.vector_load_idx %arg14[%get3A_31] : memref<20480xf32, #tpu.memory_space<vmem>>[vector<16xi32>], vector<16xf32>,
      %add3A_64 = arith.addf %gather3A_63, %div3A : vector<16xf32>
      %eq3A_65 = arith.constant 4 : i32
      %eq3A_66 = vector.broadcast %eq3A_65 : i32 to vector<16xi32>
      %eq3A_67 = arith.cmpi eq, %iota3A, %eq3A_66 : vector<16xi32>
      tpu.vector_store_idx %arg14[%get3A_31], %add3A_64 masked %eq3A_67 : memref<20480xf32, #tpu.memory_space<vmem>>[vector<16xi32>], vector<16xf32>, vector<16xi1>
      %gather3A_68 = tpu.vector_load_idx %arg14[%get3A_31] : memref<20480xf32, #tpu.memory_space<vmem>>[vector<16xi32>], vector<16xf32>,
      %add3A_69 = arith.addf %gather3A_68, %div3A : vector<16xf32>
      %eq3A_70 = arith.constant 5 : i32
      %eq3A_71 = vector.broadcast %eq3A_70 : i32 to vector<16xi32>
      %eq3A_72 = arith.cmpi eq, %iota3A, %eq3A_71 : vector<16xi32>
      tpu.vector_store_idx %arg14[%get3A_31], %add3A_69 masked %eq3A_72 : memref<20480xf32, #tpu.memory_space<vmem>>[vector<16xi32>], vector<16xf32>, vector<16xi1>
      %gather3A_73 = tpu.vector_load_idx %arg14[%get3A_31] : memref<20480xf32, #tpu.memory_space<vmem>>[vector<16xi32>], vector<16xf32>,
      %add3A_74 = arith.addf %gather3A_73, %div3A : vector<16xf32>
      %eq3A_75 = arith.constant 6 : i32
      %eq3A_76 = vector.broadcast %eq3A_75 : i32 to vector<16xi32>
      %eq3A_77 = arith.cmpi eq, %iota3A, %eq3A_76 : vector<16xi32>
      tpu.vector_store_idx %arg14[%get3A_31], %add3A_74 masked %eq3A_77 : memref<20480xf32, #tpu.memory_space<vmem>>[vector<16xi32>], vector<16xf32>, vector<16xi1>
      %gather3A_78 = tpu.vector_load_idx %arg14[%get3A_31] : memref<20480xf32, #tpu.memory_space<vmem>>[vector<16xi32>], vector<16xf32>,
      %add3A_79 = arith.addf %gather3A_78, %div3A : vector<16xf32>
      %eq3A_80 = arith.constant 7 : i32
      %eq3A_81 = vector.broadcast %eq3A_80 : i32 to vector<16xi32>
      %eq3A_82 = arith.cmpi eq, %iota3A, %eq3A_81 : vector<16xi32>
      tpu.vector_store_idx %arg14[%get3A_31], %add3A_79 masked %eq3A_82 : memref<20480xf32, #tpu.memory_space<vmem>>[vector<16xi32>], vector<16xf32>, vector<16xi1>
      %gather3A_83 = tpu.vector_load_idx %arg14[%get3A_31] : memref<20480xf32, #tpu.memory_space<vmem>>[vector<16xi32>], vector<16xf32>,
      %add3A_84 = arith.addf %gather3A_83, %div3A : vector<16xf32>
      %eq3A_85 = arith.constant 8 : i32
      %eq3A_86 = vector.broadcast %eq3A_85 : i32 to vector<16xi32>
      %eq3A_87 = arith.cmpi eq, %iota3A, %eq3A_86 : vector<16xi32>
      tpu.vector_store_idx %arg14[%get3A_31], %add3A_84 masked %eq3A_87 : memref<20480xf32, #tpu.memory_space<vmem>>[vector<16xi32>], vector<16xf32>, vector<16xi1>
      %gather3A_88 = tpu.vector_load_idx %arg14[%get3A_31] : memref<20480xf32, #tpu.memory_space<vmem>>[vector<16xi32>], vector<16xf32>,
      %add3A_89 = arith.addf %gather3A_88, %div3A : vector<16xf32>
      %eq3A_90 = arith.constant 9 : i32
      %eq3A_91 = vector.broadcast %eq3A_90 : i32 to vector<16xi32>
      %eq3A_92 = arith.cmpi eq, %iota3A, %eq3A_91 : vector<16xi32>
      tpu.vector_store_idx %arg14[%get3A_31], %add3A_89 masked %eq3A_92 : memref<20480xf32, #tpu.memory_space<vmem>>[vector<16xi32>], vector<16xf32>, vector<16xi1>
      %gather3A_93 = tpu.vector_load_idx %arg14[%get3A_31] : memref<20480xf32, #tpu.memory_space<vmem>>[vector<16xi32>], vector<16xf32>,
      %add3A_94 = arith.addf %gather3A_93, %div3A : vector<16xf32>
      %eq3A_95 = arith.constant 10 : i32
      %eq3A_96 = vector.broadcast %eq3A_95 : i32 to vector<16xi32>
      %eq3A_97 = arith.cmpi eq, %iota3A, %eq3A_96 : vector<16xi32>
      tpu.vector_store_idx %arg14[%get3A_31], %add3A_94 masked %eq3A_97 : memref<20480xf32, #tpu.memory_space<vmem>>[vector<16xi32>], vector<16xf32>, vector<16xi1>
      %gather3A_98 = tpu.vector_load_idx %arg14[%get3A_31] : memref<20480xf32, #tpu.memory_space<vmem>>[vector<16xi32>], vector<16xf32>,
      %add3A_99 = arith.addf %gather3A_98, %div3A : vector<16xf32>
      %eq3A_100 = arith.constant 11 : i32
      %eq3A_101 = vector.broadcast %eq3A_100 : i32 to vector<16xi32>
      %eq3A_102 = arith.cmpi eq, %iota3A, %eq3A_101 : vector<16xi32>
      tpu.vector_store_idx %arg14[%get3A_31], %add3A_99 masked %eq3A_102 : memref<20480xf32, #tpu.memory_space<vmem>>[vector<16xi32>], vector<16xf32>, vector<16xi1>
      %gather3A_103 = tpu.vector_load_idx %arg14[%get3A_31] : memref<20480xf32, #tpu.memory_space<vmem>>[vector<16xi32>], vector<16xf32>,
      %add3A_104 = arith.addf %gather3A_103, %div3A : vector<16xf32>
      %eq3A_105 = arith.constant 12 : i32
      %eq3A_106 = vector.broadcast %eq3A_105 : i32 to vector<16xi32>
      %eq3A_107 = arith.cmpi eq, %iota3A, %eq3A_106 : vector<16xi32>
      tpu.vector_store_idx %arg14[%get3A_31], %add3A_104 masked %eq3A_107 : memref<20480xf32, #tpu.memory_space<vmem>>[vector<16xi32>], vector<16xf32>, vector<16xi1>
      %gather3A_108 = tpu.vector_load_idx %arg14[%get3A_31] : memref<20480xf32, #tpu.memory_space<vmem>>[vector<16xi32>], vector<16xf32>,
      %add3A_109 = arith.addf %gather3A_108, %div3A : vector<16xf32>
      %eq3A_110 = arith.constant 13 : i32
      %eq3A_111 = vector.broadcast %eq3A_110 : i32 to vector<16xi32>
      %eq3A_112 = arith.cmpi eq, %iota3A, %eq3A_111 : vector<16xi32>
      tpu.vector_store_idx %arg14[%get3A_31], %add3A_109 masked %eq3A_112 : memref<20480xf32, #tpu.memory_space<vmem>>[vector<16xi32>], vector<16xf32>, vector<16xi1>
      %gather3A_113 = tpu.vector_load_idx %arg14[%get3A_31] : memref<20480xf32, #tpu.memory_space<vmem>>[vector<16xi32>], vector<16xf32>,
      %add3A_114 = arith.addf %gather3A_113, %div3A : vector<16xf32>
      %eq3A_115 = arith.constant 14 : i32
      %eq3A_116 = vector.broadcast %eq3A_115 : i32 to vector<16xi32>
      %eq3A_117 = arith.cmpi eq, %iota3A, %eq3A_116 : vector<16xi32>
      tpu.vector_store_idx %arg14[%get3A_31], %add3A_114 masked %eq3A_117 : memref<20480xf32, #tpu.memory_space<vmem>>[vector<16xi32>], vector<16xf32>, vector<16xi1>
      %gather3A_118 = tpu.vector_load_idx %arg14[%get3A_31] : memref<20480xf32, #tpu.memory_space<vmem>>[vector<16xi32>], vector<16xf32>,
      %add3A_119 = arith.addf %gather3A_118, %div3A : vector<16xf32>
      %eq3A_120 = arith.constant 15 : i32
      %eq3A_121 = vector.broadcast %eq3A_120 : i32 to vector<16xi32>
      %eq3A_122 = arith.cmpi eq, %iota3A, %eq3A_121 : vector<16xi32>
      tpu.vector_store_idx %arg14[%get3A_31], %add3A_119 masked %eq3A_122 : memref<20480xf32, #tpu.memory_space<vmem>>[vector<16xi32>], vector<16xf32>, vector<16xi1>
      %iota3A_123 = tpu.iota {dimensions = array<i32: 0>} : vector<16xi32>
      %gather3A_124 = tpu.vector_load_idx %arg15[%get3A_31] : memref<20480xf32, #tpu.memory_space<vmem>>[vector<16xi32>], vector<16xf32>,
      %add3A_125 = arith.addf %gather3A_124, %mul3A_43 : vector<16xf32>
      %eq3A_126 = arith.constant 0 : i32
      %eq3A_127 = vector.broadcast %eq3A_126 : i32 to vector<16xi32>
      %eq3A_128 = arith.cmpi eq, %iota3A_123, %eq3A_127 : vector<16xi32>
      tpu.vector_store_idx %arg15[%get3A_31], %add3A_125 masked %eq3A_128 : memref<20480xf32, #tpu.memory_space<vmem>>[vector<16xi32>], vector<16xf32>, vector<16xi1>
      %gather3A_129 = tpu.vector_load_idx %arg15[%get3A_31] : memref<20480xf32, #tpu.memory_space<vmem>>[vector<16xi32>], vector<16xf32>,
      %add3A_130 = arith.addf %gather3A_129, %mul3A_43 : vector<16xf32>
      %eq3A_131 = arith.constant 1 : i32
      %eq3A_132 = vector.broadcast %eq3A_131 : i32 to vector<16xi32>
      %eq3A_133 = arith.cmpi eq, %iota3A_123, %eq3A_132 : vector<16xi32>
      tpu.vector_store_idx %arg15[%get3A_31], %add3A_130 masked %eq3A_133 : memref<20480xf32, #tpu.memory_space<vmem>>[vector<16xi32>], vector<16xf32>, vector<16xi1>
      %gather3A_134 = tpu.vector_load_idx %arg15[%get3A_31] : memref<20480xf32, #tpu.memory_space<vmem>>[vector<16xi32>], vector<16xf32>,
      %add3A_135 = arith.addf %gather3A_134, %mul3A_43 : vector<16xf32>
      %eq3A_136 = arith.constant 2 : i32
      %eq3A_137 = vector.broadcast %eq3A_136 : i32 to vector<16xi32>
      %eq3A_138 = arith.cmpi eq, %iota3A_123, %eq3A_137 : vector<16xi32>
      tpu.vector_store_idx %arg15[%get3A_31], %add3A_135 masked %eq3A_138 : memref<20480xf32, #tpu.memory_space<vmem>>[vector<16xi32>], vector<16xf32>, vector<16xi1>
      %gather3A_139 = tpu.vector_load_idx %arg15[%get3A_31] : memref<20480xf32, #tpu.memory_space<vmem>>[vector<16xi32>], vector<16xf32>,
      %add3A_140 = arith.addf %gather3A_139, %mul3A_43 : vector<16xf32>
      %eq3A_141 = arith.constant 3 : i32
      %eq3A_142 = vector.broadcast %eq3A_141 : i32 to vector<16xi32>
      %eq3A_143 = arith.cmpi eq, %iota3A_123, %eq3A_142 : vector<16xi32>
      tpu.vector_store_idx %arg15[%get3A_31], %add3A_140 masked %eq3A_143 : memref<20480xf32, #tpu.memory_space<vmem>>[vector<16xi32>], vector<16xf32>, vector<16xi1>
      %gather3A_144 = tpu.vector_load_idx %arg15[%get3A_31] : memref<20480xf32, #tpu.memory_space<vmem>>[vector<16xi32>], vector<16xf32>,
      %add3A_145 = arith.addf %gather3A_144, %mul3A_43 : vector<16xf32>
      %eq3A_146 = arith.constant 4 : i32
      %eq3A_147 = vector.broadcast %eq3A_146 : i32 to vector<16xi32>
      %eq3A_148 = arith.cmpi eq, %iota3A_123, %eq3A_147 : vector<16xi32>
      tpu.vector_store_idx %arg15[%get3A_31], %add3A_145 masked %eq3A_148 : memref<20480xf32, #tpu.memory_space<vmem>>[vector<16xi32>], vector<16xf32>, vector<16xi1>
      %gather3A_149 = tpu.vector_load_idx %arg15[%get3A_31] : memref<20480xf32, #tpu.memory_space<vmem>>[vector<16xi32>], vector<16xf32>,
      %add3A_150 = arith.addf %gather3A_149, %mul3A_43 : vector<16xf32>
      %eq3A_151 = arith.constant 5 : i32
      %eq3A_152 = vector.broadcast %eq3A_151 : i32 to vector<16xi32>
      %eq3A_153 = arith.cmpi eq, %iota3A_123, %eq3A_152 : vector<16xi32>
      tpu.vector_store_idx %arg15[%get3A_31], %add3A_150 masked %eq3A_153 : memref<20480xf32, #tpu.memory_space<vmem>>[vector<16xi32>], vector<16xf32>, vector<16xi1>
      %gather3A_154 = tpu.vector_load_idx %arg15[%get3A_31] : memref<20480xf32, #tpu.memory_space<vmem>>[vector<16xi32>], vector<16xf32>,
      %add3A_155 = arith.addf %gather3A_154, %mul3A_43 : vector<16xf32>
      %eq3A_156 = arith.constant 6 : i32
      %eq3A_157 = vector.broadcast %eq3A_156 : i32 to vector<16xi32>
      %eq3A_158 = arith.cmpi eq, %iota3A_123, %eq3A_157 : vector<16xi32>
      tpu.vector_store_idx %arg15[%get3A_31], %add3A_155 masked %eq3A_158 : memref<20480xf32, #tpu.memory_space<vmem>>[vector<16xi32>], vector<16xf32>, vector<16xi1>
      %gather3A_159 = tpu.vector_load_idx %arg15[%get3A_31] : memref<20480xf32, #tpu.memory_space<vmem>>[vector<16xi32>], vector<16xf32>,
      %add3A_160 = arith.addf %gather3A_159, %mul3A_43 : vector<16xf32>
      %eq3A_161 = arith.constant 7 : i32
      %eq3A_162 = vector.broadcast %eq3A_161 : i32 to vector<16xi32>
      %eq3A_163 = arith.cmpi eq, %iota3A_123, %eq3A_162 : vector<16xi32>
      tpu.vector_store_idx %arg15[%get3A_31], %add3A_160 masked %eq3A_163 : memref<20480xf32, #tpu.memory_space<vmem>>[vector<16xi32>], vector<16xf32>, vector<16xi1>
      %gather3A_164 = tpu.vector_load_idx %arg15[%get3A_31] : memref<20480xf32, #tpu.memory_space<vmem>>[vector<16xi32>], vector<16xf32>,
      %add3A_165 = arith.addf %gather3A_164, %mul3A_43 : vector<16xf32>
      %eq3A_166 = arith.constant 8 : i32
      %eq3A_167 = vector.broadcast %eq3A_166 : i32 to vector<16xi32>
      %eq3A_168 = arith.cmpi eq, %iota3A_123, %eq3A_167 : vector<16xi32>
      tpu.vector_store_idx %arg15[%get3A_31], %add3A_165 masked %eq3A_168 : memref<20480xf32, #tpu.memory_space<vmem>>[vector<16xi32>], vector<16xf32>, vector<16xi1>
      %gather3A_169 = tpu.vector_load_idx %arg15[%get3A_31] : memref<20480xf32, #tpu.memory_space<vmem>>[vector<16xi32>], vector<16xf32>,
      %add3A_170 = arith.addf %gather3A_169, %mul3A_43 : vector<16xf32>
      %eq3A_171 = arith.constant 9 : i32
      %eq3A_172 = vector.broadcast %eq3A_171 : i32 to vector<16xi32>
      %eq3A_173 = arith.cmpi eq, %iota3A_123, %eq3A_172 : vector<16xi32>
      tpu.vector_store_idx %arg15[%get3A_31], %add3A_170 masked %eq3A_173 : memref<20480xf32, #tpu.memory_space<vmem>>[vector<16xi32>], vector<16xf32>, vector<16xi1>
      %gather3A_174 = tpu.vector_load_idx %arg15[%get3A_31] : memref<20480xf32, #tpu.memory_space<vmem>>[vector<16xi32>], vector<16xf32>,
      %add3A_175 = arith.addf %gather3A_174, %mul3A_43 : vector<16xf32>
      %eq3A_176 = arith.constant 10 : i32
      %eq3A_177 = vector.broadcast %eq3A_176 : i32 to vector<16xi32>
      %eq3A_178 = arith.cmpi eq, %iota3A_123, %eq3A_177 : vector<16xi32>
      tpu.vector_store_idx %arg15[%get3A_31], %add3A_175 masked %eq3A_178 : memref<20480xf32, #tpu.memory_space<vmem>>[vector<16xi32>], vector<16xf32>, vector<16xi1>
      %gather3A_179 = tpu.vector_load_idx %arg15[%get3A_31] : memref<20480xf32, #tpu.memory_space<vmem>>[vector<16xi32>], vector<16xf32>,
      %add3A_180 = arith.addf %gather3A_179, %mul3A_43 : vector<16xf32>
      %eq3A_181 = arith.constant 11 : i32
      %eq3A_182 = vector.broadcast %eq3A_181 : i32 to vector<16xi32>
      %eq3A_183 = arith.cmpi eq, %iota3A_123, %eq3A_182 : vector<16xi32>
      tpu.vector_store_idx %arg15[%get3A_31], %add3A_180 masked %eq3A_183 : memref<20480xf32, #tpu.memory_space<vmem>>[vector<16xi32>], vector<16xf32>, vector<16xi1>
      %gather3A_184 = tpu.vector_load_idx %arg15[%get3A_31] : memref<20480xf32, #tpu.memory_space<vmem>>[vector<16xi32>], vector<16xf32>,
      %add3A_185 = arith.addf %gather3A_184, %mul3A_43 : vector<16xf32>
      %eq3A_186 = arith.constant 12 : i32
      %eq3A_187 = vector.broadcast %eq3A_186 : i32 to vector<16xi32>
      %eq3A_188 = arith.cmpi eq, %iota3A_123, %eq3A_187 : vector<16xi32>
      tpu.vector_store_idx %arg15[%get3A_31], %add3A_185 masked %eq3A_188 : memref<20480xf32, #tpu.memory_space<vmem>>[vector<16xi32>], vector<16xf32>, vector<16xi1>
      %gather3A_189 = tpu.vector_load_idx %arg15[%get3A_31] : memref<20480xf32, #tpu.memory_space<vmem>>[vector<16xi32>], vector<16xf32>,
      %add3A_190 = arith.addf %gather3A_189, %mul3A_43 : vector<16xf32>
      %eq3A_191 = arith.constant 13 : i32
      %eq3A_192 = vector.broadcast %eq3A_191 : i32 to vector<16xi32>
      %eq3A_193 = arith.cmpi eq, %iota3A_123, %eq3A_192 : vector<16xi32>
      tpu.vector_store_idx %arg15[%get3A_31], %add3A_190 masked %eq3A_193 : memref<20480xf32, #tpu.memory_space<vmem>>[vector<16xi32>], vector<16xf32>, vector<16xi1>
      %gather3A_194 = tpu.vector_load_idx %arg15[%get3A_31] : memref<20480xf32, #tpu.memory_space<vmem>>[vector<16xi32>], vector<16xf32>,
      %add3A_195 = arith.addf %gather3A_194, %mul3A_43 : vector<16xf32>
      %eq3A_196 = arith.constant 14 : i32
      %eq3A_197 = vector.broadcast %eq3A_196 : i32 to vector<16xi32>
      %eq3A_198 = arith.cmpi eq, %iota3A_123, %eq3A_197 : vector<16xi32>
      tpu.vector_store_idx %arg15[%get3A_31], %add3A_195 masked %eq3A_198 : memref<20480xf32, #tpu.memory_space<vmem>>[vector<16xi32>], vector<16xf32>, vector<16xi1>
      %gather3A_199 = tpu.vector_load_idx %arg15[%get3A_31] : memref<20480xf32, #tpu.memory_space<vmem>>[vector<16xi32>], vector<16xf32>,
      %add3A_200 = arith.addf %gather3A_199, %mul3A_43 : vector<16xf32>
      %eq3A_201 = arith.constant 15 : i32
      %eq3A_202 = vector.broadcast %eq3A_201 : i32 to vector<16xi32>
      %eq3A_203 = arith.cmpi eq, %iota3A_123, %eq3A_202 : vector<16xi32>
      tpu.vector_store_idx %arg15[%get3A_31], %add3A_200 masked %eq3A_203 : memref<20480xf32, #tpu.memory_space<vmem>>[vector<16xi32>], vector<16xf32>, vector<16xi1>
    }
    %scan3A_19 = arith.constant 320 : i32
    "tpu.region"() ({
      %run_scoped3A = tpu.sem_alloc : memref<!tpu.dma_semaphore, #tpu.memory_space<semaphore_mem>>
      %dma_start3A = arith.constant 0 : i32
      %dma_start3A_20 = tpu.memref_slice %arg7[%add3A, %dma_start3A] : memref<32x20480xf32, #tpu.memory_space<hbm>> -> memref<1x20480xf32, #tpu.memory_space<hbm>>
      %dma_start3A_21 = tpu.memref_squeeze %dma_start3A_20 : memref<1x20480xf32, #tpu.memory_space<hbm>> -> memref<20480xf32, #tpu.memory_space<hbm>>
      %dma_start3A_22 = arith.constant 0 : i32
      %dma_start3A_23 = tpu.memref_slice %arg7[%add3A, %dma_start3A_22] : memref<32x20480xf32, #tpu.memory_space<hbm>> -> memref<1x20480xf32, #tpu.memory_space<hbm>>
      %dma_start3A_24 = tpu.memref_squeeze %dma_start3A_23 : memref<1x20480xf32, #tpu.memory_space<hbm>> -> memref<20480xf32, #tpu.memory_space<hbm>>
      tpu.enqueue_dma source(%arg14 : memref<20480xf32, #tpu.memory_space<vmem>>) target(%dma_start3A_24 : memref<20480xf32, #tpu.memory_space<hbm>>) target_semaphore(%run_scoped3A : memref<!tpu.dma_semaphore, #tpu.memory_space<semaphore_mem>>)
      %dma_wait3A = arith.constant 0 : i32
      %dma_wait3A_25 = tpu.memref_slice %arg7[%add3A, %dma_wait3A] : memref<32x20480xf32, #tpu.memory_space<hbm>> -> memref<1x20480xf32, #tpu.memory_space<hbm>>
      %dma_wait3A_26 = tpu.memref_squeeze %dma_wait3A_25 : memref<1x20480xf32, #tpu.memory_space<hbm>> -> memref<20480xf32, #tpu.memory_space<hbm>>
      %dma_wait3A_27 = arith.constant 0 : i32
      %dma_wait3A_28 = tpu.memref_slice %arg7[%add3A, %dma_wait3A_27] : memref<32x20480xf32, #tpu.memory_space<hbm>> -> memref<1x20480xf32, #tpu.memory_space<hbm>>
      %dma_wait3A_29 = tpu.memref_squeeze %dma_wait3A_28 : memref<1x20480xf32, #tpu.memory_space<hbm>> -> memref<20480xf32, #tpu.memory_space<hbm>>
      tpu.wait_dma2 semaphore(%run_scoped3A : memref<!tpu.dma_semaphore, #tpu.memory_space<semaphore_mem>>) src(%arg14 : memref<20480xf32, #tpu.memory_space<vmem>>) dst(%dma_wait3A_29 : memref<20480xf32, #tpu.memory_space<hbm>>)
      tpu.yield
    }) : () -> ()
    "tpu.region"() ({
      %run_scoped3A = tpu.sem_alloc : memref<!tpu.dma_semaphore, #tpu.memory_space<semaphore_mem>>
      %dma_start3A = arith.constant 0 : i32
      %dma_start3A_20 = tpu.memref_slice %arg8[%add3A, %dma_start3A] : memref<32x20480xf32, #tpu.memory_space<hbm>> -> memref<1x20480xf32, #tpu.memory_space<hbm>>
      %dma_start3A_21 = tpu.memref_squeeze %dma_start3A_20 : memref<1x20480xf32, #tpu.memory_space<hbm>> -> memref<20480xf32, #tpu.memory_space<hbm>>
      %dma_start3A_22 = arith.constant 0 : i32
      %dma_start3A_23 = tpu.memref_slice %arg8[%add3A, %dma_start3A_22] : memref<32x20480xf32, #tpu.memory_space<hbm>> -> memref<1x20480xf32, #tpu.memory_space<hbm>>
      %dma_start3A_24 = tpu.memref_squeeze %dma_start3A_23 : memref<1x20480xf32, #tpu.memory_space<hbm>> -> memref<20480xf32, #tpu.memory_space<hbm>>
      tpu.enqueue_dma source(%arg15 : memref<20480xf32, #tpu.memory_space<vmem>>) target(%dma_start3A_24 : memref<20480xf32, #tpu.memory_space<hbm>>) target_semaphore(%run_scoped3A : memref<!tpu.dma_semaphore, #tpu.memory_space<semaphore_mem>>)
      %dma_wait3A = arith.constant 0 : i32
      %dma_wait3A_25 = tpu.memref_slice %arg8[%add3A, %dma_wait3A] : memref<32x20480xf32, #tpu.memory_space<hbm>> -> memref<1x20480xf32, #tpu.memory_space<hbm>>
      %dma_wait3A_26 = tpu.memref_squeeze %dma_wait3A_25 : memref<1x20480xf32, #tpu.memory_space<hbm>> -> memref<20480xf32, #tpu.memory_space<hbm>>
      %dma_wait3A_27 = arith.constant 0 : i32
      %dma_wait3A_28 = tpu.memref_slice %arg8[%add3A, %dma_wait3A_27] : memref<32x20480xf32, #tpu.memory_space<hbm>> -> memref<1x20480xf32, #tpu.memory_space<hbm>>
      %dma_wait3A_29 = tpu.memref_squeeze %dma_wait3A_28 : memref<1x20480xf32, #tpu.memory_space<hbm>> -> memref<20480xf32, #tpu.memory_space<hbm>>
      tpu.wait_dma2 semaphore(%run_scoped3A : memref<!tpu.dma_semaphore, #tpu.memory_space<semaphore_mem>>) src(%arg15 : memref<20480xf32, #tpu.memory_space<vmem>>) dst(%dma_wait3A_29 : memref<20480xf32, #tpu.memory_space<hbm>>)
      tpu.yield
    }) : () -> ()
    return
  }
}

module attributes {stable_mosaic.version = 14 : i64} {
  func.func @_node_tables_body(%arg0: i32, %arg1: memref<2048x256xf32, #tpu.memory_space<vmem>>, %arg2: memref<256x512xf32, #tpu.memory_space<vmem>>, %arg3: memref<1x512xf32, #tpu.memory_space<vmem>>, %arg4: memref<2048x128xf32, #tpu.memory_space<vmem>>, %arg5: memref<2048x128xf32, #tpu.memory_space<vmem>>, %arg6: memref<2048x256xf32, #tpu.memory_space<vmem>>) attributes {dimension_semantics = [#tpu.dimension_semantics<arbitrary>], iteration_bounds = array<i64: 10>, scalar_prefetch = 0 : i64, scratch_operands = 0 : i64, tpu.core_type = #tpu.core_type<tc>, window_params = [{transform_indices = @transform_0, window_bounds = array<i64: 2048, 256>}, {pipeline_mode = #tpu.pipeline_mode<synchronous>, transform_indices = @transform_1, window_bounds = array<i64: 256, 512>}, {pipeline_mode = #tpu.pipeline_mode<synchronous>, transform_indices = @transform_2, window_bounds = array<i64: 1, 512>}, {transform_indices = @transform_3, window_bounds = array<i64: 2048, 128>}, {transform_indices = @transform_4, window_bounds = array<i64: 2048, 128>}, {transform_indices = @transform_5, window_bounds = array<i64: 2048, 256>}]} {
    %get3A = arith.constant 0 : index
    %get3A_0 = arith.constant 0 : index
    %get3A_1 = vector.load %arg1[%get3A, %get3A_0] : memref<2048x256xf32, #tpu.memory_space<vmem>>, vector<2048x256xf32>
    %get3A_2 = arith.constant 0 : index
    %get3A_3 = arith.constant 0 : index
    %get3A_4 = vector.load %arg2[%get3A_2, %get3A_3] : memref<256x512xf32, #tpu.memory_space<vmem>>, vector<256x512xf32>
    %dot_general3A = arith.constant dense<0.000000e+00> : vector<2048x512xf32>
    %dot_general3A_5 = tpu.matmul %get3A_1, %get3A_4, %dot_general3A {dimension_numbers = #tpu.dot_dimension_numbers<[1], [0], [0], [1], [0, 0, 1, 1], [], []>, transpose_lhs_hint = false} : vector<2048x256xf32>, vector<256x512xf32>, vector<2048x512xf32> -> vector<2048x512xf32>
    %get3A_6 = arith.constant 0 : index
    %get3A_7 = arith.constant 0 : index
    %get3A_8 = vector.load %arg3[%get3A_6, %get3A_7] : memref<1x512xf32, #tpu.memory_space<vmem>>, vector<1x512xf32>
    %add3A = vector.broadcast %get3A_8 : vector<1x512xf32> to vector<2048x512xf32>
    %add3A_9 = arith.addf %dot_general3A_5, %add3A : vector<2048x512xf32>
    %slice3A = vector.extract_strided_slice %add3A_9 {offsets = [0, 0], sizes = [2048, 128], strides = [1, 1]} : vector<2048x512xf32> to vector<2048x128xf32>
    %swap3A = arith.constant 0 : index
    %swap3A_10 = arith.constant 0 : index
    %swap3A_11 = vector.load %arg4[%swap3A, %swap3A_10] : memref<2048x128xf32, #tpu.memory_space<vmem>>, vector<2048x128xf32>
    tpu.vector_store %arg4[%swap3A, %swap3A_10], %slice3A {strides = array<i32>} : memref<2048x128xf32, #tpu.memory_space<vmem>>, vector<2048x128xf32>,
    %slice3A_12 = vector.extract_strided_slice %add3A_9 {offsets = [0, 128], sizes = [2048, 128], strides = [1, 1]} : vector<2048x512xf32> to vector<2048x128xf32>
    %swap3A_13 = arith.constant 0 : index
    %swap3A_14 = arith.constant 0 : index
    %swap3A_15 = vector.load %arg5[%swap3A_13, %swap3A_14] : memref<2048x128xf32, #tpu.memory_space<vmem>>, vector<2048x128xf32>
    tpu.vector_store %arg5[%swap3A_13, %swap3A_14], %slice3A_12 {strides = array<i32>} : memref<2048x128xf32, #tpu.memory_space<vmem>>, vector<2048x128xf32>,
    %slice3A_16 = vector.extract_strided_slice %add3A_9 {offsets = [0, 256], sizes = [2048, 256], strides = [1, 1]} : vector<2048x512xf32> to vector<2048x256xf32>
    %swap3A_17 = arith.constant 0 : index
    %swap3A_18 = arith.constant 0 : index
    %swap3A_19 = vector.load %arg6[%swap3A_17, %swap3A_18] : memref<2048x256xf32, #tpu.memory_space<vmem>>, vector<2048x256xf32>
    tpu.vector_store %arg6[%swap3A_17, %swap3A_18], %slice3A_16 {strides = array<i32>} : memref<2048x256xf32, #tpu.memory_space<vmem>>, vector<2048x256xf32>,
    return
  }
  func.func @transform_0(%arg0: i32) -> (i32, i32) {
    %c0_i32 = arith.constant 0 : i32
    %c0_i32_0 = arith.constant 0 : i32
    return %arg0, %c0_i32 : i32, i32
  }
  func.func @transform_1(%arg0: i32) -> (i32, i32) {
    %c0_i32 = arith.constant 0 : i32
    %c0_i32_0 = arith.constant 0 : i32
    %c0_i32_1 = arith.constant 0 : i32
    return %c0_i32, %c0_i32_0 : i32, i32
  }
  func.func @transform_2(%arg0: i32) -> (i32, i32) {
    %c0_i32 = arith.constant 0 : i32
    %c0_i32_0 = arith.constant 0 : i32
    %c0_i32_1 = arith.constant 0 : i32
    return %c0_i32, %c0_i32_0 : i32, i32
  }
  func.func @transform_3(%arg0: i32) -> (i32, i32) {
    %c0_i32 = arith.constant 0 : i32
    %c0_i32_0 = arith.constant 0 : i32
    return %arg0, %c0_i32 : i32, i32
  }
  func.func @transform_4(%arg0: i32) -> (i32, i32) {
    %c0_i32 = arith.constant 0 : i32
    %c0_i32_0 = arith.constant 0 : i32
    return %arg0, %c0_i32 : i32, i32
  }
  func.func @transform_5(%arg0: i32) -> (i32, i32) {
    %c0_i32 = arith.constant 0 : i32
    %c0_i32_0 = arith.constant 0 : i32
    return %arg0, %c0_i32 : i32, i32
  }
}

module attributes {stable_mosaic.version = 14 : i64} {
  func.func @_query_tables_body(%arg0: memref<128x768xf32, #tpu.memory_space<vmem>>, %arg1: memref<768x256xf32, #tpu.memory_space<vmem>>, %arg2: memref<1x256xf32, #tpu.memory_space<vmem>>, %arg3: memref<128x256xf32, #tpu.memory_space<vmem>>) attributes {dimension_semantics = [], scalar_prefetch = 0 : i64, scratch_operands = 0 : i64, tpu.core_type = #tpu.core_type<tc>} {
    %get3A = arith.constant 0 : index
    %get3A_0 = arith.constant 0 : index
    %get3A_1 = vector.load %arg0[%get3A, %get3A_0] : memref<128x768xf32, #tpu.memory_space<vmem>>, vector<128x768xf32>
    %get3A_2 = arith.constant 0 : index
    %get3A_3 = arith.constant 0 : index
    %get3A_4 = vector.load %arg1[%get3A_2, %get3A_3] : memref<768x256xf32, #tpu.memory_space<vmem>>, vector<768x256xf32>
    %dot_general3A = arith.constant dense<0.000000e+00> : vector<128x256xf32>
    %dot_general3A_5 = tpu.matmul %get3A_1, %get3A_4, %dot_general3A {dimension_numbers = #tpu.dot_dimension_numbers<[1], [0], [0], [1], [0, 0, 1, 1], [], []>, transpose_lhs_hint = false} : vector<128x768xf32>, vector<768x256xf32>, vector<128x256xf32> -> vector<128x256xf32>
    %get3A_6 = arith.constant 0 : index
    %get3A_7 = arith.constant 0 : index
    %get3A_8 = vector.load %arg2[%get3A_6, %get3A_7] : memref<1x256xf32, #tpu.memory_space<vmem>>, vector<1x256xf32>
    %add3A = vector.broadcast %get3A_8 : vector<1x256xf32> to vector<128x256xf32>
    %add3A_9 = arith.addf %dot_general3A_5, %add3A : vector<128x256xf32>
    %swap3A = arith.constant 0 : index
    %swap3A_10 = arith.constant 0 : index
    %swap3A_11 = vector.load %arg3[%swap3A, %swap3A_10] : memref<128x256xf32, #tpu.memory_space<vmem>>, vector<128x256xf32>
    tpu.vector_store %arg3[%swap3A, %swap3A_10], %add3A_9 {strides = array<i32>} : memref<128x256xf32, #tpu.memory_space<vmem>>, vector<128x256xf32>,
    return
  }
}

module attributes {stable_mosaic.version = 14 : i64} {
  func.func @_logits_body(%arg0: i32, %arg1: memref<3200x256xf32, #tpu.memory_space<vmem>>, %arg2: memref<3200x128xf32, #tpu.memory_space<vmem>>, %arg3: memref<3200x128xf32, #tpu.memory_space<vmem>>, %arg4: memref<1x1x3200xi32, #tpu.memory_space<vmem>>, %arg5: memref<256x256xf32, #tpu.memory_space<vmem>>, %arg6: memref<128x256xf32, #tpu.memory_space<vmem>>, %arg7: memref<128x128xf32, #tpu.memory_space<vmem>>, %arg8: memref<1x128xf32, #tpu.memory_space<vmem>>, %arg9: memref<1x1x3200xf32, #tpu.memory_space<vmem>>) attributes {dimension_semantics = [#tpu.dimension_semantics<arbitrary>], iteration_bounds = array<i64: 25>, scalar_prefetch = 0 : i64, scratch_operands = 0 : i64, tpu.core_type = #tpu.core_type<tc>, window_params = [{transform_indices = @transform_0, window_bounds = array<i64: 3200, 256>}, {transform_indices = @transform_1, window_bounds = array<i64: 3200, 128>}, {transform_indices = @transform_2, window_bounds = array<i64: 3200, 128>}, {transform_indices = @transform_3, window_bounds = array<i64: 1, 1, 3200>}, {pipeline_mode = #tpu.pipeline_mode<synchronous>, transform_indices = @transform_4, window_bounds = array<i64: 256, 256>}, {pipeline_mode = #tpu.pipeline_mode<synchronous>, transform_indices = @transform_5, window_bounds = array<i64: 128, 256>}, {pipeline_mode = #tpu.pipeline_mode<synchronous>, transform_indices = @transform_6, window_bounds = array<i64: 128, 128>}, {pipeline_mode = #tpu.pipeline_mode<synchronous>, transform_indices = @transform_7, window_bounds = array<i64: 1, 128>}, {transform_indices = @transform_8, window_bounds = array<i64: 1, 1, 3200>}]} {
    %get3A = arith.constant 0 : index
    %get3A_0 = arith.constant 0 : index
    %get3A_1 = vector.load %arg1[%get3A, %get3A_0] : memref<3200x256xf32, #tpu.memory_space<vmem>>, vector<3200x256xf32>
    %get3A_2 = arith.constant 0 : index
    %get3A_3 = arith.constant 0 : index
    %get3A_4 = vector.load %arg5[%get3A_2, %get3A_3] : memref<256x256xf32, #tpu.memory_space<vmem>>, vector<256x256xf32>
    %dot_general3A = arith.constant dense<0.000000e+00> : vector<3200x256xf32>
    %dot_general3A_5 = tpu.matmul %get3A_1, %get3A_4, %dot_general3A {dimension_numbers = #tpu.dot_dimension_numbers<[1], [0], [0], [1], [0, 0, 1, 1], [], []>, transpose_lhs_hint = false} : vector<3200x256xf32>, vector<256x256xf32>, vector<3200x256xf32> -> vector<3200x256xf32>
    %get3A_6 = arith.constant 0 : index
    %get3A_7 = arith.constant 0 : index
    %get3A_8 = arith.constant 0 : index
    %get3A_9 = vector.load %arg4[%get3A_6, %get3A_7, %get3A_8] : memref<1x1x3200xi32, #tpu.memory_space<vmem>>, vector<1x1x3200xi32>
    %get3A_10 = vector.shape_cast %get3A_9 : vector<1x1x3200xi32> to vector<3200xi32>
    %iota3A = tpu.iota {dimensions = array<i32: 1>} : vector<1x128xi32>
    %broadcast_in_dim3A = vector.shape_cast %get3A_10 : vector<3200xi32> to vector<3200x1xi32>
    %eq3A = vector.broadcast %broadcast_in_dim3A : vector<3200x1xi32> to vector<3200x128xi32>
    %eq3A_11 = vector.broadcast %iota3A : vector<1x128xi32> to vector<3200x128xi32>
    %eq3A_12 = arith.cmpi eq, %eq3A, %eq3A_11 : vector<3200x128xi32>
    %convert_element_type3A = arith.extui %eq3A_12 : vector<3200x128xi1> to vector<3200x128xi32>
    %convert_element_type3A_13 = arith.sitofp %convert_element_type3A : vector<3200x128xi32> to vector<3200x128xf32>
    %get3A_14 = arith.constant 0 : index
    %get3A_15 = arith.constant 0 : index
    %get3A_16 = vector.load %arg6[%get3A_14, %get3A_15] : memref<128x256xf32, #tpu.memory_space<vmem>>, vector<128x256xf32>
    %dot_general3A_17 = arith.constant dense<0.000000e+00> : vector<3200x256xf32>
    %dot_general3A_18 = tpu.matmul %convert_element_type3A_13, %get3A_16, %dot_general3A_17 {dimension_numbers = #tpu.dot_dimension_numbers<[1], [0], [0], [1], [0, 0, 1, 1], [], []>, transpose_lhs_hint = false} : vector<3200x128xf32>, vector<128x256xf32>, vector<3200x256xf32> -> vector<3200x256xf32>
    %get3A_19 = arith.constant 0 : index
    %get3A_20 = arith.constant 0 : index
    %get3A_21 = vector.load %arg2[%get3A_19, %get3A_20] : memref<3200x128xf32, #tpu.memory_space<vmem>>, vector<3200x128xf32>
    %slice3A = vector.extract_strided_slice %dot_general3A_5 {offsets = [0, 0], sizes = [3200, 128], strides = [1, 1]} : vector<3200x256xf32> to vector<3200x128xf32>
    %add3A = arith.addf %get3A_21, %slice3A : vector<3200x128xf32>
    %slice3A_22 = vector.extract_strided_slice %dot_general3A_18 {offsets = [0, 0], sizes = [3200, 128], strides = [1, 1]} : vector<3200x256xf32> to vector<3200x128xf32>
    %add3A_23 = arith.addf %add3A, %slice3A_22 : vector<3200x128xf32>
    %ge3A = arith.constant 0.000000e+00 : f32
    %ge3A_24 = vector.broadcast %ge3A : f32 to vector<3200x128xf32>
    %ge3A_25 = arith.cmpf oge, %add3A_23, %ge3A_24 : vector<3200x128xf32>
    %mul3A = arith.constant 0.00999999977 : f32
    %mul3A_26 = vector.broadcast %mul3A : f32 to vector<3200x128xf32>
    %mul3A_27 = arith.mulf %mul3A_26, %add3A_23 : vector<3200x128xf32>
    %select_n3A = arith.select %ge3A_25, %add3A_23, %mul3A_27 : vector<3200x128xi1>, vector<3200x128xf32>
    %get3A_28 = arith.constant 0 : index
    %get3A_29 = arith.constant 0 : index
    %get3A_30 = vector.load %arg3[%get3A_28, %get3A_29] : memref<3200x128xf32, #tpu.memory_space<vmem>>, vector<3200x128xf32>
    %slice3A_31 = vector.extract_strided_slice %dot_general3A_5 {offsets = [0, 128], sizes = [3200, 128], strides = [1, 1]} : vector<3200x256xf32> to vector<3200x128xf32>
    %add3A_32 = arith.addf %get3A_30, %slice3A_31 : vector<3200x128xf32>
    %slice3A_33 = vector.extract_strided_slice %dot_general3A_18 {offsets = [0, 128], sizes = [3200, 128], strides = [1, 1]} : vector<3200x256xf32> to vector<3200x128xf32>
    %add3A_34 = arith.addf %add3A_32, %slice3A_33 : vector<3200x128xf32>
    %ge3A_35 = arith.constant 0.000000e+00 : f32
    %ge3A_36 = vector.broadcast %ge3A_35 : f32 to vector<3200x128xf32>
    %ge3A_37 = arith.cmpf oge, %add3A_34, %ge3A_36 : vector<3200x128xf32>
    %mul3A_38 = arith.constant 0.00999999977 : f32
    %mul3A_39 = vector.broadcast %mul3A_38 : f32 to vector<3200x128xf32>
    %mul3A_40 = arith.mulf %mul3A_39, %add3A_34 : vector<3200x128xf32>
    %select_n3A_41 = arith.select %ge3A_37, %add3A_34, %mul3A_40 : vector<3200x128xi1>, vector<3200x128xf32>
    %get3A_42 = arith.constant 0 : index
    %get3A_43 = arith.constant 0 : index
    %get3A_44 = vector.load %arg7[%get3A_42, %get3A_43] : memref<128x128xf32, #tpu.memory_space<vmem>>, vector<128x128xf32>
    %dot_general3A_45 = arith.constant dense<0.000000e+00> : vector<3200x128xf32>
    %dot_general3A_46 = tpu.matmul %select_n3A_41, %get3A_44, %dot_general3A_45 {dimension_numbers = #tpu.dot_dimension_numbers<[1], [0], [0], [1], [0, 0, 1, 1], [], []>, transpose_lhs_hint = false} : vector<3200x128xf32>, vector<128x128xf32>, vector<3200x128xf32> -> vector<3200x128xf32>
    %get3A_47 = arith.constant 0 : index
    %get3A_48 = arith.constant 0 : index
    %get3A_49 = vector.load %arg8[%get3A_47, %get3A_48] : memref<1x128xf32, #tpu.memory_space<vmem>>, vector<1x128xf32>
    %add3A_50 = vector.broadcast %get3A_49 : vector<1x128xf32> to vector<3200x128xf32>
    %add3A_51 = arith.addf %dot_general3A_46, %add3A_50 : vector<3200x128xf32>
    %mul3A_52 = arith.mulf %select_n3A, %add3A_51 : vector<3200x128xf32>
    %reduce_sum3A = arith.constant dense<0.000000e+00> : vector<3200xf32>
    %reduce_sum3A_53 = vector.multi_reduction <add>, %mul3A_52, %reduce_sum3A [1] : vector<3200x128xf32> to vector<3200xf32>
    %swap3A = arith.constant 0 : index
    %swap3A_54 = arith.constant 0 : index
    %swap3A_55 = arith.constant 0 : index
    %swap3A_56 = vector.load %arg9[%swap3A, %swap3A_54, %swap3A_55] : memref<1x1x3200xf32, #tpu.memory_space<vmem>>, vector<1x1x3200xf32>
    %swap3A_57 = vector.shape_cast %swap3A_56 : vector<1x1x3200xf32> to vector<3200xf32>
    %swap3A_58 = vector.shape_cast %reduce_sum3A_53 : vector<3200xf32> to vector<1x1x3200xf32>
    tpu.vector_store %arg9[%swap3A, %swap3A_54, %swap3A_55], %swap3A_58 {strides = array<i32>} : memref<1x1x3200xf32, #tpu.memory_space<vmem>>, vector<1x1x3200xf32>,
    return
  }
  func.func @transform_0(%arg0: i32) -> (i32, i32) {
    %add3A = arith.constant 0 : i32
    %add3A_0 = arith.addi %arg0, %add3A : i32
    %c0_i32 = arith.constant 0 : i32
    %c0_i32_1 = arith.constant 0 : i32
    return %add3A_0, %c0_i32 : i32, i32
  }
  func.func @transform_1(%arg0: i32) -> (i32, i32) {
    %c0_i32 = arith.constant 0 : i32
    %c0_i32_0 = arith.constant 0 : i32
    return %arg0, %c0_i32 : i32, i32
  }
  func.func @transform_2(%arg0: i32) -> (i32, i32) {
    %c0_i32 = arith.constant 0 : i32
    %c0_i32_0 = arith.constant 0 : i32
    return %arg0, %c0_i32 : i32, i32
  }
  func.func @transform_3(%arg0: i32) -> (i32, i32, i32) {
    %add3A = arith.constant 0 : i32
    %add3A_0 = arith.addi %arg0, %add3A : i32
    %c0_i32 = arith.constant 0 : i32
    %c0_i32_1 = arith.constant 0 : i32
    %c0_i32_2 = arith.constant 0 : i32
    return %add3A_0, %c0_i32, %c0_i32_1 : i32, i32, i32
  }
  func.func @transform_4(%arg0: i32) -> (i32, i32) {
    %c0_i32 = arith.constant 0 : i32
    %c0_i32_0 = arith.constant 0 : i32
    %c0_i32_1 = arith.constant 0 : i32
    return %c0_i32, %c0_i32_0 : i32, i32
  }
  func.func @transform_5(%arg0: i32) -> (i32, i32) {
    %c0_i32 = arith.constant 0 : i32
    %c0_i32_0 = arith.constant 0 : i32
    %c0_i32_1 = arith.constant 0 : i32
    return %c0_i32, %c0_i32_0 : i32, i32
  }
  func.func @transform_6(%arg0: i32) -> (i32, i32) {
    %c0_i32 = arith.constant 0 : i32
    %c0_i32_0 = arith.constant 0 : i32
    %c0_i32_1 = arith.constant 0 : i32
    return %c0_i32, %c0_i32_0 : i32, i32
  }
  func.func @transform_7(%arg0: i32) -> (i32, i32) {
    %c0_i32 = arith.constant 0 : i32
    %c0_i32_0 = arith.constant 0 : i32
    %c0_i32_1 = arith.constant 0 : i32
    return %c0_i32, %c0_i32_0 : i32, i32
  }
  func.func @transform_8(%arg0: i32) -> (i32, i32, i32) {
    %c0_i32 = arith.constant 0 : i32
    %c0_i32_0 = arith.constant 0 : i32
    %c0_i32_1 = arith.constant 0 : i32
    return %arg0, %c0_i32, %c0_i32_0 : i32, i32, i32
  }
}

module attributes {stable_mosaic.version = 14 : i64} {
  func.func @_logits_body(%arg0: i32, %arg1: memref<3200x256xf32, #tpu.memory_space<vmem>>, %arg2: memref<3200x128xf32, #tpu.memory_space<vmem>>, %arg3: memref<3200x128xf32, #tpu.memory_space<vmem>>, %arg4: memref<1x1x3200xi32, #tpu.memory_space<vmem>>, %arg5: memref<256x256xf32, #tpu.memory_space<vmem>>, %arg6: memref<128x256xf32, #tpu.memory_space<vmem>>, %arg7: memref<128x128xf32, #tpu.memory_space<vmem>>, %arg8: memref<1x128xf32, #tpu.memory_space<vmem>>, %arg9: memref<1x1x3200xf32, #tpu.memory_space<vmem>>) attributes {dimension_semantics = [#tpu.dimension_semantics<arbitrary>], iteration_bounds = array<i64: 25>, scalar_prefetch = 0 : i64, scratch_operands = 0 : i64, tpu.core_type = #tpu.core_type<tc>, window_params = [{transform_indices = @transform_0, window_bounds = array<i64: 3200, 256>}, {transform_indices = @transform_1, window_bounds = array<i64: 3200, 128>}, {transform_indices = @transform_2, window_bounds = array<i64: 3200, 128>}, {transform_indices = @transform_3, window_bounds = array<i64: 1, 1, 3200>}, {pipeline_mode = #tpu.pipeline_mode<synchronous>, transform_indices = @transform_4, window_bounds = array<i64: 256, 256>}, {pipeline_mode = #tpu.pipeline_mode<synchronous>, transform_indices = @transform_5, window_bounds = array<i64: 128, 256>}, {pipeline_mode = #tpu.pipeline_mode<synchronous>, transform_indices = @transform_6, window_bounds = array<i64: 128, 128>}, {pipeline_mode = #tpu.pipeline_mode<synchronous>, transform_indices = @transform_7, window_bounds = array<i64: 1, 128>}, {transform_indices = @transform_8, window_bounds = array<i64: 1, 1, 3200>}]} {
    %get3A = arith.constant 0 : index
    %get3A_0 = arith.constant 0 : index
    %get3A_1 = vector.load %arg1[%get3A, %get3A_0] : memref<3200x256xf32, #tpu.memory_space<vmem>>, vector<3200x256xf32>
    %get3A_2 = arith.constant 0 : index
    %get3A_3 = arith.constant 0 : index
    %get3A_4 = vector.load %arg5[%get3A_2, %get3A_3] : memref<256x256xf32, #tpu.memory_space<vmem>>, vector<256x256xf32>
    %dot_general3A = arith.constant dense<0.000000e+00> : vector<3200x256xf32>
    %dot_general3A_5 = tpu.matmul %get3A_1, %get3A_4, %dot_general3A {dimension_numbers = #tpu.dot_dimension_numbers<[1], [0], [0], [1], [0, 0, 1, 1], [], []>, transpose_lhs_hint = false} : vector<3200x256xf32>, vector<256x256xf32>, vector<3200x256xf32> -> vector<3200x256xf32>
    %get3A_6 = arith.constant 0 : index
    %get3A_7 = arith.constant 0 : index
    %get3A_8 = arith.constant 0 : index
    %get3A_9 = vector.load %arg4[%get3A_6, %get3A_7, %get3A_8] : memref<1x1x3200xi32, #tpu.memory_space<vmem>>, vector<1x1x3200xi32>
    %get3A_10 = vector.shape_cast %get3A_9 : vector<1x1x3200xi32> to vector<3200xi32>
    %iota3A = tpu.iota {dimensions = array<i32: 1>} : vector<1x128xi32>
    %broadcast_in_dim3A = vector.shape_cast %get3A_10 : vector<3200xi32> to vector<3200x1xi32>
    %eq3A = vector.broadcast %broadcast_in_dim3A : vector<3200x1xi32> to vector<3200x128xi32>
    %eq3A_11 = vector.broadcast %iota3A : vector<1x128xi32> to vector<3200x128xi32>
    %eq3A_12 = arith.cmpi eq, %eq3A, %eq3A_11 : vector<3200x128xi32>
    %convert_element_type3A = arith.extui %eq3A_12 : vector<3200x128xi1> to vector<3200x128xi32>
    %convert_element_type3A_13 = arith.sitofp %convert_element_type3A : vector<3200x128xi32> to vector<3200x128xf32>
    %get3A_14 = arith.constant 0 : index
    %get3A_15 = arith.constant 0 : index
    %get3A_16 = vector.load %arg6[%get3A_14, %get3A_15] : memref<128x256xf32, #tpu.memory_space<vmem>>, vector<128x256xf32>
    %dot_general3A_17 = arith.constant dense<0.000000e+00> : vector<3200x256xf32>
    %dot_general3A_18 = tpu.matmul %convert_element_type3A_13, %get3A_16, %dot_general3A_17 {dimension_numbers = #tpu.dot_dimension_numbers<[1], [0], [0], [1], [0, 0, 1, 1], [], []>, transpose_lhs_hint = false} : vector<3200x128xf32>, vector<128x256xf32>, vector<3200x256xf32> -> vector<3200x256xf32>
    %get3A_19 = arith.constant 0 : index
    %get3A_20 = arith.constant 0 : index
    %get3A_21 = vector.load %arg2[%get3A_19, %get3A_20] : memref<3200x128xf32, #tpu.memory_space<vmem>>, vector<3200x128xf32>
    %slice3A = vector.extract_strided_slice %dot_general3A_5 {offsets = [0, 0], sizes = [3200, 128], strides = [1, 1]} : vector<3200x256xf32> to vector<3200x128xf32>
    %add3A = arith.addf %get3A_21, %slice3A : vector<3200x128xf32>
    %slice3A_22 = vector.extract_strided_slice %dot_general3A_18 {offsets = [0, 0], sizes = [3200, 128], strides = [1, 1]} : vector<3200x256xf32> to vector<3200x128xf32>
    %add3A_23 = arith.addf %add3A, %slice3A_22 : vector<3200x128xf32>
    %ge3A = arith.constant 0.000000e+00 : f32
    %ge3A_24 = vector.broadcast %ge3A : f32 to vector<3200x128xf32>
    %ge3A_25 = arith.cmpf oge, %add3A_23, %ge3A_24 : vector<3200x128xf32>
    %mul3A = arith.constant 0.00999999977 : f32
    %mul3A_26 = vector.broadcast %mul3A : f32 to vector<3200x128xf32>
    %mul3A_27 = arith.mulf %mul3A_26, %add3A_23 : vector<3200x128xf32>
    %select_n3A = arith.select %ge3A_25, %add3A_23, %mul3A_27 : vector<3200x128xi1>, vector<3200x128xf32>
    %get3A_28 = arith.constant 0 : index
    %get3A_29 = arith.constant 0 : index
    %get3A_30 = vector.load %arg3[%get3A_28, %get3A_29] : memref<3200x128xf32, #tpu.memory_space<vmem>>, vector<3200x128xf32>
    %slice3A_31 = vector.extract_strided_slice %dot_general3A_5 {offsets = [0, 128], sizes = [3200, 128], strides = [1, 1]} : vector<3200x256xf32> to vector<3200x128xf32>
    %add3A_32 = arith.addf %get3A_30, %slice3A_31 : vector<3200x128xf32>
    %slice3A_33 = vector.extract_strided_slice %dot_general3A_18 {offsets = [0, 128], sizes = [3200, 128], strides = [1, 1]} : vector<3200x256xf32> to vector<3200x128xf32>
    %add3A_34 = arith.addf %add3A_32, %slice3A_33 : vector<3200x128xf32>
    %ge3A_35 = arith.constant 0.000000e+00 : f32
    %ge3A_36 = vector.broadcast %ge3A_35 : f32 to vector<3200x128xf32>
    %ge3A_37 = arith.cmpf oge, %add3A_34, %ge3A_36 : vector<3200x128xf32>
    %mul3A_38 = arith.constant 0.00999999977 : f32
    %mul3A_39 = vector.broadcast %mul3A_38 : f32 to vector<3200x128xf32>
    %mul3A_40 = arith.mulf %mul3A_39, %add3A_34 : vector<3200x128xf32>
    %select_n3A_41 = arith.select %ge3A_37, %add3A_34, %mul3A_40 : vector<3200x128xi1>, vector<3200x128xf32>
    %get3A_42 = arith.constant 0 : index
    %get3A_43 = arith.constant 0 : index
    %get3A_44 = vector.load %arg7[%get3A_42, %get3A_43] : memref<128x128xf32, #tpu.memory_space<vmem>>, vector<128x128xf32>
    %dot_general3A_45 = arith.constant dense<0.000000e+00> : vector<3200x128xf32>
    %dot_general3A_46 = tpu.matmul %select_n3A_41, %get3A_44, %dot_general3A_45 {dimension_numbers = #tpu.dot_dimension_numbers<[1], [0], [0], [1], [0, 0, 1, 1], [], []>, transpose_lhs_hint = false} : vector<3200x128xf32>, vector<128x128xf32>, vector<3200x128xf32> -> vector<3200x128xf32>
    %get3A_47 = arith.constant 0 : index
    %get3A_48 = arith.constant 0 : index
    %get3A_49 = vector.load %arg8[%get3A_47, %get3A_48] : memref<1x128xf32, #tpu.memory_space<vmem>>, vector<1x128xf32>
    %add3A_50 = vector.broadcast %get3A_49 : vector<1x128xf32> to vector<3200x128xf32>
    %add3A_51 = arith.addf %dot_general3A_46, %add3A_50 : vector<3200x128xf32>
    %mul3A_52 = arith.mulf %select_n3A, %add3A_51 : vector<3200x128xf32>
    %reduce_sum3A = arith.constant dense<0.000000e+00> : vector<3200xf32>
    %reduce_sum3A_53 = vector.multi_reduction <add>, %mul3A_52, %reduce_sum3A [1] : vector<3200x128xf32> to vector<3200xf32>
    %swap3A = arith.constant 0 : index
    %swap3A_54 = arith.constant 0 : index
    %swap3A_55 = arith.constant 0 : index
    %swap3A_56 = vector.load %arg9[%swap3A, %swap3A_54, %swap3A_55] : memref<1x1x3200xf32, #tpu.memory_space<vmem>>, vector<1x1x3200xf32>
    %swap3A_57 = vector.shape_cast %swap3A_56 : vector<1x1x3200xf32> to vector<3200xf32>
    %swap3A_58 = vector.shape_cast %reduce_sum3A_53 : vector<3200xf32> to vector<1x1x3200xf32>
    tpu.vector_store %arg9[%swap3A, %swap3A_54, %swap3A_55], %swap3A_58 {strides = array<i32>} : memref<1x1x3200xf32, #tpu.memory_space<vmem>>, vector<1x1x3200xf32>,
    return
  }
  func.func @transform_0(%arg0: i32) -> (i32, i32) {
    %add3A = arith.constant 25 : i32
    %add3A_0 = arith.addi %arg0, %add3A : i32
    %c0_i32 = arith.constant 0 : i32
    %c0_i32_1 = arith.constant 0 : i32
    return %add3A_0, %c0_i32 : i32, i32
  }
  func.func @transform_1(%arg0: i32) -> (i32, i32) {
    %c0_i32 = arith.constant 0 : i32
    %c0_i32_0 = arith.constant 0 : i32
    return %arg0, %c0_i32 : i32, i32
  }
  func.func @transform_2(%arg0: i32) -> (i32, i32) {
    %c0_i32 = arith.constant 0 : i32
    %c0_i32_0 = arith.constant 0 : i32
    return %arg0, %c0_i32 : i32, i32
  }
  func.func @transform_3(%arg0: i32) -> (i32, i32, i32) {
    %add3A = arith.constant 25 : i32
    %add3A_0 = arith.addi %arg0, %add3A : i32
    %c0_i32 = arith.constant 0 : i32
    %c0_i32_1 = arith.constant 0 : i32
    %c0_i32_2 = arith.constant 0 : i32
    return %add3A_0, %c0_i32, %c0_i32_1 : i32, i32, i32
  }
  func.func @transform_4(%arg0: i32) -> (i32, i32) {
    %c0_i32 = arith.constant 0 : i32
    %c0_i32_0 = arith.constant 0 : i32
    %c0_i32_1 = arith.constant 0 : i32
    return %c0_i32, %c0_i32_0 : i32, i32
  }
  func.func @transform_5(%arg0: i32) -> (i32, i32) {
    %c0_i32 = arith.constant 0 : i32
    %c0_i32_0 = arith.constant 0 : i32
    %c0_i32_1 = arith.constant 0 : i32
    return %c0_i32, %c0_i32_0 : i32, i32
  }
  func.func @transform_6(%arg0: i32) -> (i32, i32) {
    %c0_i32 = arith.constant 0 : i32
    %c0_i32_0 = arith.constant 0 : i32
    %c0_i32_1 = arith.constant 0 : i32
    return %c0_i32, %c0_i32_0 : i32, i32
  }
  func.func @transform_7(%arg0: i32) -> (i32, i32) {
    %c0_i32 = arith.constant 0 : i32
    %c0_i32_0 = arith.constant 0 : i32
    %c0_i32_1 = arith.constant 0 : i32
    return %c0_i32, %c0_i32_0 : i32, i32
  }
  func.func @transform_8(%arg0: i32) -> (i32, i32, i32) {
    %c0_i32 = arith.constant 0 : i32
    %c0_i32_0 = arith.constant 0 : i32
    %c0_i32_1 = arith.constant 0 : i32
    return %arg0, %c0_i32, %c0_i32_0 : i32, i32, i32
  }
}

module attributes {stable_mosaic.version = 14 : i64} {
  func.func @_combine_body(%arg0: i32, %arg1: memref<32x4096xf32, #tpu.memory_space<vmem>>, %arg2: memref<4096xf32, #tpu.memory_space<vmem>>) attributes {dimension_semantics = [#tpu.dimension_semantics<arbitrary>], iteration_bounds = array<i64: 5>, scalar_prefetch = 0 : i64, scratch_operands = 0 : i64, tpu.core_type = #tpu.core_type<tc>, window_params = [{transform_indices = @transform_0, window_bounds = array<i64: 32, 4096>}, {transform_indices = @transform_1, window_bounds = array<i64: 4096>}]} {
    %get3A = arith.constant 0 : index
    %get3A_0 = arith.constant 0 : index
    %get3A_1 = vector.load %arg1[%get3A, %get3A_0] : memref<32x4096xf32, #tpu.memory_space<vmem>>, vector<32x4096xf32>
    %reduce_max3A = arith.constant dense<0xFF800000> : vector<4096xf32>
    %reduce_max3A_2 = vector.multi_reduction <maximumf>, %get3A_1, %reduce_max3A [0] : vector<32x4096xf32> to vector<4096xf32>
    %swap3A = arith.constant 0 : index
    %swap3A_3 = vector.load %arg2[%swap3A] : memref<4096xf32, #tpu.memory_space<vmem>>, vector<4096xf32>
    tpu.vector_store %arg2[%swap3A], %reduce_max3A_2 {strides = array<i32>} : memref<4096xf32, #tpu.memory_space<vmem>>, vector<4096xf32>,
    return
  }
  func.func @transform_0(%arg0: i32) -> (i32, i32) {
    %c0_i32 = arith.constant 0 : i32
    %c0_i32_0 = arith.constant 0 : i32
    return %c0_i32, %arg0 : i32, i32
  }
  func.func @transform_1(%arg0: i32) -> i32 {
    %c0_i32 = arith.constant 0 : i32
    return %arg0 : i32
  }
}

module attributes {stable_mosaic.version = 14 : i64} {
  func.func @_combine_body(%arg0: i32, %arg1: memref<32x4096xf32, #tpu.memory_space<vmem>>, %arg2: memref<4096xf32, #tpu.memory_space<vmem>>) attributes {dimension_semantics = [#tpu.dimension_semantics<arbitrary>], iteration_bounds = array<i64: 5>, scalar_prefetch = 0 : i64, scratch_operands = 0 : i64, tpu.core_type = #tpu.core_type<tc>, window_params = [{transform_indices = @transform_0, window_bounds = array<i64: 32, 4096>}, {transform_indices = @transform_1, window_bounds = array<i64: 4096>}]} {
    %get3A = arith.constant 0 : index
    %get3A_0 = arith.constant 0 : index
    %get3A_1 = vector.load %arg1[%get3A, %get3A_0] : memref<32x4096xf32, #tpu.memory_space<vmem>>, vector<32x4096xf32>
    %reduce_sum3A = arith.constant dense<0.000000e+00> : vector<4096xf32>
    %reduce_sum3A_2 = vector.multi_reduction <add>, %get3A_1, %reduce_sum3A [0] : vector<32x4096xf32> to vector<4096xf32>
    %swap3A = arith.constant 0 : index
    %swap3A_3 = vector.load %arg2[%swap3A] : memref<4096xf32, #tpu.memory_space<vmem>>, vector<4096xf32>
    tpu.vector_store %arg2[%swap3A], %reduce_sum3A_2 {strides = array<i32>} : memref<4096xf32, #tpu.memory_space<vmem>>, vector<4096xf32>,
    return
  }
  func.func @transform_0(%arg0: i32) -> (i32, i32) {
    %c0_i32 = arith.constant 0 : i32
    %c0_i32_0 = arith.constant 0 : i32
    return %c0_i32, %arg0 : i32, i32
  }
  func.func @transform_1(%arg0: i32) -> i32 {
    %c0_i32 = arith.constant 0 : i32
    return %arg0 : i32
  }
}

module attributes {stable_mosaic.version = 14 : i64} {
  func.func @_final_body(%arg0: i32, %arg1: memref<32x4096xf32, #tpu.memory_space<vmem>>, %arg2: memref<32x4096xf32, #tpu.memory_space<vmem>>, %arg3: memref<4096x256xf32, #tpu.memory_space<vmem>>, %arg4: memref<4096xf32, #tpu.memory_space<vmem>>, %arg5: memref<4096x256xf32, #tpu.memory_space<vmem>>) attributes {dimension_semantics = [#tpu.dimension_semantics<arbitrary>], iteration_bounds = array<i64: 5>, scalar_prefetch = 0 : i64, scratch_operands = 0 : i64, tpu.core_type = #tpu.core_type<tc>, window_params = [{transform_indices = @transform_0, window_bounds = array<i64: 32, 4096>}, {transform_indices = @transform_1, window_bounds = array<i64: 32, 4096>}, {transform_indices = @transform_2, window_bounds = array<i64: 4096, 256>}, {transform_indices = @transform_3, window_bounds = array<i64: 4096>}, {transform_indices = @transform_4, window_bounds = array<i64: 4096, 256>}]} {
    %get3A = arith.constant 0 : index
    %get3A_0 = arith.constant 0 : index
    %get3A_1 = vector.load %arg1[%get3A, %get3A_0] : memref<32x4096xf32, #tpu.memory_space<vmem>>, vector<32x4096xf32>
    %reduce_sum3A = arith.constant dense<0.000000e+00> : vector<4096xf32>
    %reduce_sum3A_2 = vector.multi_reduction <add>, %get3A_1, %reduce_sum3A [0] : vector<32x4096xf32> to vector<4096xf32>
    %get3A_3 = arith.constant 0 : index
    %get3A_4 = arith.constant 0 : index
    %get3A_5 = vector.load %arg2[%get3A_3, %get3A_4] : memref<32x4096xf32, #tpu.memory_space<vmem>>, vector<32x4096xf32>
    %reduce_sum3A_6 = arith.constant dense<0.000000e+00> : vector<4096xf32>
    %reduce_sum3A_7 = vector.multi_reduction <add>, %get3A_5, %reduce_sum3A_6 [0] : vector<32x4096xf32> to vector<4096xf32>
    %swap3A = arith.constant 0 : index
    %swap3A_8 = vector.load %arg4[%swap3A] : memref<4096xf32, #tpu.memory_space<vmem>>, vector<4096xf32>
    tpu.vector_store %arg4[%swap3A], %reduce_sum3A_7 {strides = array<i32>} : memref<4096xf32, #tpu.memory_space<vmem>>, vector<4096xf32>,
    %broadcast_in_dim3A = vector.shape_cast %reduce_sum3A_2 : vector<4096xf32> to vector<4096x1xf32>
    %get3A_9 = arith.constant 0 : index
    %get3A_10 = arith.constant 0 : index
    %get3A_11 = vector.load %arg3[%get3A_9, %get3A_10] : memref<4096x256xf32, #tpu.memory_space<vmem>>, vector<4096x256xf32>
    %mul3A = vector.broadcast %broadcast_in_dim3A : vector<4096x1xf32> to vector<4096x256xf32>
    %mul3A_12 = arith.mulf %mul3A, %get3A_11 : vector<4096x256xf32>
    %swap3A_13 = arith.constant 0 : index
    %swap3A_14 = arith.constant 0 : index
    %swap3A_15 = vector.load %arg5[%swap3A_13, %swap3A_14] : memref<4096x256xf32, #tpu.memory_space<vmem>>, vector<4096x256xf32>
    tpu.vector_store %arg5[%swap3A_13, %swap3A_14], %mul3A_12 {strides = array<i32>} : memref<4096x256xf32, #tpu.memory_space<vmem>>, vector<4096x256xf32>,
    return
  }
  func.func @transform_0(%arg0: i32) -> (i32, i32) {
    %c0_i32 = arith.constant 0 : i32
    %c0_i32_0 = arith.constant 0 : i32
    return %c0_i32, %arg0 : i32, i32
  }
  func.func @transform_1(%arg0: i32) -> (i32, i32) {
    %c0_i32 = arith.constant 0 : i32
    %c0_i32_0 = arith.constant 0 : i32
    return %c0_i32, %arg0 : i32, i32
  }
  func.func @transform_2(%arg0: i32) -> (i32, i32) {
    %c0_i32 = arith.constant 0 : i32
    %c0_i32_0 = arith.constant 0 : i32
    return %arg0, %c0_i32 : i32, i32
  }
  func.func @transform_3(%arg0: i32) -> i32 {
    %c0_i32 = arith.constant 0 : i32
    return %arg0 : i32
  }
  func.func @transform_4(%arg0: i32) -> (i32, i32) {
    %c0_i32 = arith.constant 0 : i32
    %c0_i32_0 = arith.constant 0 : i32
    return %arg0, %c0_i32 : i32, i32
  }
}

</mosaic_0001>

<sc_bundles>
// kernel: kernel.14.cloned.1.call-start
scs
__scs_entry_jumppad:
0x0: {  	(pc) =	sbr.rel $0x88, $3  }
0x1: {  	(tag) =	ssettag $0x0;
	lr =	simm.s32 $0x1  }
0x2: {  	[smem:$0x3F8E] =	sst lr;
	_ =	strace $0xD0000000  }
0x3: {  	_ = 	snop  }
0x4: {  	_ = 	snop  }
0x5: {  	_ = 	snop  }
0x6: {  	_ = 	snop  }
0x7: {  	_ = 	snop  }
__scs_overlays_trampoline_lowered:
0x8: {  	[smem:$0x3F9D] =	sst s0  }
0x9: {  	[smem:$0x3F9E] =	sst s1  }
0xa: {  	[smem:$0x3F9F] =	sst s2  }
0xb: {  	[smem:$0x3FA0] =	sst s3  }
0xc: {  	[smem:$0x3FA1] =	sst s4  }
0xd: {  	[smem:$0x3FA2] =	sst s5  }
0xe: {  	[smem:$0x3FA3] =	sst s6  }
0xf: {  	[smem:$0x3FA4] =	sst s7  }
0x10: {  	[smem:$0x3FA5] =	sst s8  }
0x11: {  	[smem:$0x3FA6] =	sst s9;
	s0 =	simm.s32 @!p0 $0x0  }
0x12: {  	s1 =	sld [smem:$0x3F8C];
	s0 =	simm.s32 @p0 $0x1  }
0x13: {  	[smem:$0x3FA7] =	sst s0;
	s0 =	simm.s32 @!p1 $0x0  }
0x14: {  	s2 =	sld [smem:$0x3F8B];
	s0 =	simm.s32 @p1 $0x1  }
0x15: {  	[smem:$0x3FA8] =	sst s0;
	s0 =	simm.s32 @!p2 $0x0  }
0x16: {  	s3 =	sld [smem:$0x3FDB];
	s0 =	simm.s32 @p2 $0x1  }
0x17: {  	s4 =	simm.s32 $0x1BF5;
	[smem:$0x3FAA] =	sst s0  }
0x18: {  	s0 =	sld [smem:$0x3F8D];
	_ =	swait.ge [sflag:s4], $0x0  }
0x19: {  	s7 =	sld [smem:$0x3F8E]  }
0x1a: {  	s8 =	sadd.s32 $0xFFFFE003, lr  }
0x1b: {  	s9 =	sadd.s32 $0xFFFFFEF7, lr;
	s5 =	simm.s32 $0xFFFFFFFF;
	p2 =	slt.u32 s8, $0xFFFFF086  }
0x1c: {  	p1 =	slt.u32 s9, $0xF7A;
	s5 =	simm.s32 @!p2 $0x0  }
0x1d: {  	s5 =	simm.s32 @p1 $0x1;
	p0 =	seq.s32 s7, s2  }
0x1e: {  	s7 =	smul.u32 @!p0 $0xF7A, s2;
	p2 =	seq.s32 @!p0 s5, $0x0  }
0x1f: {  	s9 =	smul.u32 $0xF7A, s1;
	s8 =	simm.s32 @!p0 $0x1BF5;
	p2 =	por !p2, p0  }
0x20: {  	[sflag:s8] =	ssyncset.s32 @!p0 $0xFFFFF086;
	s6 =	sadd.s32 @!p0 s3, s7;
	s7 =	simm.s32 @!p0 $0x108  }
0x21: {  	s3 =	sadd.s32 s3, s9;
	s6 =	sadd.s32 @!p0 $0x88, s6;
	s7 =	simm.s32 @p2 $0x1082  }
0x22: {  	[simem:s7], [sflag:s8] =	dma.local @!p0 [hbm:s6], $0xF7A  }
0x23: {  	s9 =	sor.u32 $0xD0000000, s2;
	s6 =	simm.s32 $0x108;
	_ =	swait.ge @!p0 [sflag:s8], $0x0  }
0x24: {  	s3 =	sadd.s32 $0x88, s3;
	s6 =	simm.s32 @!p1 $0x1082;
	[sflag:s4] =	ssyncset.s32 $0xFFFFF086  }
0x25: {  	[simem:s6], [sflag:s4] =	dma.local [hbm:s3], $0xF7A  }
0x26: {  	[smem:$0x3F8E] =	sst s1;
	(tag) =	ssettag s2;
	_ =	strace s9  }
0x27: {  	s1 =	sld [smem:$0x3F9E]  }
0x28: {  	s2 =	sld [smem:$0x3F9F]  }
0x29: {  	s4 =	sld [smem:$0x3FA1]  }
0x2a: {  	p0 =	seq.s32 s5, $0x0;
	s5 =	sld [smem:$0x3FA2]  }
0x2b: {  	s6 =	sld [smem:$0x3FA3]  }
0x2c: {  	s7 =	sld [smem:$0x3FA4]  }
0x2d: {  	s3 =	simm.s32 $0x108;
	s8 =	sld [smem:$0x3FA5]  }
0x2e: {  	s3 =	simm.s32 @!p0 $0x1082;
	s9 =	sld [smem:$0x3FA6]  }
0x2f: {  	lr =	sadd.s32 s0, s3;
	s0 =	sld [smem:$0x3F9D]  }
0x30: {  	s3 =	sld [smem:$0x3FA0]  }
0x31: {  	[smem:$0x3FA9] =	sst s10  }
0x32: {  	s10 =	sld [smem:$0x3FA7];
	_ =	sdelay $0x3  }
0x33: {  	p0 =	seq.s32 s10, $0x1;
	s10 =	sld [smem:$0x3FA9];
	_ =	sdelay $0x3  }
0x34: {  	[smem:$0x3FA9] =	sst s10  }
0x35: {  	s10 =	sld [smem:$0x3FA8];
	_ =	sdelay $0x3  }
0x36: {  	p1 =	seq.s32 s10, $0x1;
	s10 =	sld [smem:$0x3FA9];
	_ =	sdelay $0x3  }
0x37: {  	[smem:$0x3FA9] =	sst s10  }
0x38: {  	s10 =	sld [smem:$0x3FAA]  }
0x39: {  	_ = 	snop;
	(pc) =	sbr.ind lr, $3  }
0x3a: {  	_ = 	snop  }
0x3b: {  	_ = 	snop  }
0x3c: {  	p2 =	seq.s32 s10, $0x1;
	s10 =	sld [smem:$0x3FA9]  }
0x3d: {  	_ =	shalt  }
0x3e: {  	_ =	shalt  }
0x3f: {  	_ =	shalt  }
0x40: {  	_ =	shalt  }
0x41: {  	_ =	shalt  }
0x42: {  	_ =	shalt  }
0x43: {  	_ =	shalt  }
0x44: {  	_ =	shalt  }
0x45: {  	_ =	shalt  }
0x46: {  	_ =	shalt  }
0x47: {  	_ =	shalt  }
0x48: {  	_ =	shalt  }
0x49: {  	_ =	shalt  }
0x4a: {  	_ =	shalt  }
0x4b: {  	_ =	shalt  }
0x4c: {  	_ =	shalt  }
0x4d: {  	_ =	shalt  }
0x4e: {  	_ =	shalt  }
0x4f: {  	_ =	shalt  }
0x50: {  	_ =	shalt  }
0x51: {  	_ =	shalt  }
0x52: {  	_ =	shalt  }
0x53: {  	_ =	shalt  }
0x54: {  	_ =	shalt  }
0x55: {  	_ =	shalt  }
0x56: {  	_ =	shalt  }
0x57: {  	_ =	shalt  }
0x58: {  	_ =	shalt  }
0x59: {  	_ =	shalt  }
0x5a: {  	_ =	shalt  }
0x5b: {  	_ =	shalt  }
0x5c: {  	_ =	shalt  }
0x5d: {  	_ =	shalt  }
0x5e: {  	_ =	shalt  }
0x5f: {  	_ =	shalt  }
0x60: {  	_ =	shalt  }
0x61: {  	_ =	shalt  }
0x62: {  	_ =	shalt  }
0x63: {  	_ =	shalt  }
0x64: {  	_ =	shalt  }
0x65: {  	_ =	shalt  }
0x66: {  	_ =	shalt  }
0x67: {  	_ =	shalt  }
0x68: {  	_ =	shalt  }
0x69: {  	_ =	shalt  }
0x6a: {  	_ =	shalt  }
0x6b: {  	_ =	shalt  }
0x6c: {  	_ =	shalt  }
0x6d: {  	_ =	shalt  }
0x6e: {  	_ =	shalt  }
0x6f: {  	_ =	shalt  }
0x70: {  	_ =	shalt  }
0x71: {  	_ =	shalt  }
0x72: {  	_ =	shalt  }
0x73: {  	_ =	shalt  }
0x74: {  	_ =	shalt  }
0x75: {  	_ =	shalt  }
0x76: {  	_ =	shalt  }
0x77: {  	_ =	shalt  }
0x78: {  	_ =	shalt  }
0x79: {  	_ =	shalt  }
0x7a: {  	_ =	shalt  }
0x7b: {  	_ =	shalt  }
0x7c: {  	_ =	shalt  }
0x7d: {  	_ =	shalt  }
0x7e: {  	_ =	shalt  }
0x7f: {  	_ =	shalt  }
0x80: {  	_ =	shalt  }
0x81: {  	_ =	shalt  }
0x82: {  	_ =	shalt  }
0x83: {  	_ =	shalt  }
0x84: {  	_ =	shalt  }
0x85: {  	_ =	shalt  }
0x86: {  	_ =	shalt  }
0x87: {  	_ =	shalt  }
.Lfunc_end0:
.L_simem_size_0:
called_computation_lowered:
.L_overlay_start_0:
0x88: {  	s2 =	sld [smem:$0x3FD9]  }
0x89: {  	s3 =	sld [smem:$0x3FFE];
	_ =	sdelay $0x1  }
0x8a: {  	s1 =	srdreg.scid  }
0x8b: {  	s0 =	sand.u32 $0x1, s1  }
0x8c: {  	s14 =	sshll.u32 s0, $0xA;
	s2 =	sadd.s32 s3, s2  }
0x8d: {  	s2 =	sadd.s32 s2, s14  }
0x8e: {  	[smem:$0x3FB5] =	sst s2  }
0x8f: {  	_ = 	snop  }
0x90: {  	s2 =	sld [smem:$0x3FD0];
	_ =	sdelay $0x2  }
0x91: {  	s15 =	simm.s32 $0xB;
	s4 =	simm.s32 $0x10  }
0x92: {  	[smem:s4], [sflag:s15] =	dma.local [hbm:s2], $0x1  }
0x93: {  	_ =	swait.eq [sflag:s15], $0x1  }
0x94: {  	[sflag:s15] =	ssyncset.done $0x0  }
0x95: {  	[sflag:s15] =	ssyncadd.s32 $0xFFFFFFFF  }
0x96: {  	s16 =	sld [smem:$0x11];
	(tm) =	ssettm $0x1  }
0x97: {  	s17 =	sld [smem:$0x3FFB];
	_ =	sdelay $0x3  }
0x98: {  	_ =	strace s17  }
0x99: {  	s3 =	sld [smem:$0x3FFC];
	_ =	sdelay $0x3  }
0x9a: {  	_ =	strace s3  }
0x9b: {  	s3 =	sld [smem:$0x3FFD];
	_ =	sdelay $0x3  }
0x9c: {  	_ =	strace s3  }
0x9d: {  	_ =	strace $0x8FFFFFFF  }
0x9e: {  	s18 =	sld [smem:$0x3FDB];
	_ =	sdelay $0x1  }
0x9f: {  	s19 =	simm.s32 $_scs_section_size  }
0xa0: {  	s5 =	simm.s32 $_size__tile_overlayer_lowered;
	s6 =	simm.s32 $_tile_overlayer_lowered  }
0xa1: {  	s22 =	simm.s32 $0x1BFF;
	s21 =	sshll.u32 s6, $0x1;
	s3 =	sadd.s32 s19, s18  }
0xa2: {  	s7 =	simm.s32 $0x0;
	s20 =	sshll.u32 s5, $0x1;
	s5 =	sadd.s32 s21, s3  }
0xa3: {  	[timem:s7], [sflag:s22] =	dma.local [hbm:s5], s20  }
0xa4: {  	_ =	swait.ge [sflag:s22], s20  }
0xa5: {  	s4 =	ssub.s32 $0x0, s20;
	[sflag:s22] =	ssyncset.done $0x0  }
0xa6: {  	[sflag:s22] =	ssyncadd.s32 s4;
	_ =	sdelay $0x1  }
0xa7: {  	s23 =	simm.s32 $0x1B8B  }
0xa8: {  	_ =	swait.ge [sflag:s23], $0x1  }
0xa9: {  	[sflag:s23] =	ssyncset.done $0x0  }
0xaa: {  	s25 =	simm.s32 $0x1B8E;
	s24 =	sld [smem:$0x3FFE];
	[sflag:s23] =	ssyncadd.s32 $0xFFFFFFFF  }
0xab: {  	s26 =	simm.s32 $execute0_lowered;
	[smem:$0x3FD2] =	sst s25  }
0xac: {  	s5 =	sshll.u32 s26, $0x1;
	_ =	strace $0x80000046;
	[dreg:$0x1] =	wrdreg $0xFFFFFFFF  }
0xad: {  	s28 =	simm.s32 $_size_execute0_lowered;
	s3 =	sadd.s32 s3, s5;
	[dreg:$0x0] =	wrdreg $0x0  }
0xae: {  	s5 =	sshll.u32 s28, $0x1;
	[dreg:$0x2] =	wrdreg s3  }
0xaf: {  	[dreg:$0x3] =	wrdreg s5  }
0xb0: {  	[dreg:$0x4] =	wrdreg $0xC0  }
0xb1: {  	_ =	task [dreg:s7], $0x5FFFF  }
0xb2: {  	[dreg:$0x1] =	wrdreg $0xFFFFFFFF  }
0xb3: {  	[dreg:$0x0] =	wrdreg $0x60  }
0xb4: {  	[dreg:$0x2] =	wrdreg s16  }
0xb5: {  	[dreg:$0x3] =	wrdreg s24  }
0xb6: {  	[dreg:$0x4] =	wrdreg $0x9  }
0xb7: {  	_ =	task.clear_ibuf [dreg:s7], $0x5FFFF;
	_ =	strace $0x90000046  }
0xb8: {  	s29 =	simm.s32 $0x9;
	_ =	strace $0x80000048  }
0xb9: {  	_ =	swait.ge [sflag:s29], $0x1  }
0xba: {  	[sflag:s29] =	ssyncadd.s32 $0xFFFFFFFF  }
0xbb: {  	_ =	strace $0x90000048  }
0xbc: {  	_ =	sfence  }
0xbd: {  	s30 =	sld [smem:$0x0];
	_ =	sdelay $0x2  }
0xbe: {  	s31 =	sshll.u32 s1, $0xD;
	s1 =	sshrl.u32 s1, $0x2  }
0xbf: {  	s3 =	sand.u32 $0x4000, s31;
	s1 =	sadd.s32 s1, s30  }
0xc0: {  	s0 =	sor.u32 s3, s0;
	s1 =	sshll.u32 s1, $0x11  }
0xc1: {  	s0 =	sor.u32 s1, s0  }
0xc2: {  	s0 =	sadd.s32 $0x8F2B, s0  }
0xc3: {  	[sflag:s0] =	ssyncadd.remote.s32 $0x1  }
0xc4: {  	_ =	sfence.sel $0xFFFF  }
0xc5: {  	[dreg:$0x0] =	wrdreg $0xFFFFFFFF;
	(pc) =	sbr.abs _section_cstart, $3  }
0xc6: {  	[dreg:$0x1] =	wrdreg $0xFFFFFFFF  }
0xc7: {  	_ =	task.clear_ibuf [dreg:s7], $0x2FFFF;
	_ =	strace $0x9FFFFFFF  }
0xc8: {  	(tm) =	ssettm $0x7FFFFFFF  }
0xc9: {  	_ =	shalt  }
tec
execute0_lowered:
.L_overlay_start_1:
0x0: {  	(tag) =	ssettag $0x1  }
0x1: {  	s2 =	rddreg [dreg:$0x0];
	s0 =	srdreg.scid  }
0x2: {  	s15 =	stileid.u32;
	s1 =	rddreg [dreg:$0x1]  }
0x3: {  	s3 =	simm.s32 $0x0;
	s28 =	simm.s32 $0xD400;
	s22 =	smul.u32 $0xA0000, s15  }
0x4: {  	s29 =	simm.s32 $0x1;
	s0 =	sand.u32 $0x1, s0;
	s24 =	smul.u32 $0x14000, s15  }
0x5: {  	s30 =	simm.s32 $0x3;
	s4 =	sshll.u32 s15, $0x1;
	s14 =	smul.u32 $0x50000, s0  }
0x6: {  	s5 =	sor.u32 s0, s4;
	s7 =	ssub.s32 $0x2, s0;
	s0 =	smul.u32 $0xA000, s0  }
0x7: {  	[smem:$0x7FF] =	sst s3;
	s17 =	sadd.s32 $0x145600, s1;
	s6 =	smul.u32 $0xA00, s5  }
0x8: {  	s31 =	simm.s32 $0x0;
	_ =	strace $0x80000047;
	s9 =	smul.u32 $0x50000, s5  }
0x9: {  	s4 =	sadd.s32 $0x5600, s1;
	s8 =	sshrl.u32 s7, $0x1;
	s5 =	smul.u32 $0xA000, s5  }
0xa: {  	s26 =	sadd.s32 s24, s17;
	s7 =	ssub.s32 s7, s8;
	s23 =	sadd.s32 s14, s22  }
0xb: {  	s22 =	simm.s32 $0x80;
	s6 =	sshrl.u32 s6, $0x3;
	s11 =	sshrl.u32 s9, $0x3  }
0xc: {  	s19 =	smax.u32 s7, $0x1;
	s21 =	sor.u32 $0x800, s5;
	s5 =	sadd.s32 $0x9800, s5  }
0xd: {  	s6 =	sadd.s32 s6, s1;
	s1 =	sadd.s32 $0x285600, s1;
	[dreg:$0x5] =	wrdreg s19  }
0xe: {  	s20 =	sadd.s32 s17, s11;
	s10 =	sadd.s32 s17, s21;
	s13 =	sadd.s32 $0x9000, s11  }
0xf: {  	s14 =	sadd.s32 s17, s5;
	s18 =	sadd.s32 $0x57E00, s6;
	s6 =	sadd.s32 $0x55600, s6  }
0x10: {  	[dreg:$0x6] =	wrdreg s20;
	s9 =	sadd.s32 s1, s11;
	s11 =	sadd.s32 s1, s21  }
0x11: {  	s12 =	sadd.s32 s17, s13;
	s13 =	sadd.s32 s1, s13;
	s15 =	sadd.s32 s1, s5  }
0x12: {  	s20 =	simm.s32 $0x5;
	s21 =	simm.s32 $0xA00;
	[dreg:$0x3] =	wrdreg s18  }
0x13: {  	[dreg:$0x4] =	wrdreg s6;
	s6 =	sor.u32 $0x8000, s23;
	s23 =	simm.s32 $0x1400  }
0x14: {  	s25 =	sshrl.u32 s6, $0x3;
	s6 =	sadd.s32 s0, s26;
	s26 =	simm.s32 $0x4  }
0x15: {  	s16 =	sadd.s32 s25, s1;
	s1 =	sadd.s32 s24, s1;
	s17 =	sadd.s32 s25, s17  }
0x16: {  	s18 =	sadd.s32 $0x1800, s6;
	s24 =	simm.s32 $0x5400;
	s0 =	sadd.s32 s0, s1  }
0x17: {  	s25 =	simm.s32 $0x9400;
	s19 =	sadd.s32 $0x1800, s0;
	s0 =	simm.s32 $0x2  }
.LBB2_1:
0x18: {  	s1 =	rddreg [dreg:$0x3]  }
0x19: {  	[tilespmem:s3], [sflag:$0x5] =	stream.linear.gather [hbm4b:s1+s3], $0xA00, $0x38;
	[tilespmem:$0x11400] =	vst v63  }
0x1a: {  	_ =	swait.ge [sflag:s20], $0xA00  }
0x1b: {  	[sflag:s20] =	ssyncset.done $0x0  }
0x1c: {  	s5 =	rddreg [dreg:$0x4];
	[sflag:s20] =	ssyncadd.s32 $0xFFFFF600  }
0x1d: {  	[tilespmem:s21], [sflag:$0x5] =	stream.linear.gather [hbm4b:s5+s3], $0xA00, $0x38;
	[tilespmem:$0x11400] =	vst v63  }
0x1e: {  	_ =	swait.ge [sflag:s20], $0xA00  }
0x1f: {  	[sflag:s20] =	ssyncset.done $0x0  }
0x20: {  	[sflag:s20] =	ssyncadd.s32 $0xFFFFF600  }
0x21: {  	[tilespmem:s23], [sflag:$0x1] =	stream.indirect.gather [hbm4b:s2+s22], $0x80, s3, s22, $0xb8;
	[tilespmem:$0x11400] =	vst v63  }
0x22: {  	_ = 	snop  }
0x23: {  	[tilespmem:s24], [sflag:$0x1] =	stream.indirect.gather [hbm4b:s4+s22], $0x80, s21, s22, $0xb8;
	[tilespmem:$0x11400] =	vst v63  }
0x24: {  	_ = 	snop  }
0x25: {  	[tilespmem:s25], [sflag:$0x2] =	stream.indirect.gather [hbm4b:s2+s22], $0x80, s22, s22, $0xb8;
	[tilespmem:$0x11400] =	vst v63  }
0x26: {  	s6 =	simm.s32 $0xA80  }
0x27: {  	[tilespmem:s28], [sflag:$0x2] =	stream.indirect.gather [hbm4b:s4+s22], $0x80, s6, s22, $0xb8;
	[tilespmem:$0x11400] =	vst v63  }
0x28: {  	_ =	swait.ge [sflag:s29], $0x4000  }
0x29: {  	[sflag:s29] =	ssyncset.done $0x0  }
0x2a: {  	[sflag:s29] =	ssyncadd.s32 $0xFFFFC000  }
0x2b: {  	_ =	swait.ge [sflag:s29], $0x4000  }
0x2c: {  	[sflag:s29] =	ssyncset.done $0x0  }
0x2d: {  	s7 =	rddreg [dreg:$0x6];
	[sflag:s29] =	ssyncadd.s32 $0xFFFFC000  }
0x2e: {  	[hbm4b:s7+s3] =	stream.linear.scatter [tilespmem:s23], [sflag:$0x3], $0x4000, $0x38;
	[tilespmem:$0x11400] =	vst v63  }
0x2f: {  	_ = 	snop  }
0x30: {  	[hbm4b:s9+s3] =	stream.linear.scatter [tilespmem:s24], [sflag:$0x3], $0x4000, $0x38;
	[tilespmem:$0x11400] =	vst v63  }
0x31: {  	_ =	swait.ge [sflag:s30], $0x4000  }
0x32: {  	[sflag:s30] =	ssyncset.done $0x0  }
0x33: {  	[sflag:s30] =	ssyncadd.s32 $0xFFFFC000  }
0x34: {  	_ =	swait.ge [sflag:s30], $0x4000  }
0x35: {  	[sflag:s30] =	ssyncset.done $0x0  }
0x36: {  	s8 =	simm.s32 $0x100;
	[sflag:s30] =	ssyncadd.s32 $0xFFFFC000  }
0x37: {  	[tilespmem:s23], [sflag:$0x1] =	stream.indirect.gather [hbm4b:s2+s22], $0x80, s8, s22, $0xb8;
	[tilespmem:$0x11400] =	vst v63  }
0x38: {  	s5 =	simm.s32 $0xB00  }
0x39: {  	[tilespmem:s24], [sflag:$0x1] =	stream.indirect.gather [hbm4b:s4+s22], $0x80, s5, s22, $0xb8;
	[tilespmem:$0x11400] =	vst v63  }
0x3a: {  	_ =	swait.ge [sflag:s0], $0x4000  }
0x3b: {  	[sflag:s0] =	ssyncset.done $0x0  }
0x3c: {  	[sflag:s0] =	ssyncadd.s32 $0xFFFFC000  }
0x3d: {  	_ =	swait.ge [sflag:s0], $0x4000  }
0x3e: {  	[sflag:s0] =	ssyncset.done $0x0  }
0x3f: {  	[sflag:s0] =	ssyncadd.s32 $0xFFFFC000  }
0x40: {  	[hbm4b:s10+s3] =	stream.linear.scatter [tilespmem:s25], [sflag:$0x4], $0x4000, $0x38;
	[tilespmem:$0x11400] =	vst v63  }
0x41: {  	_ = 	snop  }
0x42: {  	[hbm4b:s11+s3] =	stream.linear.scatter [tilespmem:s28], [sflag:$0x4], $0x4000, $0x38;
	[tilespmem:$0x11400] =	vst v63  }
0x43: {  	_ =	swait.ge [sflag:s26], $0x4000  }
0x44: {  	[sflag:s26] =	ssyncset.done $0x0  }
0x45: {  	[sflag:s26] =	ssyncadd.s32 $0xFFFFC000  }
0x46: {  	_ =	swait.ge [sflag:s26], $0x4000  }
0x47: {  	[sflag:s26] =	ssyncset.done $0x0  }
0x48: {  	s6 =	simm.s32 $0x180;
	[sflag:s26] =	ssyncadd.s32 $0xFFFFC000  }
0x49: {  	[tilespmem:s25], [sflag:$0x2] =	stream.indirect.gather [hbm4b:s2+s22], $0x80, s6, s22, $0xb8;
	[tilespmem:$0x11400] =	vst v63  }
0x4a: {  	s7 =	simm.s32 $0xB80  }
0x4b: {  	[tilespmem:s28], [sflag:$0x2] =	stream.indirect.gather [hbm4b:s4+s22], $0x80, s7, s22, $0xb8;
	[tilespmem:$0x11400] =	vst v63  }
0x4c: {  	_ =	swait.ge [sflag:s29], $0x4000  }
0x4d: {  	[sflag:s29] =	ssyncset.done $0x0  }
0x4e: {  	[sflag:s29] =	ssyncadd.s32 $0xFFFFC000  }
0x4f: {  	_ =	swait.ge [sflag:s29], $0x4000  }
0x50: {  	[sflag:s29] =	ssyncset.done $0x0  }
0x51: {  	s8 =	sadd.s32 $0x0, s17;
	[sflag:s29] =	ssyncadd.s32 $0xFFFFC000  }
0x52: {  	[hbm4b:s8+s3] =	stream.linear.scatter [tilespmem:s23], [sflag:$0x3], $0x4000, $0x38;
	[tilespmem:$0x11400] =	vst v63  }
0x53: {  	s5 =	sadd.s32 $0x0, s16  }
0x54: {  	[hbm4b:s5+s3] =	stream.linear.scatter [tilespmem:s24], [sflag:$0x3], $0x4000, $0x38;
	[tilespmem:$0x11400] =	vst v63  }
0x55: {  	_ =	swait.ge [sflag:s30], $0x4000  }
0x56: {  	[sflag:s30] =	ssyncset.done $0x0  }
0x57: {  	[sflag:s30] =	ssyncadd.s32 $0xFFFFC000  }
0x58: {  	_ =	swait.ge [sflag:s30], $0x4000  }
0x59: {  	[sflag:s30] =	ssyncset.done $0x0  }
0x5a: {  	s6 =	simm.s32 $0x200;
	[sflag:s30] =	ssyncadd.s32 $0xFFFFC000  }
0x5b: {  	[tilespmem:s23], [sflag:$0x1] =	stream.indirect.gather [hbm4b:s2+s22], $0x80, s6, s22, $0xb8;
	[tilespmem:$0x11400] =	vst v63  }
0x5c: {  	s7 =	simm.s32 $0xC00  }
0x5d: {  	[tilespmem:s24], [sflag:$0x1] =	stream.indirect.gather [hbm4b:s4+s22], $0x80, s7, s22, $0xb8;
	[tilespmem:$0x11400] =	vst v63  }
0x5e: {  	_ =	swait.ge [sflag:s0], $0x4000  }
0x5f: {  	[sflag:s0] =	ssyncset.done $0x0  }
0x60: {  	[sflag:s0] =	ssyncadd.s32 $0xFFFFC000  }
0x61: {  	s1 =	simm.s32 $0x1000;
	_ =	swait.ge [sflag:s0], $0x4000  }
0x62: {  	s8 =	sadd.s32 $0x0, s18;
	s5 =	simm.s32 $0x280;
	[sflag:s0] =	ssyncset.done $0x0  }
0x63: {  	s6 =	simm.s32 $0xC80;
	s7 =	sadd.s32 $0x0, s19;
	[sflag:s0] =	ssyncadd.s32 $0xFFFFC000  }
0x64: {  	[hbm4b:s8+s3] =	stream.linear.scatter [tilespmem:s25], [sflag:$0x4], $0x4000, $0x38;
	[tilespmem:$0x11400] =	vst v63  }
.LBB2_2:
0x65: {  	[hbm4b:s7+s3] =	stream.linear.scatter [tilespmem:s28], [sflag:$0x4], $0x4000, $0x38;
	[tilespmem:$0x11400] =	vst v63  }
0x66: {  	s7 =	smov.u32 s1  }
0x67: {  	p0 =	sne.s32 s1, $0x7000;
	s1 =	sadd.s32 $0x1000, s1;
	_ =	swait.ge [sflag:s26], $0x4000  }
0x68: {  	[sflag:s26] =	ssyncset.done $0x0  }
0x69: {  	[sflag:s26] =	ssyncadd.s32 $0xFFFFC000  }
0x6a: {  	_ =	swait.ge [sflag:s26], $0x4000  }
0x6b: {  	[sflag:s26] =	ssyncset.done $0x0  }
0x6c: {  	[sflag:s26] =	ssyncadd.s32 $0xFFFFC000  }
0x6d: {  	[tilespmem:s25], [sflag:$0x2] =	stream.indirect.gather [hbm4b:s2+s22], $0x80, s5, s22, $0xb8;
	[tilespmem:$0x11400] =	vst v63  }
0x6e: {  	_ = 	snop  }
0x6f: {  	[tilespmem:s28], [sflag:$0x2] =	stream.indirect.gather [hbm4b:s4+s22], $0x80, s6, s22, $0xb8;
	[tilespmem:$0x11400] =	vst v63  }
0x70: {  	_ =	swait.ge [sflag:s29], $0x4000  }
0x71: {  	[sflag:s29] =	ssyncset.done $0x0  }
0x72: {  	[sflag:s29] =	ssyncadd.s32 $0xFFFFC000  }
0x73: {  	_ =	swait.ge [sflag:s29], $0x4000  }
0x74: {  	[sflag:s29] =	ssyncset.done $0x0  }
0x75: {  	s8 =	sadd.s32 s7, s17;
	[sflag:s29] =	ssyncadd.s32 $0xFFFFC000  }
0x76: {  	[hbm4b:s8+s3] =	stream.linear.scatter [tilespmem:s23], [sflag:$0x3], $0x4000, $0x38;
	[tilespmem:$0x11400] =	vst v63  }
0x77: {  	s8 =	sadd.s32 s7, s16  }
0x78: {  	[hbm4b:s8+s3] =	stream.linear.scatter [tilespmem:s24], [sflag:$0x3], $0x4000, $0x38;
	[tilespmem:$0x11400] =	vst v63  }
0x79: {  	_ =	swait.ge [sflag:s30], $0x4000  }
0x7a: {  	[sflag:s30] =	ssyncset.done $0x0  }
0x7b: {  	[sflag:s30] =	ssyncadd.s32 $0xFFFFC000  }
0x7c: {  	_ =	swait.ge [sflag:s30], $0x4000  }
0x7d: {  	[sflag:s30] =	ssyncset.done $0x0  }
0x7e: {  	s8 =	sadd.s32 $0x80, s5;
	[sflag:s30] =	ssyncadd.s32 $0xFFFFC000  }
0x7f: {  	[tilespmem:s23], [sflag:$0x1] =	stream.indirect.gather [hbm4b:s2+s22], $0x80, s8, s22, $0xb8;
	[tilespmem:$0x11400] =	vst v63  }
0x80: {  	s8 =	sadd.s32 $0x80, s6  }
0x81: {  	[tilespmem:s24], [sflag:$0x1] =	stream.indirect.gather [hbm4b:s4+s22], $0x80, s8, s22, $0xb8;
	[tilespmem:$0x11400] =	vst v63  }
0x82: {  	_ =	swait.ge [sflag:s0], $0x4000  }
0x83: {  	[sflag:s0] =	ssyncset.done $0x0  }
0x84: {  	[sflag:s0] =	ssyncadd.s32 $0xFFFFC000  }
.Ltmp0:
0x85: {  	_ =	swait.ge [sflag:s0], $0x4000;
	(pc) =	sbr.rel @p0 .LBB2_2-.Ltmp0, $4  }
0x86: {  	[sflag:s0] =	ssyncset.done $0x0  }
0x87: {  	s8 =	sadd.s32 s7, s18;
	[sflag:s0] =	ssyncadd.s32 $0xFFFFC000  }
0x88: {  	[hbm4b:s8+s3] =	stream.linear.scatter [tilespmem:s25], [sflag:$0x4], $0x4000, $0x38;
	[tilespmem:$0x11400] =	vst v63  }
0x89: {  	s5 =	sadd.s32 $0x100, s5;
	s6 =	sadd.s32 $0x100, s6;
	s7 =	sadd.s32 s7, s19  }
0x8a: {  	[hbm4b:s7+s3] =	stream.linear.scatter [tilespmem:s28], [sflag:$0x4], $0x4000, $0x38;
	[tilespmem:$0x11400] =	vst v63  }
0x8b: {  	_ =	swait.ge [sflag:s26], $0x4000  }
0x8c: {  	[sflag:s26] =	ssyncset.done $0x0  }
0x8d: {  	[sflag:s26] =	ssyncadd.s32 $0xFFFFC000  }
0x8e: {  	_ =	swait.ge [sflag:s26], $0x4000  }
0x8f: {  	[sflag:s26] =	ssyncset.done $0x0  }
0x90: {  	s1 =	simm.s32 $0x980;
	[sflag:s26] =	ssyncadd.s32 $0xFFFFC000  }
0x91: {  	[tilespmem:s25], [sflag:$0x2] =	stream.indirect.gather [hbm4b:s2+s22], $0x80, s1, s22, $0xb8;
	[tilespmem:$0x11400] =	vst v63  }
0x92: {  	s7 =	simm.s32 $0x1380  }
0x93: {  	[tilespmem:s28], [sflag:$0x2] =	stream.indirect.gather [hbm4b:s4+s22], $0x80, s7, s22, $0xb8;
	[tilespmem:$0x11400] =	vst v63  }
0x94: {  	_ =	swait.ge [sflag:s29], $0x4000  }
0x95: {  	[sflag:s29] =	ssyncset.done $0x0  }
0x96: {  	[sflag:s29] =	ssyncadd.s32 $0xFFFFC000  }
0x97: {  	_ =	swait.ge [sflag:s29], $0x4000  }
0x98: {  	[sflag:s29] =	ssyncset.done $0x0  }
0x99: {  	[sflag:s29] =	ssyncadd.s32 $0xFFFFC000  }
0x9a: {  	[hbm4b:s12+s3] =	stream.linear.scatter [tilespmem:s23], [sflag:$0x3], $0x4000, $0x38;
	[tilespmem:$0x11400] =	vst v63  }
0x9b: {  	_ = 	snop  }
0x9c: {  	[hbm4b:s13+s3] =	stream.linear.scatter [tilespmem:s24], [sflag:$0x3], $0x4000, $0x38;
	[tilespmem:$0x11400] =	vst v63  }
0x9d: {  	_ =	swait.ge [sflag:s30], $0x4000  }
0x9e: {  	[sflag:s30] =	ssyncset.done $0x0  }
0x9f: {  	[sflag:s30] =	ssyncadd.s32 $0xFFFFC000  }
0xa0: {  	_ =	swait.ge [sflag:s30], $0x4000  }
0xa1: {  	[sflag:s30] =	ssyncset.done $0x0  }
0xa2: {  	[sflag:s30] =	ssyncadd.s32 $0xFFFFC000  }
0xa3: {  	_ =	swait.ge [sflag:s0], $0x4000  }
0xa4: {  	[sflag:s0] =	ssyncset.done $0x0  }
0xa5: {  	[sflag:s0] =	ssyncadd.s32 $0xFFFFC000  }
0xa6: {  	_ =	swait.ge [sflag:s0], $0x4000  }
0xa7: {  	[sflag:s0] =	ssyncset.done $0x0  }
0xa8: {  	[sflag:s0] =	ssyncadd.s32 $0xFFFFC000  }
0xa9: {  	[hbm4b:s14+s3] =	stream.linear.scatter [tilespmem:s25], [sflag:$0x4], $0x4000, $0x38;
	[tilespmem:$0x11400] =	vst v63  }
0xaa: {  	_ = 	snop  }
0xab: {  	[hbm4b:s15+s3] =	stream.linear.scatter [tilespmem:s28], [sflag:$0x4], $0x4000, $0x38;
	[tilespmem:$0x11400] =	vst v63  }
0xac: {  	_ =	swait.ge [sflag:s26], $0x4000  }
0xad: {  	[sflag:s26] =	ssyncset.done $0x0  }
0xae: {  	[sflag:s26] =	ssyncadd.s32 $0xFFFFC000  }
0xaf: {  	_ =	swait.ge [sflag:s26], $0x4000  }
0xb0: {  	s31 =	sadd.s32 $0x1, s31;
	s8 =	rddreg [dreg:$0x5]  }
0xb1: {  	p0 =	sne.s32 s31, s8  }
.Ltmp1:
0xb2: {  	_ = 	snop;
	(pc) =	sbr.rel @p0 .LBB2_1-.Ltmp1, $3  }
0xb3: {  	_ =	sdelay $0x1  }
0xb4: {  	[sflag:s26] =	ssyncset.done $0x0  }
0xb5: {  	[sflag:s26] =	ssyncadd.s32 $0xFFFFC000  }
0xb6: {  	_ =	sfence.sel $0x180000  }
0xb7: {  	[bflag:$0x0] =	sbarrier.arrive $0xFFFF  }
0xb8: {  	_ =	strace $0x90000047  }
0xb9: {  	s0 =	stileid.u32;
	[bflag:$0x2] =	sbarrier.arrive $0xFFFF  }
0xba: {  	p0 =	sne.s32 s0, $0x0;
	s0 =	rddreg [dreg:$0x2]  }
0xbb: {  	s0 =	sadd.s32 @!p0 $0x100000, s0  }
0xbc: {  	[sflag:s0] =	ssyncadd.tile.s32 @!p0 $0x1;
	_ =	shalt  }
.Lfunc_end2:
_tile_overlayer_lowered:
.L_overlay_start_2:
0xbd: {  	(tag) =	ssettag $0x2  }
0xbe: {  	s0 =	rddreg [dreg:$0x0];
	s2 =	stileid.u32  }
0xbf: {  	s1 =	rddreg [dreg:$0x1];
	p0 =	sne.s32 s2, $0x0  }
0xc0: {  	s3 =	rddreg [dreg:$0x2];
	[bflag:$0x3] =	sbarrier.arrive $0xFFFF;
	s2 =	simm.s32 @!p0 $0x1C05  }
0xc1: {  	[timem:s3], [sflag:s2] =	dma.local @!p0 [hbm:s0], s1  }
0xc2: {  	s0 =	simm.s32 @!p0 $0x5  }
0xc3: {  	_ =	swait.ge @!p0 [sflag:s0], s1  }
0xc4: {  	s1 =	ssub.s32 @!p0 $0x0, s1;
	[sflag:s0] =	ssyncset.done @!p0 $0x0  }
0xc5: {  	[sflag:s0] =	ssyncadd.s32 @!p0 s1  }
0xc6: {  	[bflag:$0x3] =	sbarrier.arrive $0xFFFF  }
0xc7: {  	_ =	shalt  }

// kernel: kernel.17.cloned.1.call-start
scs
__scs_entry_jumppad:
0x0: {  	(pc) =	sbr.rel $0x88, $3  }
0x1: {  	(tag) =	ssettag $0x0;
	lr =	simm.s32 $0x1  }
0x2: {  	[smem:$0x3F8E] =	sst lr;
	_ =	strace $0xD0000000  }
0x3: {  	_ = 	snop  }
0x4: {  	_ = 	snop  }
0x5: {  	_ = 	snop  }
0x6: {  	_ = 	snop  }
0x7: {  	_ = 	snop  }
__scs_overlays_trampoline_lowered:
0x8: {  	[smem:$0x3F9D] =	sst s0  }
0x9: {  	[smem:$0x3F9E] =	sst s1  }
0xa: {  	[smem:$0x3F9F] =	sst s2  }
0xb: {  	[smem:$0x3FA0] =	sst s3  }
0xc: {  	[smem:$0x3FA1] =	sst s4  }
0xd: {  	[smem:$0x3FA2] =	sst s5  }
0xe: {  	[smem:$0x3FA3] =	sst s6  }
0xf: {  	[smem:$0x3FA4] =	sst s7  }
0x10: {  	[smem:$0x3FA5] =	sst s8  }
0x11: {  	[smem:$0x3FA6] =	sst s9;
	s0 =	simm.s32 @!p0 $0x0  }
0x12: {  	s1 =	sld [smem:$0x3F8C];
	s0 =	simm.s32 @p0 $0x1  }
0x13: {  	[smem:$0x3FA7] =	sst s0;
	s0 =	simm.s32 @!p1 $0x0  }
0x14: {  	s2 =	sld [smem:$0x3F8B];
	s0 =	simm.s32 @p1 $0x1  }
0x15: {  	[smem:$0x3FA8] =	sst s0;
	s0 =	simm.s32 @!p2 $0x0  }
0x16: {  	s3 =	sld [smem:$0x3FDB];
	s0 =	simm.s32 @p2 $0x1  }
0x17: {  	s4 =	simm.s32 $0x1BF5;
	[smem:$0x3FAA] =	sst s0  }
0x18: {  	s0 =	sld [smem:$0x3F8D];
	_ =	swait.ge [sflag:s4], $0x0  }
0x19: {  	s7 =	sld [smem:$0x3F8E]  }
0x1a: {  	s8 =	sadd.s32 $0xFFFFE003, lr  }
0x1b: {  	s9 =	sadd.s32 $0xFFFFFEF7, lr;
	s5 =	simm.s32 $0xFFFFFFFF;
	p2 =	slt.u32 s8, $0xFFFFF086  }
0x1c: {  	p1 =	slt.u32 s9, $0xF7A;
	s5 =	simm.s32 @!p2 $0x0  }
0x1d: {  	s5 =	simm.s32 @p1 $0x1;
	p0 =	seq.s32 s7, s2  }
0x1e: {  	s7 =	smul.u32 @!p0 $0xF7A, s2;
	p2 =	seq.s32 @!p0 s5, $0x0  }
0x1f: {  	s9 =	smul.u32 $0xF7A, s1;
	s8 =	simm.s32 @!p0 $0x1BF5;
	p2 =	por !p2, p0  }
0x20: {  	[sflag:s8] =	ssyncset.s32 @!p0 $0xFFFFF086;
	s6 =	sadd.s32 @!p0 s3, s7;
	s7 =	simm.s32 @!p0 $0x108  }
0x21: {  	s3 =	sadd.s32 s3, s9;
	s6 =	sadd.s32 @!p0 $0x88, s6;
	s7 =	simm.s32 @p2 $0x1082  }
0x22: {  	[simem:s7], [sflag:s8] =	dma.local @!p0 [hbm:s6], $0xF7A  }
0x23: {  	s9 =	sor.u32 $0xD0000000, s2;
	s6 =	simm.s32 $0x108;
	_ =	swait.ge @!p0 [sflag:s8], $0x0  }
0x24: {  	s3 =	sadd.s32 $0x88, s3;
	s6 =	simm.s32 @!p1 $0x1082;
	[sflag:s4] =	ssyncset.s32 $0xFFFFF086  }
0x25: {  	[simem:s6], [sflag:s4] =	dma.local [hbm:s3], $0xF7A  }
0x26: {  	[smem:$0x3F8E] =	sst s1;
	(tag) =	ssettag s2;
	_ =	strace s9  }
0x27: {  	s1 =	sld [smem:$0x3F9E]  }
0x28: {  	s2 =	sld [smem:$0x3F9F]  }
0x29: {  	s4 =	sld [smem:$0x3FA1]  }
0x2a: {  	p0 =	seq.s32 s5, $0x0;
	s5 =	sld [smem:$0x3FA2]  }
0x2b: {  	s6 =	sld [smem:$0x3FA3]  }
0x2c: {  	s7 =	sld [smem:$0x3FA4]  }
0x2d: {  	s3 =	simm.s32 $0x108;
	s8 =	sld [smem:$0x3FA5]  }
0x2e: {  	s3 =	simm.s32 @!p0 $0x1082;
	s9 =	sld [smem:$0x3FA6]  }
0x2f: {  	lr =	sadd.s32 s0, s3;
	s0 =	sld [smem:$0x3F9D]  }
0x30: {  	s3 =	sld [smem:$0x3FA0]  }
0x31: {  	[smem:$0x3FA9] =	sst s10  }
0x32: {  	s10 =	sld [smem:$0x3FA7];
	_ =	sdelay $0x3  }
0x33: {  	p0 =	seq.s32 s10, $0x1;
	s10 =	sld [smem:$0x3FA9];
	_ =	sdelay $0x3  }
0x34: {  	[smem:$0x3FA9] =	sst s10  }
0x35: {  	s10 =	sld [smem:$0x3FA8];
	_ =	sdelay $0x3  }
0x36: {  	p1 =	seq.s32 s10, $0x1;
	s10 =	sld [smem:$0x3FA9];
	_ =	sdelay $0x3  }
0x37: {  	[smem:$0x3FA9] =	sst s10  }
0x38: {  	s10 =	sld [smem:$0x3FAA]  }
0x39: {  	_ = 	snop;
	(pc) =	sbr.ind lr, $3  }
0x3a: {  	_ = 	snop  }
0x3b: {  	_ = 	snop  }
0x3c: {  	p2 =	seq.s32 s10, $0x1;
	s10 =	sld [smem:$0x3FA9]  }
0x3d: {  	_ =	shalt  }
0x3e: {  	_ =	shalt  }
0x3f: {  	_ =	shalt  }
0x40: {  	_ =	shalt  }
0x41: {  	_ =	shalt  }
0x42: {  	_ =	shalt  }
0x43: {  	_ =	shalt  }
0x44: {  	_ =	shalt  }
0x45: {  	_ =	shalt  }
0x46: {  	_ =	shalt  }
0x47: {  	_ =	shalt  }
0x48: {  	_ =	shalt  }
0x49: {  	_ =	shalt  }
0x4a: {  	_ =	shalt  }
0x4b: {  	_ =	shalt  }
0x4c: {  	_ =	shalt  }
0x4d: {  	_ =	shalt  }
0x4e: {  	_ =	shalt  }
0x4f: {  	_ =	shalt  }
0x50: {  	_ =	shalt  }
0x51: {  	_ =	shalt  }
0x52: {  	_ =	shalt  }
0x53: {  	_ =	shalt  }
0x54: {  	_ =	shalt  }
0x55: {  	_ =	shalt  }
0x56: {  	_ =	shalt  }
0x57: {  	_ =	shalt  }
0x58: {  	_ =	shalt  }
0x59: {  	_ =	shalt  }
0x5a: {  	_ =	shalt  }
0x5b: {  	_ =	shalt  }
0x5c: {  	_ =	shalt  }
0x5d: {  	_ =	shalt  }
0x5e: {  	_ =	shalt  }
0x5f: {  	_ =	shalt  }
0x60: {  	_ =	shalt  }
0x61: {  	_ =	shalt  }
0x62: {  	_ =	shalt  }
0x63: {  	_ =	shalt  }
0x64: {  	_ =	shalt  }
0x65: {  	_ =	shalt  }
0x66: {  	_ =	shalt  }
0x67: {  	_ =	shalt  }
0x68: {  	_ =	shalt  }
0x69: {  	_ =	shalt  }
0x6a: {  	_ =	shalt  }
0x6b: {  	_ =	shalt  }
0x6c: {  	_ =	shalt  }
0x6d: {  	_ =	shalt  }
0x6e: {  	_ =	shalt  }
0x6f: {  	_ =	shalt  }
0x70: {  	_ =	shalt  }
0x71: {  	_ =	shalt  }
0x72: {  	_ =	shalt  }
0x73: {  	_ =	shalt  }
0x74: {  	_ =	shalt  }
0x75: {  	_ =	shalt  }
0x76: {  	_ =	shalt  }
0x77: {  	_ =	shalt  }
0x78: {  	_ =	shalt  }
0x79: {  	_ =	shalt  }
0x7a: {  	_ =	shalt  }
0x7b: {  	_ =	shalt  }
0x7c: {  	_ =	shalt  }
0x7d: {  	_ =	shalt  }
0x7e: {  	_ =	shalt  }
0x7f: {  	_ =	shalt  }
0x80: {  	_ =	shalt  }
0x81: {  	_ =	shalt  }
0x82: {  	_ =	shalt  }
0x83: {  	_ =	shalt  }
0x84: {  	_ =	shalt  }
0x85: {  	_ =	shalt  }
0x86: {  	_ =	shalt  }
0x87: {  	_ =	shalt  }
.Lfunc_end0:
.L_simem_size_0:
called_computation.1_lowered:
.L_overlay_start_0:
0x88: {  	s2 =	sld [smem:$0x3FD9]  }
0x89: {  	s3 =	sld [smem:$0x3FFE];
	_ =	sdelay $0x1  }
0x8a: {  	s1 =	srdreg.scid  }
0x8b: {  	s0 =	sand.u32 $0x1, s1  }
0x8c: {  	s15 =	sshll.u32 s0, $0xA;
	s2 =	sadd.s32 s3, s2  }
0x8d: {  	s2 =	sadd.s32 s2, s15  }
0x8e: {  	[smem:$0x3FB5] =	sst s2  }
0x8f: {  	_ = 	snop  }
0x90: {  	s2 =	sld [smem:$0x3FD0];
	_ =	sdelay $0x2  }
0x91: {  	s16 =	simm.s32 $0xB;
	s4 =	simm.s32 $0x10  }
0x92: {  	[smem:s4], [sflag:s16] =	dma.local [hbm:s2], $0x1  }
0x93: {  	_ =	swait.eq [sflag:s16], $0x1  }
0x94: {  	[sflag:s16] =	ssyncset.done $0x0  }
0x95: {  	[sflag:s16] =	ssyncadd.s32 $0xFFFFFFFF  }
0x96: {  	s17 =	sld [smem:$0x11];
	(tm) =	ssettm $0x1  }
0x97: {  	s18 =	sld [smem:$0x3FFB];
	_ =	sdelay $0x3  }
0x98: {  	_ =	strace s18  }
0x99: {  	s2 =	sld [smem:$0x3FFC];
	_ =	sdelay $0x3  }
0x9a: {  	_ =	strace s2  }
0x9b: {  	s2 =	sld [smem:$0x3FFD];
	_ =	sdelay $0x3  }
0x9c: {  	_ =	strace s2  }
0x9d: {  	_ =	strace $0x8FFFFFFF  }
0x9e: {  	s19 =	sld [smem:$0x3FDB];
	_ =	sdelay $0x1  }
0x9f: {  	s20 =	simm.s32 $_scs_section_size  }
0xa0: {  	s5 =	simm.s32 $_size__tile_overlayer_lowered;
	s6 =	simm.s32 $_tile_overlayer_lowered  }
0xa1: {  	s7 =	simm.s32 $0x1BFF;
	s21 =	sshll.u32 s6, $0x1;
	s4 =	sadd.s32 s20, s19  }
0xa2: {  	s22 =	simm.s32 $0x0;
	s5 =	sshll.u32 s5, $0x1;
	s6 =	sadd.s32 s21, s4  }
0xa3: {  	[timem:s22], [sflag:s7] =	dma.local [hbm:s6], s5  }
0xa4: {  	_ =	swait.ge [sflag:s7], s5  }
0xa5: {  	s5 =	ssub.s32 $0x0, s5;
	[sflag:s7] =	ssyncset.done $0x0  }
0xa6: {  	[sflag:s7] =	ssyncadd.s32 s5;
	_ =	sdelay $0x1  }
0xa7: {  	s23 =	simm.s32 $0x1B8B  }
0xa8: {  	_ =	swait.ge [sflag:s23], $0x1  }
0xa9: {  	[sflag:s23] =	ssyncset.done $0x0  }
0xaa: {  	[sflag:s23] =	ssyncadd.s32 $0xFFFFFFFF  }
0xab: {  	s5 =	sld [smem:$0x0]  }
0xac: {  	s6 =	sand.u32 $0xFFFFFFFE, s1  }
0xad: {  	p0 =	sne.s32 s1, s6  }
0xae: {  	s6 =	sshll.u32 @p0 s6, $0xE  }
0xaf: {  	s6 =	sadd.s32 @p0 $0x11B8D, s6;
	s7 =	sshll.u32 @p0 s5, $0x11  }
0xb0: {  	s6 =	sor.u32 @p0 s7, s6  }
0xb1: {  	[sflag:s6] =	ssyncadd.remote.s32 @p0 $0x1;
	_ =	sdelay $0x1  }
0xb2: {  	s6 =	simm.s32 @p0 $0x1B8D  }
0xb3: {  	_ =	swait.eq @p0 [sflag:s6], $0x1  }
0xb4: {  	[sflag:s6] =	ssyncadd.s32 @p0 $0xFFFFFFFF  }
0xb5: {  	s7 =	sshll.u32 @!p0 s1, $0xE  }
0xb6: {  	s7 =	sor.u32 @!p0 $0x4000, s7;
	s6 =	simm.s32 @!p0 $0x1B8D  }
0xb7: {  	s5 =	sshll.u32 @!p0 s5, $0x11;
	s7 =	sadd.s32 @!p0 $0x11B8D, s7;
	_ =	swait.eq @!p0 [sflag:s6], $0x1  }
0xb8: {  	s5 =	sor.u32 @!p0 s5, s7;
	[sflag:s6] =	ssyncadd.s32 @!p0 $0xFFFFFFFF  }
0xb9: {  	s25 =	simm.s32 $0x1B8E;
	s24 =	sld [smem:$0x3FFE];
	[sflag:s5] =	ssyncadd.remote.s32 @!p0 $0x1  }
0xba: {  	s26 =	simm.s32 $execute0_lowered;
	[smem:$0x3FD2] =	sst s25  }
0xbb: {  	s6 =	sshll.u32 s26, $0x1;
	_ =	strace $0x80000049;
	[dreg:$0x1] =	wrdreg $0xFFFFFFFF  }
0xbc: {  	s28 =	simm.s32 $_size_execute0_lowered;
	s4 =	sadd.s32 s4, s6;
	[dreg:$0x0] =	wrdreg $0x0  }
0xbd: {  	s6 =	sshll.u32 s28, $0x1;
	[dreg:$0x2] =	wrdreg s4  }
0xbe: {  	[dreg:$0x3] =	wrdreg s6  }
0xbf: {  	[dreg:$0x4] =	wrdreg $0xC0  }
0xc0: {  	_ =	task [dreg:s22], $0x5FFFF  }
0xc1: {  	[dreg:$0x1] =	wrdreg $0xFFFFFFFF  }
0xc2: {  	[dreg:$0x0] =	wrdreg $0x60  }
0xc3: {  	[dreg:$0x2] =	wrdreg s17  }
0xc4: {  	[dreg:$0x3] =	wrdreg s24  }
0xc5: {  	[dreg:$0x4] =	wrdreg $0xA  }
0xc6: {  	_ =	task.clear_ibuf [dreg:s22], $0x5FFFF;
	_ =	strace $0x90000049  }
0xc7: {  	s29 =	simm.s32 $0xA;
	_ =	strace $0x8000004B  }
0xc8: {  	_ =	swait.ge [sflag:s29], $0x1  }
0xc9: {  	[sflag:s29] =	ssyncadd.s32 $0xFFFFFFFF  }
0xca: {  	_ =	strace $0x9000004B  }
0xcb: {  	_ =	sfence  }
0xcc: {  	s30 =	sld [smem:$0x0];
	_ =	sdelay $0x2  }
0xcd: {  	s31 =	sshll.u32 s1, $0xD;
	s1 =	sshrl.u32 s1, $0x2  }
0xce: {  	s4 =	sand.u32 $0x4000, s31;
	s1 =	sadd.s32 s1, s30  }
0xcf: {  	s0 =	sor.u32 s4, s0;
	s1 =	sshll.u32 s1, $0x11  }
0xd0: {  	s0 =	sor.u32 s1, s0  }
0xd1: {  	s0 =	sadd.s32 $0x8F2B, s0  }
0xd2: {  	[sflag:s0] =	ssyncadd.remote.s32 $0x1  }
0xd3: {  	_ =	sfence.sel $0xFFFF  }
0xd4: {  	[dreg:$0x0] =	wrdreg $0xFFFFFFFF;
	(pc) =	sbr.abs _section_cstart, $3  }
0xd5: {  	[dreg:$0x1] =	wrdreg $0xFFFFFFFF  }
0xd6: {  	_ =	task.clear_ibuf [dreg:s22], $0x2FFFF;
	_ =	strace $0x9FFFFFFF  }
0xd7: {  	(tm) =	ssettm $0x7FFFFFFF  }
tec
execute0_lowered:
.L_overlay_start_1:
0x0: {  	(tag) =	ssettag $0x1  }
0x1: {  	s2 =	rddreg [dreg:$0x0];
	s0 =	srdreg.scid  }
0x2: {  	s15 =	stileid.u32;
	s1 =	rddreg [dreg:$0x1]  }
0x3: {  	s3 =	simm.s32 $0x0;
	s28 =	simm.s32 $0xD400;
	s22 =	smul.u32 $0xA0000, s15  }
0x4: {  	s29 =	simm.s32 $0x1;
	s0 =	sand.u32 $0x1, s0;
	s24 =	smul.u32 $0x14000, s15  }
0x5: {  	s30 =	simm.s32 $0x3;
	s4 =	sshll.u32 s15, $0x1;
	s14 =	smul.u32 $0x50000, s0  }
0x6: {  	s5 =	sor.u32 s0, s4;
	s7 =	ssub.s32 $0x2, s0;
	s0 =	smul.u32 $0xA000, s0  }
0x7: {  	[smem:$0x7FF] =	sst s3;
	s17 =	sadd.s32 $0x3C5600, s1;
	s6 =	smul.u32 $0xA00, s5  }
0x8: {  	s31 =	simm.s32 $0x0;
	_ =	strace $0x8000004A;
	s9 =	smul.u32 $0x50000, s5  }
0x9: {  	s4 =	sadd.s32 $0x5600, s1;
	s8 =	sshrl.u32 s7, $0x1;
	s5 =	smul.u32 $0xA000, s5  }
0xa: {  	s26 =	sadd.s32 s24, s17;
	s7 =	ssub.s32 s7, s8;
	s23 =	sadd.s32 s14, s22  }
0xb: {  	s22 =	simm.s32 $0x80;
	s6 =	sshrl.u32 s6, $0x3;
	s11 =	sshrl.u32 s9, $0x3  }
0xc: {  	s19 =	smax.u32 s7, $0x1;
	s21 =	sor.u32 $0x800, s5;
	s5 =	sadd.s32 $0x9800, s5  }
0xd: {  	s6 =	sadd.s32 s6, s1;
	s1 =	sadd.s32 $0x505600, s1;
	[dreg:$0x5] =	wrdreg s19  }
0xe: {  	s20 =	sadd.s32 s17, s11;
	s10 =	sadd.s32 s17, s21;
	s13 =	sadd.s32 $0x9000, s11  }
0xf: {  	s14 =	sadd.s32 s17, s5;
	s18 =	sadd.s32 $0x5A600, s6;
	s6 =	sadd.s32 $0x5CE00, s6  }
0x10: {  	[dreg:$0x6] =	wrdreg s20;
	s9 =	sadd.s32 s1, s11;
	s11 =	sadd.s32 s1, s21  }
0x11: {  	s12 =	sadd.s32 s17, s13;
	s13 =	sadd.s32 s1, s13;
	s15 =	sadd.s32 s1, s5  }
0x12: {  	s20 =	simm.s32 $0x5;
	s21 =	simm.s32 $0xA00;
	[dreg:$0x3] =	wrdreg s18  }
0x13: {  	[dreg:$0x4] =	wrdreg s6;
	s6 =	sor.u32 $0x8000, s23;
	s23 =	simm.s32 $0x1400  }
0x14: {  	s25 =	sshrl.u32 s6, $0x3;
	s6 =	sadd.s32 s0, s26;
	s26 =	simm.s32 $0x4  }
0x15: {  	s16 =	sadd.s32 s25, s1;
	s1 =	sadd.s32 s24, s1;
	s17 =	sadd.s32 s25, s17  }
0x16: {  	s18 =	sadd.s32 $0x1800, s6;
	s24 =	simm.s32 $0x5400;
	s0 =	sadd.s32 s0, s1  }
0x17: {  	s25 =	simm.s32 $0x9400;
	s19 =	sadd.s32 $0x1800, s0;
	s0 =	simm.s32 $0x2  }
.LBB2_1:
0x18: {  	s1 =	rddreg [dreg:$0x3]  }
0x19: {  	[tilespmem:s3], [sflag:$0x5] =	stream.linear.gather [hbm4b:s1+s3], $0xA00, $0x38;
	[tilespmem:$0x11400] =	vst v63  }
0x1a: {  	_ =	swait.ge [sflag:s20], $0xA00  }
0x1b: {  	[sflag:s20] =	ssyncset.done $0x0  }
0x1c: {  	s5 =	rddreg [dreg:$0x4];
	[sflag:s20] =	ssyncadd.s32 $0xFFFFF600  }
0x1d: {  	[tilespmem:s21], [sflag:$0x5] =	stream.linear.gather [hbm4b:s5+s3], $0xA00, $0x38;
	[tilespmem:$0x11400] =	vst v63  }
0x1e: {  	_ =	swait.ge [sflag:s20], $0xA00  }
0x1f: {  	[sflag:s20] =	ssyncset.done $0x0  }
0x20: {  	[sflag:s20] =	ssyncadd.s32 $0xFFFFF600  }
0x21: {  	[tilespmem:s23], [sflag:$0x1] =	stream.indirect.gather [hbm4b:s2+s22], $0x80, s3, s22, $0xb8;
	[tilespmem:$0x11400] =	vst v63  }
0x22: {  	_ = 	snop  }
0x23: {  	[tilespmem:s24], [sflag:$0x1] =	stream.indirect.gather [hbm4b:s4+s22], $0x80, s21, s22, $0xb8;
	[tilespmem:$0x11400] =	vst v63  }
0x24: {  	_ = 	snop  }
0x25: {  	[tilespmem:s25], [sflag:$0x2] =	stream.indirect.gather [hbm4b:s2+s22], $0x80, s22, s22, $0xb8;
	[tilespmem:$0x11400] =	vst v63  }
0x26: {  	s6 =	simm.s32 $0xA80  }
0x27: {  	[tilespmem:s28], [sflag:$0x2] =	stream.indirect.gather [hbm4b:s4+s22], $0x80, s6, s22, $0xb8;
	[tilespmem:$0x11400] =	vst v63  }
0x28: {  	_ =	swait.ge [sflag:s29], $0x4000  }
0x29: {  	[sflag:s29] =	ssyncset.done $0x0  }
0x2a: {  	[sflag:s29] =	ssyncadd.s32 $0xFFFFC000  }
0x2b: {  	_ =	swait.ge [sflag:s29], $0x4000  }
0x2c: {  	[sflag:s29] =	ssyncset.done $0x0  }
0x2d: {  	s7 =	rddreg [dreg:$0x6];
	[sflag:s29] =	ssyncadd.s32 $0xFFFFC000  }
0x2e: {  	[hbm4b:s7+s3] =	stream.linear.scatter [tilespmem:s23], [sflag:$0x3], $0x4000, $0x38;
	[tilespmem:$0x11400] =	vst v63  }
0x2f: {  	_ = 	snop  }
0x30: {  	[hbm4b:s9+s3] =	stream.linear.scatter [tilespmem:s24], [sflag:$0x3], $0x4000, $0x38;
	[tilespmem:$0x11400] =	vst v63  }
0x31: {  	_ =	swait.ge [sflag:s30], $0x4000  }
0x32: {  	[sflag:s30] =	ssyncset.done $0x0  }
0x33: {  	[sflag:s30] =	ssyncadd.s32 $0xFFFFC000  }
0x34: {  	_ =	swait.ge [sflag:s30], $0x4000  }
0x35: {  	[sflag:s30] =	ssyncset.done $0x0  }
0x36: {  	s8 =	simm.s32 $0x100;
	[sflag:s30] =	ssyncadd.s32 $0xFFFFC000  }
0x37: {  	[tilespmem:s23], [sflag:$0x1] =	stream.indirect.gather [hbm4b:s2+s22], $0x80, s8, s22, $0xb8;
	[tilespmem:$0x11400] =	vst v63  }
0x38: {  	s5 =	simm.s32 $0xB00  }
0x39: {  	[tilespmem:s24], [sflag:$0x1] =	stream.indirect.gather [hbm4b:s4+s22], $0x80, s5, s22, $0xb8;
	[tilespmem:$0x11400] =	vst v63  }
0x3a: {  	_ =	swait.ge [sflag:s0], $0x4000  }
0x3b: {  	[sflag:s0] =	ssyncset.done $0x0  }
0x3c: {  	[sflag:s0] =	ssyncadd.s32 $0xFFFFC000  }
0x3d: {  	_ =	swait.ge [sflag:s0], $0x4000  }
0x3e: {  	[sflag:s0] =	ssyncset.done $0x0  }
0x3f: {  	[sflag:s0] =	ssyncadd.s32 $0xFFFFC000  }
0x40: {  	[hbm4b:s10+s3] =	stream.linear.scatter [tilespmem:s25], [sflag:$0x4], $0x4000, $0x38;
	[tilespmem:$0x11400] =	vst v63  }
0x41: {  	_ = 	snop  }
0x42: {  	[hbm4b:s11+s3] =	stream.linear.scatter [tilespmem:s28], [sflag:$0x4], $0x4000, $0x38;
	[tilespmem:$0x11400] =	vst v63  }
0x43: {  	_ =	swait.ge [sflag:s26], $0x4000  }
0x44: {  	[sflag:s26] =	ssyncset.done $0x0  }
0x45: {  	[sflag:s26] =	ssyncadd.s32 $0xFFFFC000  }
0x46: {  	_ =	swait.ge [sflag:s26], $0x4000  }
0x47: {  	[sflag:s26] =	ssyncset.done $0x0  }
0x48: {  	s6 =	simm.s32 $0x180;
	[sflag:s26] =	ssyncadd.s32 $0xFFFFC000  }
0x49: {  	[tilespmem:s25], [sflag:$0x2] =	stream.indirect.gather [hbm4b:s2+s22], $0x80, s6, s22, $0xb8;
	[tilespmem:$0x11400] =	vst v63  }
0x4a: {  	s7 =	simm.s32 $0xB80  }
0x4b: {  	[tilespmem:s28], [sflag:$0x2] =	stream.indirect.gather [hbm4b:s4+s22], $0x80, s7, s22, $0xb8;
	[tilespmem:$0x11400] =	vst v63  }
0x4c: {  	_ =	swait.ge [sflag:s29], $0x4000  }
0x4d: {  	[sflag:s29] =	ssyncset.done $0x0  }
0x4e: {  	[sflag:s29] =	ssyncadd.s32 $0xFFFFC000  }
0x4f: {  	_ =	swait.ge [sflag:s29], $0x4000  }
0x50: {  	[sflag:s29] =	ssyncset.done $0x0  }
0x51: {  	s8 =	sadd.s32 $0x0, s17;
	[sflag:s29] =	ssyncadd.s32 $0xFFFFC000  }
0x52: {  	[hbm4b:s8+s3] =	stream.linear.scatter [tilespmem:s23], [sflag:$0x3], $0x4000, $0x38;
	[tilespmem:$0x11400] =	vst v63  }
0x53: {  	s5 =	sadd.s32 $0x0, s16  }
0x54: {  	[hbm4b:s5+s3] =	stream.linear.scatter [tilespmem:s24], [sflag:$0x3], $0x4000, $0x38;
	[tilespmem:$0x11400] =	vst v63  }
0x55: {  	_ =	swait.ge [sflag:s30], $0x4000  }
0x56: {  	[sflag:s30] =	ssyncset.done $0x0  }
0x57: {  	[sflag:s30] =	ssyncadd.s32 $0xFFFFC000  }
0x58: {  	_ =	swait.ge [sflag:s30], $0x4000  }
0x59: {  	[sflag:s30] =	ssyncset.done $0x0  }
0x5a: {  	s6 =	simm.s32 $0x200;
	[sflag:s30] =	ssyncadd.s32 $0xFFFFC000  }
0x5b: {  	[tilespmem:s23], [sflag:$0x1] =	stream.indirect.gather [hbm4b:s2+s22], $0x80, s6, s22, $0xb8;
	[tilespmem:$0x11400] =	vst v63  }
0x5c: {  	s7 =	simm.s32 $0xC00  }
0x5d: {  	[tilespmem:s24], [sflag:$0x1] =	stream.indirect.gather [hbm4b:s4+s22], $0x80, s7, s22, $0xb8;
	[tilespmem:$0x11400] =	vst v63  }
0x5e: {  	_ =	swait.ge [sflag:s0], $0x4000  }
0x5f: {  	[sflag:s0] =	ssyncset.done $0x0  }
0x60: {  	[sflag:s0] =	ssyncadd.s32 $0xFFFFC000  }
0x61: {  	s1 =	simm.s32 $0x1000;
	_ =	swait.ge [sflag:s0], $0x4000  }
0x62: {  	s8 =	sadd.s32 $0x0, s18;
	s5 =	simm.s32 $0x280;
	[sflag:s0] =	ssyncset.done $0x0  }
0x63: {  	s6 =	simm.s32 $0xC80;
	s7 =	sadd.s32 $0x0, s19;
	[sflag:s0] =	ssyncadd.s32 $0xFFFFC000  }
0x64: {  	[hbm4b:s8+s3] =	stream.linear.scatter [tilespmem:s25], [sflag:$0x4], $0x4000, $0x38;
	[tilespmem:$0x11400] =	vst v63  }
.LBB2_2:
0x65: {  	[hbm4b:s7+s3] =	stream.linear.scatter [tilespmem:s28], [sflag:$0x4], $0x4000, $0x38;
	[tilespmem:$0x11400] =	vst v63  }
0x66: {  	s7 =	smov.u32 s1  }
0x67: {  	p0 =	sne.s32 s1, $0x7000;
	s1 =	sadd.s32 $0x1000, s1;
	_ =	swait.ge [sflag:s26], $0x4000  }
0x68: {  	[sflag:s26] =	ssyncset.done $0x0  }
0x69: {  	[sflag:s26] =	ssyncadd.s32 $0xFFFFC000  }
0x6a: {  	_ =	swait.ge [sflag:s26], $0x4000  }
0x6b: {  	[sflag:s26] =	ssyncset.done $0x0  }
0x6c: {  	[sflag:s26] =	ssyncadd.s32 $0xFFFFC000  }
0x6d: {  	[tilespmem:s25], [sflag:$0x2] =	stream.indirect.gather [hbm4b:s2+s22], $0x80, s5, s22, $0xb8;
	[tilespmem:$0x11400] =	vst v63  }
0x6e: {  	_ = 	snop  }
0x6f: {  	[tilespmem:s28], [sflag:$0x2] =	stream.indirect.gather [hbm4b:s4+s22], $0x80, s6, s22, $0xb8;
	[tilespmem:$0x11400] =	vst v63  }
0x70: {  	_ =	swait.ge [sflag:s29], $0x4000  }
0x71: {  	[sflag:s29] =	ssyncset.done $0x0  }
0x72: {  	[sflag:s29] =	ssyncadd.s32 $0xFFFFC000  }
0x73: {  	_ =	swait.ge [sflag:s29], $0x4000  }
0x74: {  	[sflag:s29] =	ssyncset.done $0x0  }
0x75: {  	s8 =	sadd.s32 s7, s17;
	[sflag:s29] =	ssyncadd.s32 $0xFFFFC000  }
0x76: {  	[hbm4b:s8+s3] =	stream.linear.scatter [tilespmem:s23], [sflag:$0x3], $0x4000, $0x38;
	[tilespmem:$0x11400] =	vst v63  }
0x77: {  	s8 =	sadd.s32 s7, s16  }
0x78: {  	[hbm4b:s8+s3] =	stream.linear.scatter [tilespmem:s24], [sflag:$0x3], $0x4000, $0x38;
	[tilespmem:$0x11400] =	vst v63  }
0x79: {  	_ =	swait.ge [sflag:s30], $0x4000  }
0x7a: {  	[sflag:s30] =	ssyncset.done $0x0  }
0x7b: {  	[sflag:s30] =	ssyncadd.s32 $0xFFFFC000  }
0x7c: {  	_ =	swait.ge [sflag:s30], $0x4000  }
0x7d: {  	[sflag:s30] =	ssyncset.done $0x0  }
0x7e: {  	s8 =	sadd.s32 $0x80, s5;
	[sflag:s30] =	ssyncadd.s32 $0xFFFFC000  }
0x7f: {  	[tilespmem:s23], [sflag:$0x1] =	stream.indirect.gather [hbm4b:s2+s22], $0x80, s8, s22, $0xb8;
	[tilespmem:$0x11400] =	vst v63  }
0x80: {  	s8 =	sadd.s32 $0x80, s6  }
0x81: {  	[tilespmem:s24], [sflag:$0x1] =	stream.indirect.gather [hbm4b:s4+s22], $0x80, s8, s22, $0xb8;
	[tilespmem:$0x11400] =	vst v63  }
0x82: {  	_ =	swait.ge [sflag:s0], $0x4000  }
0x83: {  	[sflag:s0] =	ssyncset.done $0x0  }
0x84: {  	[sflag:s0] =	ssyncadd.s32 $0xFFFFC000  }
.Ltmp0:
0x85: {  	_ =	swait.ge [sflag:s0], $0x4000;
	(pc) =	sbr.rel @p0 .LBB2_2-.Ltmp0, $4  }
0x86: {  	[sflag:s0] =	ssyncset.done $0x0  }
0x87: {  	s8 =	sadd.s32 s7, s18;
	[sflag:s0] =	ssyncadd.s32 $0xFFFFC000  }
0x88: {  	[hbm4b:s8+s3] =	stream.linear.scatter [tilespmem:s25], [sflag:$0x4], $0x4000, $0x38;
	[tilespmem:$0x11400] =	vst v63  }
0x89: {  	s5 =	sadd.s32 $0x100, s5;
	s6 =	sadd.s32 $0x100, s6;
	s7 =	sadd.s32 s7, s19  }
0x8a: {  	[hbm4b:s7+s3] =	stream.linear.scatter [tilespmem:s28], [sflag:$0x4], $0x4000, $0x38;
	[tilespmem:$0x11400] =	vst v63  }
0x8b: {  	_ =	swait.ge [sflag:s26], $0x4000  }
0x8c: {  	[sflag:s26] =	ssyncset.done $0x0  }
0x8d: {  	[sflag:s26] =	ssyncadd.s32 $0xFFFFC000  }
0x8e: {  	_ =	swait.ge [sflag:s26], $0x4000  }
0x8f: {  	[sflag:s26] =	ssyncset.done $0x0  }
0x90: {  	s1 =	simm.s32 $0x980;
	[sflag:s26] =	ssyncadd.s32 $0xFFFFC000  }
0x91: {  	[tilespmem:s25], [sflag:$0x2] =	stream.indirect.gather [hbm4b:s2+s22], $0x80, s1, s22, $0xb8;
	[tilespmem:$0x11400] =	vst v63  }
0x92: {  	s7 =	simm.s32 $0x1380  }
0x93: {  	[tilespmem:s28], [sflag:$0x2] =	stream.indirect.gather [hbm4b:s4+s22], $0x80, s7, s22, $0xb8;
	[tilespmem:$0x11400] =	vst v63  }
0x94: {  	_ =	swait.ge [sflag:s29], $0x4000  }
0x95: {  	[sflag:s29] =	ssyncset.done $0x0  }
0x96: {  	[sflag:s29] =	ssyncadd.s32 $0xFFFFC000  }
0x97: {  	_ =	swait.ge [sflag:s29], $0x4000  }
0x98: {  	[sflag:s29] =	ssyncset.done $0x0  }
0x99: {  	[sflag:s29] =	ssyncadd.s32 $0xFFFFC000  }
0x9a: {  	[hbm4b:s12+s3] =	stream.linear.scatter [tilespmem:s23], [sflag:$0x3], $0x4000, $0x38;
	[tilespmem:$0x11400] =	vst v63  }
0x9b: {  	_ = 	snop  }
0x9c: {  	[hbm4b:s13+s3] =	stream.linear.scatter [tilespmem:s24], [sflag:$0x3], $0x4000, $0x38;
	[tilespmem:$0x11400] =	vst v63  }
0x9d: {  	_ =	swait.ge [sflag:s30], $0x4000  }
0x9e: {  	[sflag:s30] =	ssyncset.done $0x0  }
0x9f: {  	[sflag:s30] =	ssyncadd.s32 $0xFFFFC000  }
0xa0: {  	_ =	swait.ge [sflag:s30], $0x4000  }
0xa1: {  	[sflag:s30] =	ssyncset.done $0x0  }
0xa2: {  	[sflag:s30] =	ssyncadd.s32 $0xFFFFC000  }
0xa3: {  	_ =	swait.ge [sflag:s0], $0x4000  }
0xa4: {  	[sflag:s0] =	ssyncset.done $0x0  }
0xa5: {  	[sflag:s0] =	ssyncadd.s32 $0xFFFFC000  }
0xa6: {  	_ =	swait.ge [sflag:s0], $0x4000  }
0xa7: {  	[sflag:s0] =	ssyncset.done $0x0  }
0xa8: {  	[sflag:s0] =	ssyncadd.s32 $0xFFFFC000  }
0xa9: {  	[hbm4b:s14+s3] =	stream.linear.scatter [tilespmem:s25], [sflag:$0x4], $0x4000, $0x38;
	[tilespmem:$0x11400] =	vst v63  }
0xaa: {  	_ = 	snop  }
0xab: {  	[hbm4b:s15+s3] =	stream.linear.scatter [tilespmem:s28], [sflag:$0x4], $0x4000, $0x38;
	[tilespmem:$0x11400] =	vst v63  }
0xac: {  	_ =	swait.ge [sflag:s26], $0x4000  }
0xad: {  	[sflag:s26] =	ssyncset.done $0x0  }
0xae: {  	[sflag:s26] =	ssyncadd.s32 $0xFFFFC000  }
0xaf: {  	_ =	swait.ge [sflag:s26], $0x4000  }
0xb0: {  	s31 =	sadd.s32 $0x1, s31;
	s8 =	rddreg [dreg:$0x5]  }
0xb1: {  	p0 =	sne.s32 s31, s8  }
.Ltmp1:
0xb2: {  	_ = 	snop;
	(pc) =	sbr.rel @p0 .LBB2_1-.Ltmp1, $3  }
0xb3: {  	_ =	sdelay $0x1  }
0xb4: {  	[sflag:s26] =	ssyncset.done $0x0  }
0xb5: {  	[sflag:s26] =	ssyncadd.s32 $0xFFFFC000  }
0xb6: {  	_ =	sfence.sel $0x180000  }
0xb7: {  	[bflag:$0x0] =	sbarrier.arrive $0xFFFF  }
0xb8: {  	_ =	strace $0x9000004A  }
0xb9: {  	s0 =	stileid.u32;
	[bflag:$0x2] =	sbarrier.arrive $0xFFFF  }
0xba: {  	p0 =	sne.s32 s0, $0x0;
	s0 =	rddreg [dreg:$0x2]  }
0xbb: {  	s0 =	sadd.s32 @!p0 $0x100000, s0  }
0xbc: {  	[sflag:s0] =	ssyncadd.tile.s32 @!p0 $0x1;
	_ =	shalt  }
.Lfunc_end2:
_tile_overlayer_lowered:
.L_overlay_start_2:
0xbd: {  	(tag) =	ssettag $0x2  }
0xbe: {  	s0 =	rddreg [dreg:$0x0];
	s2 =	stileid.u32  }
0xbf: {  	s1 =	rddreg [dreg:$0x1];
	p0 =	sne.s32 s2, $0x0  }
0xc0: {  	s3 =	rddreg [dreg:$0x2];
	[bflag:$0x3] =	sbarrier.arrive $0xFFFF;
	s2 =	simm.s32 @!p0 $0x1C05  }
0xc1: {  	[timem:s3], [sflag:s2] =	dma.local @!p0 [hbm:s0], s1  }
0xc2: {  	s0 =	simm.s32 @!p0 $0x5  }
0xc3: {  	_ =	swait.ge @!p0 [sflag:s0], s1  }
0xc4: {  	s1 =	ssub.s32 @!p0 $0x0, s1;
	[sflag:s0] =	ssyncset.done @!p0 $0x0  }
0xc5: {  	[sflag:s0] =	ssyncadd.s32 @!p0 s1  }
0xc6: {  	[bflag:$0x3] =	sbarrier.arrive $0xFFFF  }
0xc7: {  	_ =	shalt  }

// kernel: kernel.20.cloned.1.call-start
scs
__scs_entry_jumppad:
0x0: {  	(pc) =	sbr.rel $0x88, $3  }
0x1: {  	(tag) =	ssettag $0x0;
	lr =	simm.s32 $0x1  }
0x2: {  	[smem:$0x3F8E] =	sst lr;
	_ =	strace $0xD0000000  }
0x3: {  	_ = 	snop  }
0x4: {  	_ = 	snop  }
0x5: {  	_ = 	snop  }
0x6: {  	_ = 	snop  }
0x7: {  	_ = 	snop  }
__scs_overlays_trampoline_lowered:
0x8: {  	[smem:$0x3F9D] =	sst s0  }
0x9: {  	[smem:$0x3F9E] =	sst s1  }
0xa: {  	[smem:$0x3F9F] =	sst s2  }
0xb: {  	[smem:$0x3FA0] =	sst s3  }
0xc: {  	[smem:$0x3FA1] =	sst s4  }
0xd: {  	[smem:$0x3FA2] =	sst s5  }
0xe: {  	[smem:$0x3FA3] =	sst s6  }
0xf: {  	[smem:$0x3FA4] =	sst s7  }
0x10: {  	[smem:$0x3FA5] =	sst s8  }
0x11: {  	[smem:$0x3FA6] =	sst s9;
	s0 =	simm.s32 @!p0 $0x0  }
0x12: {  	s1 =	sld [smem:$0x3F8C];
	s0 =	simm.s32 @p0 $0x1  }
0x13: {  	[smem:$0x3FA7] =	sst s0;
	s0 =	simm.s32 @!p1 $0x0  }
0x14: {  	s2 =	sld [smem:$0x3F8B];
	s0 =	simm.s32 @p1 $0x1  }
0x15: {  	[smem:$0x3FA8] =	sst s0;
	s0 =	simm.s32 @!p2 $0x0  }
0x16: {  	s3 =	sld [smem:$0x3FDB];
	s0 =	simm.s32 @p2 $0x1  }
0x17: {  	s4 =	simm.s32 $0x1BF5;
	[smem:$0x3FAA] =	sst s0  }
0x18: {  	s0 =	sld [smem:$0x3F8D];
	_ =	swait.ge [sflag:s4], $0x0  }
0x19: {  	s7 =	sld [smem:$0x3F8E]  }
0x1a: {  	s8 =	sadd.s32 $0xFFFFE003, lr  }
0x1b: {  	s9 =	sadd.s32 $0xFFFFFEF7, lr;
	s5 =	simm.s32 $0xFFFFFFFF;
	p2 =	slt.u32 s8, $0xFFFFF086  }
0x1c: {  	p1 =	slt.u32 s9, $0xF7A;
	s5 =	simm.s32 @!p2 $0x0  }
0x1d: {  	s5 =	simm.s32 @p1 $0x1;
	p0 =	seq.s32 s7, s2  }
0x1e: {  	s7 =	smul.u32 @!p0 $0xF7A, s2;
	p2 =	seq.s32 @!p0 s5, $0x0  }
0x1f: {  	s9 =	smul.u32 $0xF7A, s1;
	s8 =	simm.s32 @!p0 $0x1BF5;
	p2 =	por !p2, p0  }
0x20: {  	[sflag:s8] =	ssyncset.s32 @!p0 $0xFFFFF086;
	s6 =	sadd.s32 @!p0 s3, s7;
	s7 =	simm.s32 @!p0 $0x108  }
0x21: {  	s3 =	sadd.s32 s3, s9;
	s6 =	sadd.s32 @!p0 $0x88, s6;
	s7 =	simm.s32 @p2 $0x1082  }
0x22: {  	[simem:s7], [sflag:s8] =	dma.local @!p0 [hbm:s6], $0xF7A  }
0x23: {  	s9 =	sor.u32 $0xD0000000, s2;
	s6 =	simm.s32 $0x108;
	_ =	swait.ge @!p0 [sflag:s8], $0x0  }
0x24: {  	s3 =	sadd.s32 $0x88, s3;
	s6 =	simm.s32 @!p1 $0x1082;
	[sflag:s4] =	ssyncset.s32 $0xFFFFF086  }
0x25: {  	[simem:s6], [sflag:s4] =	dma.local [hbm:s3], $0xF7A  }
0x26: {  	[smem:$0x3F8E] =	sst s1;
	(tag) =	ssettag s2;
	_ =	strace s9  }
0x27: {  	s1 =	sld [smem:$0x3F9E]  }
0x28: {  	s2 =	sld [smem:$0x3F9F]  }
0x29: {  	s4 =	sld [smem:$0x3FA1]  }
0x2a: {  	p0 =	seq.s32 s5, $0x0;
	s5 =	sld [smem:$0x3FA2]  }
0x2b: {  	s6 =	sld [smem:$0x3FA3]  }
0x2c: {  	s7 =	sld [smem:$0x3FA4]  }
0x2d: {  	s3 =	simm.s32 $0x108;
	s8 =	sld [smem:$0x3FA5]  }
0x2e: {  	s3 =	simm.s32 @!p0 $0x1082;
	s9 =	sld [smem:$0x3FA6]  }
0x2f: {  	lr =	sadd.s32 s0, s3;
	s0 =	sld [smem:$0x3F9D]  }
0x30: {  	s3 =	sld [smem:$0x3FA0]  }
0x31: {  	[smem:$0x3FA9] =	sst s10  }
0x32: {  	s10 =	sld [smem:$0x3FA7];
	_ =	sdelay $0x3  }
0x33: {  	p0 =	seq.s32 s10, $0x1;
	s10 =	sld [smem:$0x3FA9];
	_ =	sdelay $0x3  }
0x34: {  	[smem:$0x3FA9] =	sst s10  }
0x35: {  	s10 =	sld [smem:$0x3FA8];
	_ =	sdelay $0x3  }
0x36: {  	p1 =	seq.s32 s10, $0x1;
	s10 =	sld [smem:$0x3FA9];
	_ =	sdelay $0x3  }
0x37: {  	[smem:$0x3FA9] =	sst s10  }
0x38: {  	s10 =	sld [smem:$0x3FAA]  }
0x39: {  	_ = 	snop;
	(pc) =	sbr.ind lr, $3  }
0x3a: {  	_ = 	snop  }
0x3b: {  	_ = 	snop  }
0x3c: {  	p2 =	seq.s32 s10, $0x1;
	s10 =	sld [smem:$0x3FA9]  }
0x3d: {  	_ =	shalt  }
0x3e: {  	_ =	shalt  }
0x3f: {  	_ =	shalt  }
0x40: {  	_ =	shalt  }
0x41: {  	_ =	shalt  }
0x42: {  	_ =	shalt  }
0x43: {  	_ =	shalt  }
0x44: {  	_ =	shalt  }
0x45: {  	_ =	shalt  }
0x46: {  	_ =	shalt  }
0x47: {  	_ =	shalt  }
0x48: {  	_ =	shalt  }
0x49: {  	_ =	shalt  }
0x4a: {  	_ =	shalt  }
0x4b: {  	_ =	shalt  }
0x4c: {  	_ =	shalt  }
0x4d: {  	_ =	shalt  }
0x4e: {  	_ =	shalt  }
0x4f: {  	_ =	shalt  }
0x50: {  	_ =	shalt  }
0x51: {  	_ =	shalt  }
0x52: {  	_ =	shalt  }
0x53: {  	_ =	shalt  }
0x54: {  	_ =	shalt  }
0x55: {  	_ =	shalt  }
0x56: {  	_ =	shalt  }
0x57: {  	_ =	shalt  }
0x58: {  	_ =	shalt  }
0x59: {  	_ =	shalt  }
0x5a: {  	_ =	shalt  }
0x5b: {  	_ =	shalt  }
0x5c: {  	_ =	shalt  }
0x5d: {  	_ =	shalt  }
0x5e: {  	_ =	shalt  }
0x5f: {  	_ =	shalt  }
0x60: {  	_ =	shalt  }
0x61: {  	_ =	shalt  }
0x62: {  	_ =	shalt  }
0x63: {  	_ =	shalt  }
0x64: {  	_ =	shalt  }
0x65: {  	_ =	shalt  }
0x66: {  	_ =	shalt  }
0x67: {  	_ =	shalt  }
0x68: {  	_ =	shalt  }
0x69: {  	_ =	shalt  }
0x6a: {  	_ =	shalt  }
0x6b: {  	_ =	shalt  }
0x6c: {  	_ =	shalt  }
0x6d: {  	_ =	shalt  }
0x6e: {  	_ =	shalt  }
0x6f: {  	_ =	shalt  }
0x70: {  	_ =	shalt  }
0x71: {  	_ =	shalt  }
0x72: {  	_ =	shalt  }
0x73: {  	_ =	shalt  }
0x74: {  	_ =	shalt  }
0x75: {  	_ =	shalt  }
0x76: {  	_ =	shalt  }
0x77: {  	_ =	shalt  }
0x78: {  	_ =	shalt  }
0x79: {  	_ =	shalt  }
0x7a: {  	_ =	shalt  }
0x7b: {  	_ =	shalt  }
0x7c: {  	_ =	shalt  }
0x7d: {  	_ =	shalt  }
0x7e: {  	_ =	shalt  }
0x7f: {  	_ =	shalt  }
0x80: {  	_ =	shalt  }
0x81: {  	_ =	shalt  }
0x82: {  	_ =	shalt  }
0x83: {  	_ =	shalt  }
0x84: {  	_ =	shalt  }
0x85: {  	_ =	shalt  }
0x86: {  	_ =	shalt  }
0x87: {  	_ =	shalt  }
.Lfunc_end0:
.L_simem_size_0:
called_computation.2_lowered:
.L_overlay_start_0:
0x88: {  	s2 =	sld [smem:$0x3FD9]  }
0x89: {  	s3 =	sld [smem:$0x3FFE];
	_ =	sdelay $0x1  }
0x8a: {  	s1 =	srdreg.scid  }
0x8b: {  	s0 =	sand.u32 $0x1, s1  }
0x8c: {  	s14 =	sshll.u32 s0, $0xA;
	s2 =	sadd.s32 s3, s2  }
0x8d: {  	s2 =	sadd.s32 s2, s14  }
0x8e: {  	[smem:$0x3FB5] =	sst s2  }
0x8f: {  	_ = 	snop  }
0x90: {  	s2 =	sld [smem:$0x3FD0];
	_ =	sdelay $0x2  }
0x91: {  	s15 =	simm.s32 $0xB;
	s4 =	simm.s32 $0x10  }
0x92: {  	[smem:s4], [sflag:s15] =	dma.local [hbm:s2], $0x1  }
0x93: {  	_ =	swait.eq [sflag:s15], $0x1  }
0x94: {  	[sflag:s15] =	ssyncset.done $0x0  }
0x95: {  	[sflag:s15] =	ssyncadd.s32 $0xFFFFFFFF  }
0x96: {  	s16 =	sld [smem:$0x11];
	(tm) =	ssettm $0x1  }
0x97: {  	s17 =	sld [smem:$0x3FFB];
	_ =	sdelay $0x3  }
0x98: {  	_ =	strace s17  }
0x99: {  	s3 =	sld [smem:$0x3FFC];
	_ =	sdelay $0x3  }
0x9a: {  	_ =	strace s3  }
0x9b: {  	s3 =	sld [smem:$0x3FFD];
	_ =	sdelay $0x3  }
0x9c: {  	_ =	strace s3  }
0x9d: {  	_ =	strace $0x8FFFFFFF  }
0x9e: {  	s18 =	sld [smem:$0x3FDB];
	_ =	sdelay $0x1  }
0x9f: {  	s19 =	simm.s32 $_scs_section_size  }
0xa0: {  	s5 =	simm.s32 $_size__tile_overlayer_lowered;
	s6 =	simm.s32 $_tile_overlayer_lowered  }
0xa1: {  	s22 =	simm.s32 $0x1BFF;
	s21 =	sshll.u32 s6, $0x1;
	s3 =	sadd.s32 s19, s18  }
0xa2: {  	s7 =	simm.s32 $0x0;
	s20 =	sshll.u32 s5, $0x1;
	s5 =	sadd.s32 s21, s3  }
0xa3: {  	[timem:s7], [sflag:s22] =	dma.local [hbm:s5], s20  }
0xa4: {  	_ =	swait.ge [sflag:s22], s20  }
0xa5: {  	s4 =	ssub.s32 $0x0, s20;
	[sflag:s22] =	ssyncset.done $0x0  }
0xa6: {  	[sflag:s22] =	ssyncadd.s32 s4;
	_ =	sdelay $0x1  }
0xa7: {  	s23 =	simm.s32 $0x1B8B  }
0xa8: {  	_ =	swait.ge [sflag:s23], $0x1  }
0xa9: {  	[sflag:s23] =	ssyncset.done $0x0  }
0xaa: {  	s25 =	simm.s32 $0x1B8E;
	s24 =	sld [smem:$0x3FFE];
	[sflag:s23] =	ssyncadd.s32 $0xFFFFFFFF  }
0xab: {  	s26 =	simm.s32 $execute0_lowered;
	[smem:$0x3FD2] =	sst s25  }
0xac: {  	s5 =	sshll.u32 s26, $0x1;
	_ =	strace $0x8000004C;
	[dreg:$0x1] =	wrdreg $0xFFFFFFFF  }
0xad: {  	s28 =	simm.s32 $_size_execute0_lowered;
	s3 =	sadd.s32 s3, s5;
	[dreg:$0x0] =	wrdreg $0x0  }
0xae: {  	s5 =	sshll.u32 s28, $0x1;
	[dreg:$0x2] =	wrdreg s3  }
0xaf: {  	[dreg:$0x3] =	wrdreg s5  }
0xb0: {  	[dreg:$0x4] =	wrdreg $0xC0  }
0xb1: {  	_ =	task [dreg:s7], $0x5FFFF  }
0xb2: {  	[dreg:$0x1] =	wrdreg $0xFFFFFFFF  }
0xb3: {  	[dreg:$0x0] =	wrdreg $0x60  }
0xb4: {  	[dreg:$0x2] =	wrdreg s24  }
0xb5: {  	[dreg:$0x3] =	wrdreg s16  }
0xb6: {  	[dreg:$0x4] =	wrdreg $0x9  }
0xb7: {  	_ =	task.clear_ibuf [dreg:s7], $0x5FFFF;
	_ =	strace $0x9000004C  }
0xb8: {  	s29 =	simm.s32 $0x9;
	_ =	strace $0x8000004E  }
0xb9: {  	_ =	swait.ge [sflag:s29], $0x1  }
0xba: {  	[sflag:s29] =	ssyncadd.s32 $0xFFFFFFFF  }
0xbb: {  	_ =	strace $0x9000004E  }
0xbc: {  	_ =	sfence  }
0xbd: {  	s30 =	sld [smem:$0x0];
	_ =	sdelay $0x2  }
0xbe: {  	s31 =	sshll.u32 s1, $0xD;
	s1 =	sshrl.u32 s1, $0x2  }
0xbf: {  	s3 =	sand.u32 $0x4000, s31;
	s1 =	sadd.s32 s1, s30  }
0xc0: {  	s0 =	sor.u32 s3, s0;
	s1 =	sshll.u32 s1, $0x11  }
0xc1: {  	s0 =	sor.u32 s1, s0  }
0xc2: {  	s0 =	sadd.s32 $0x8F2B, s0  }
0xc3: {  	[sflag:s0] =	ssyncadd.remote.s32 $0x1  }
0xc4: {  	_ =	sfence.sel $0xFFFF  }
0xc5: {  	[dreg:$0x0] =	wrdreg $0xFFFFFFFF;
	(pc) =	sbr.abs _section_cstart, $3  }
0xc6: {  	[dreg:$0x1] =	wrdreg $0xFFFFFFFF  }
0xc7: {  	_ =	task.clear_ibuf [dreg:s7], $0x2FFFF;
	_ =	strace $0x9FFFFFFF  }
0xc8: {  	(tm) =	ssettm $0x7FFFFFFF  }
0xc9: {  	_ =	shalt  }
tec
execute0_lowered:
.L_overlay_start_1:
0x0: {  	(tag) =	ssettag $0x1  }
0x1: {  	s3 =	rddreg [dreg:$0x0]  }
0x2: {  	s5 =	rddreg [dreg:$0x1]  }
0x3: {  	s2 =	srdreg.scid;
	s1 =	stileid.u32  }
0x4: {  	s0 =	rddreg [dreg:$0x2];
	s10 =	simm.s32 $0x80;
	s11 =	simm.s32 $0x400  }
0x5: {  	s4 =	sand.u32 $0x1, s2;
	s6 =	sshll.u32 s1, $0x1;
	s2 =	simm.s32 $0x0  }
0x6: {  	s7 =	sshrl.u32 s1, $0x2;
	s6 =	sor.u32 s4, s6;
	[smem:$0x7FF] =	sst s2  }
0x7: {  	v0 =	vimm.f32 $-1.000000020e+30;
	s7 =	smul.u32 $0x28000, s7;
	s4 =	ssub.s32 $0x2, s4;
	s8 =	sshll.u32 s6, $0x7  }
0x8: {  	vm0 =	vcmask $0x704;
	vm1 =	vcmask $0xB08;
	vm14 =	vcmask $0x3F3C;
	s6 =	smul.u32 $0x280, s6;
	_ =	strace $0x8000004D;
	s9 =	sshrl.u32 s4, $0x1  }
0x9: {  	vm2 =	vcmask $0xF0C;
	vm3 =	vcmask $0x1310;
	vm4 =	vcmask $0x1714;
	s8 =	sand.u32 $0x380, s8;
	s31 =	ssub.s32 s4, s9;
	s9 =	simm.s32 $0x2800  }
0xa: {  	vm5 =	vcmask $0x1B18;
	vm6 =	vcmask $0x1F1C;
	vm7 =	vcmask $0x2320;
	s7 =	sor.u32 s7, s8;
	s6 =	sadd.s32 s6, s3;
	s8 =	simm.s32 $0x1400  }
0xb: {  	vm8 =	vcmask $0x2724;
	vm9 =	vcmask $0x2B28;
	vm10 =	vcmask $0x2F2C;
	s7 =	sshrl.u32 s7, $0x3;
	s3 =	sadd.s32 $0x64600, s6;
	s4 =	sadd.s32 $0x5F600, s6  }
0xc: {  	vm11 =	vcmask $0x3330;
	vm12 =	vcmask $0x3734;
	vm13 =	vcmask $0x3B38;
	s6 =	smax.u32 s31, $0x1;
	s5 =	sadd.s32 s5, s7;
	s7 =	simm.s32 $0x1  }
.LBB2_1:
0xd: {  	s12 =	simm.s32 $0x40;
	s13 =	simm.s32 $0x0  }
.LBB2_2:
0xe: {  	p0 =	sne.s32 s12, $0x13FC0;
	[tilespmem:s13+$0x2800] =	vst v0;
	s13 =	smov.u32 s12;
	s12 =	sadd.s32 $0x40, s12  }
.Ltmp0:
0xf: {  	(pc) =	sbr.rel @p0 .LBB2_2-.Ltmp0, $2  }
0x10: {  	_ =	sdelay $0x2  }
0x11: {  	s13 =	sshra.s32 s13, $0x2  }
0x12: {  	[tilespmem:s13+$0x2800] =	vst v0;
	s12 =	simm.s32 $0x0  }
0x13: {  	[tilespmem:s12], [sflag:$0x1] =	stream.linear.gather [hbm4b:s3+s12], $0x1400, $0x38;
	[tilespmem:$0x7800] =	vst v63  }
0x14: {  	_ =	swait.ge [sflag:s7], $0x1400  }
0x15: {  	[sflag:s7] =	ssyncset.done $0x0  }
0x16: {  	[sflag:s7] =	ssyncadd.s32 $0xFFFFEC00  }
0x17: {  	[tilespmem:s8], [sflag:$0x1] =	stream.linear.gather [hbm4b:s4+s12], $0x1400, $0x38;
	[tilespmem:$0x7800] =	vst v63  }
0x18: {  	_ =	swait.ge [sflag:s7], $0x1400  }
0x19: {  	[sflag:s7] =	ssyncset.done $0x0  }
0x1a: {  	s31 =	simm.s32 $0x0;
	[sflag:s7] =	ssyncadd.s32 $0xFFFFEC00  }
0x1b: {  	v1 =	vld [tilespmem:s31+$0x1400];
	_ =	sdelay $0x6  }
0x1c: {  	v3 =	vld [tilespmem:s31+$0x0]  }
0x1d: {  	v2 =	vld.idx.msk [tilespmem:v1+s9+$0x0], $0xffff;
	_ =	sdelay $0x4  }
0x1e: {  	v2 =	vmax.f32 v2, v3  }
0x1f: {  	[tilespmem:v1+s9+$0x0] =	vst.idx.msk $0x1, v2  }
0x20: {  	v2 =	vld.idx.msk [tilespmem:v1+s9+$0x0], $0xffff;
	_ =	sdelay $0x4  }
0x21: {  	v2 =	vmax.f32 v2, v3  }
0x22: {  	[tilespmem:v1+s9+$0x0] =	vst.idx.msk vm0, v2  }
0x23: {  	v2 =	vld.idx.msk [tilespmem:v1+s9+$0x0], $0xffff;
	_ =	sdelay $0x4  }
0x24: {  	v2 =	vmax.f32 v2, v3  }
0x25: {  	[tilespmem:v1+s9+$0x0] =	vst.idx.msk vm1, v2  }
0x26: {  	v2 =	vld.idx.msk [tilespmem:v1+s9+$0x0], $0xffff;
	_ =	sdelay $0x4  }
0x27: {  	v2 =	vmax.f32 v2, v3  }
0x28: {  	[tilespmem:v1+s9+$0x0] =	vst.idx.msk vm2, v2  }
0x29: {  	v2 =	vld.idx.msk [tilespmem:v1+s9+$0x0], $0xffff;
	_ =	sdelay $0x4  }
0x2a: {  	v2 =	vmax.f32 v2, v3  }
0x2b: {  	[tilespmem:v1+s9+$0x0] =	vst.idx.msk vm3, v2  }
0x2c: {  	v2 =	vld.idx.msk [tilespmem:v1+s9+$0x0], $0xffff;
	_ =	sdelay $0x4  }
0x2d: {  	v2 =	vmax.f32 v2, v3  }
0x2e: {  	[tilespmem:v1+s9+$0x0] =	vst.idx.msk vm4, v2  }
0x2f: {  	v2 =	vld.idx.msk [tilespmem:v1+s9+$0x0], $0xffff;
	_ =	sdelay $0x4  }
0x30: {  	v2 =	vmax.f32 v2, v3  }
0x31: {  	[tilespmem:v1+s9+$0x0] =	vst.idx.msk vm5, v2  }
0x32: {  	v2 =	vld.idx.msk [tilespmem:v1+s9+$0x0], $0xffff;
	_ =	sdelay $0x4  }
0x33: {  	v2 =	vmax.f32 v2, v3  }
0x34: {  	[tilespmem:v1+s9+$0x0] =	vst.idx.msk vm6, v2  }
0x35: {  	v2 =	vld.idx.msk [tilespmem:v1+s9+$0x0], $0xffff;
	_ =	sdelay $0x4  }
0x36: {  	v2 =	vmax.f32 v2, v3  }
0x37: {  	[tilespmem:v1+s9+$0x0] =	vst.idx.msk vm7, v2  }
0x38: {  	v2 =	vld.idx.msk [tilespmem:v1+s9+$0x0], $0xffff;
	_ =	sdelay $0x4  }
0x39: {  	v2 =	vmax.f32 v2, v3  }
0x3a: {  	[tilespmem:v1+s9+$0x0] =	vst.idx.msk vm8, v2  }
0x3b: {  	v2 =	vld.idx.msk [tilespmem:v1+s9+$0x0], $0xffff;
	_ =	sdelay $0x4  }
0x3c: {  	v2 =	vmax.f32 v2, v3  }
0x3d: {  	[tilespmem:v1+s9+$0x0] =	vst.idx.msk vm9, v2  }
0x3e: {  	v2 =	vld.idx.msk [tilespmem:v1+s9+$0x0], $0xffff;
	_ =	sdelay $0x4  }
0x3f: {  	v2 =	vmax.f32 v2, v3  }
0x40: {  	[tilespmem:v1+s9+$0x0] =	vst.idx.msk vm10, v2  }
0x41: {  	v2 =	vld.idx.msk [tilespmem:v1+s9+$0x0], $0xffff;
	_ =	sdelay $0x4  }
0x42: {  	v2 =	vmax.f32 v2, v3  }
0x43: {  	[tilespmem:v1+s9+$0x0] =	vst.idx.msk vm11, v2  }
0x44: {  	v2 =	vld.idx.msk [tilespmem:v1+s9+$0x0], $0xffff;
	_ =	sdelay $0x4  }
0x45: {  	v2 =	vmax.f32 v2, v3  }
0x46: {  	[tilespmem:v1+s9+$0x0] =	vst.idx.msk vm12, v2  }
0x47: {  	v2 =	vld.idx.msk [tilespmem:v1+s9+$0x0], $0xffff;
	_ =	sdelay $0x4  }
0x48: {  	v2 =	vmax.f32 v2, v3  }
0x49: {  	[tilespmem:v1+s9+$0x0] =	vst.idx.msk vm13, v2  }
0x4a: {  	v2 =	vld.idx.msk [tilespmem:v1+s9+$0x0], $0xffff;
	_ =	sdelay $0x4  }
0x4b: {  	s13 =	simm.s32 $0x80;
	s12 =	simm.s32 $0x40;
	v2 =	vmax.f32 v2, v3  }
.LBB2_4:
0x4c: {  	p0 =	sne.s32 s13, $0x4FC0  }
0x4d: {  	s14 =	sshra.s32 s12, $0x2;
	[tilespmem:v1+s9+$0x0] =	vst.idx.msk vm14, v2;
	s12 =	smov.u32 s13;
	s13 =	sadd.s32 $0x40, s13  }
0x4e: {  	v1 =	vld [tilespmem:s14+$0x1400];
	_ =	sdelay $0x7  }
0x4f: {  	v3 =	vld.idx.msk [tilespmem:v1+s9+$0x0], $0xffff  }
0x50: {  	v2 =	vld [tilespmem:s14+$0x0];
	_ =	sdelay $0x4  }
0x51: {  	v3 =	vmax.f32 v3, v2  }
0x52: {  	[tilespmem:v1+s9+$0x0] =	vst.idx.msk $0x1, v3  }
0x53: {  	v3 =	vld.idx.msk [tilespmem:v1+s9+$0x0], $0xffff;
	_ =	sdelay $0x5  }
0x54: {  	v3 =	vmax.f32 v3, v2  }
0x55: {  	[tilespmem:v1+s9+$0x0] =	vst.idx.msk vm0, v3  }
0x56: {  	v3 =	vld.idx.msk [tilespmem:v1+s9+$0x0], $0xffff;
	_ =	sdelay $0x5  }
0x57: {  	v3 =	vmax.f32 v3, v2  }
0x58: {  	[tilespmem:v1+s9+$0x0] =	vst.idx.msk vm1, v3  }
0x59: {  	v3 =	vld.idx.msk [tilespmem:v1+s9+$0x0], $0xffff;
	_ =	sdelay $0x5  }
0x5a: {  	v3 =	vmax.f32 v3, v2  }
0x5b: {  	[tilespmem:v1+s9+$0x0] =	vst.idx.msk vm2, v3  }
0x5c: {  	v3 =	vld.idx.msk [tilespmem:v1+s9+$0x0], $0xffff;
	_ =	sdelay $0x5  }
0x5d: {  	v3 =	vmax.f32 v3, v2  }
0x5e: {  	[tilespmem:v1+s9+$0x0] =	vst.idx.msk vm3, v3  }
0x5f: {  	v3 =	vld.idx.msk [tilespmem:v1+s9+$0x0], $0xffff;
	_ =	sdelay $0x5  }
0x60: {  	v3 =	vmax.f32 v3, v2  }
0x61: {  	[tilespmem:v1+s9+$0x0] =	vst.idx.msk vm4, v3  }
0x62: {  	v3 =	vld.idx.msk [tilespmem:v1+s9+$0x0], $0xffff;
	_ =	sdelay $0x5  }
0x63: {  	v3 =	vmax.f32 v3, v2  }
0x64: {  	[tilespmem:v1+s9+$0x0] =	vst.idx.msk vm5, v3  }
0x65: {  	v3 =	vld.idx.msk [tilespmem:v1+s9+$0x0], $0xffff;
	_ =	sdelay $0x5  }
0x66: {  	v3 =	vmax.f32 v3, v2  }
0x67: {  	[tilespmem:v1+s9+$0x0] =	vst.idx.msk vm6, v3  }
0x68: {  	v3 =	vld.idx.msk [tilespmem:v1+s9+$0x0], $0xffff;
	_ =	sdelay $0x5  }
0x69: {  	v3 =	vmax.f32 v3, v2  }
0x6a: {  	[tilespmem:v1+s9+$0x0] =	vst.idx.msk vm7, v3  }
0x6b: {  	v3 =	vld.idx.msk [tilespmem:v1+s9+$0x0], $0xffff;
	_ =	sdelay $0x5  }
0x6c: {  	v3 =	vmax.f32 v3, v2  }
0x6d: {  	[tilespmem:v1+s9+$0x0] =	vst.idx.msk vm8, v3  }
0x6e: {  	v3 =	vld.idx.msk [tilespmem:v1+s9+$0x0], $0xffff;
	_ =	sdelay $0x5  }
0x6f: {  	v3 =	vmax.f32 v3, v2  }
0x70: {  	[tilespmem:v1+s9+$0x0] =	vst.idx.msk vm9, v3  }
0x71: {  	v3 =	vld.idx.msk [tilespmem:v1+s9+$0x0], $0xffff;
	_ =	sdelay $0x5  }
0x72: {  	v3 =	vmax.f32 v3, v2  }
0x73: {  	[tilespmem:v1+s9+$0x0] =	vst.idx.msk vm10, v3  }
0x74: {  	v3 =	vld.idx.msk [tilespmem:v1+s9+$0x0], $0xffff;
	_ =	sdelay $0x5  }
0x75: {  	v3 =	vmax.f32 v3, v2  }
0x76: {  	[tilespmem:v1+s9+$0x0] =	vst.idx.msk vm11, v3  }
0x77: {  	v3 =	vld.idx.msk [tilespmem:v1+s9+$0x0], $0xffff;
	_ =	sdelay $0x5  }
0x78: {  	v3 =	vmax.f32 v3, v2  }
0x79: {  	[tilespmem:v1+s9+$0x0] =	vst.idx.msk vm12, v3  }
0x7a: {  	v3 =	vld.idx.msk [tilespmem:v1+s9+$0x0], $0xffff;
	_ =	sdelay $0x5  }
0x7b: {  	v3 =	vmax.f32 v3, v2  }
0x7c: {  	[tilespmem:v1+s9+$0x0] =	vst.idx.msk vm13, v3  }
0x7d: {  	v3 =	vld.idx.msk [tilespmem:v1+s9+$0x0], $0xffff;
	_ =	sdelay $0x1  }
.Ltmp1:
0x7e: {  	(pc) =	sbr.rel @p0 .LBB2_4-.Ltmp1, $2  }
0x7f: {  	_ =	sdelay $0x2  }
0x80: {  	v2 =	vmax.f32 v3, v2  }
0x81: {  	_ =	sdelay $0x4  }
0x82: {  	s12 =	sshra.s32 s12, $0x2;
	[tilespmem:v1+s9+$0x0] =	vst.idx.msk vm14, v2  }
0x83: {  	v1 =	vld [tilespmem:s12+$0x1400];
	_ =	sdelay $0x6  }
0x84: {  	v3 =	vld [tilespmem:s12+$0x0]  }
0x85: {  	v2 =	vld.idx.msk [tilespmem:v1+s9+$0x0], $0xffff;
	_ =	sdelay $0x4  }
0x86: {  	v2 =	vmax.f32 v2, v3  }
0x87: {  	[tilespmem:v1+s9+$0x0] =	vst.idx.msk $0x1, v2  }
0x88: {  	v2 =	vld.idx.msk [tilespmem:v1+s9+$0x0], $0xffff;
	_ =	sdelay $0x4  }
0x89: {  	v2 =	vmax.f32 v2, v3  }
0x8a: {  	[tilespmem:v1+s9+$0x0] =	vst.idx.msk vm0, v2  }
0x8b: {  	v2 =	vld.idx.msk [tilespmem:v1+s9+$0x0], $0xffff;
	_ =	sdelay $0x4  }
0x8c: {  	v2 =	vmax.f32 v2, v3  }
0x8d: {  	[tilespmem:v1+s9+$0x0] =	vst.idx.msk vm1, v2  }
0x8e: {  	v2 =	vld.idx.msk [tilespmem:v1+s9+$0x0], $0xffff;
	_ =	sdelay $0x4  }
0x8f: {  	v2 =	vmax.f32 v2, v3  }
0x90: {  	[tilespmem:v1+s9+$0x0] =	vst.idx.msk vm2, v2  }
0x91: {  	v2 =	vld.idx.msk [tilespmem:v1+s9+$0x0], $0xffff;
	_ =	sdelay $0x4  }
0x92: {  	v2 =	vmax.f32 v2, v3  }
0x93: {  	[tilespmem:v1+s9+$0x0] =	vst.idx.msk vm3, v2  }
0x94: {  	v2 =	vld.idx.msk [tilespmem:v1+s9+$0x0], $0xffff;
	_ =	sdelay $0x4  }
0x95: {  	v2 =	vmax.f32 v2, v3  }
0x96: {  	[tilespmem:v1+s9+$0x0] =	vst.idx.msk vm4, v2  }
0x97: {  	v2 =	vld.idx.msk [tilespmem:v1+s9+$0x0], $0xffff;
	_ =	sdelay $0x4  }
0x98: {  	v2 =	vmax.f32 v2, v3  }
0x99: {  	[tilespmem:v1+s9+$0x0] =	vst.idx.msk vm5, v2  }
0x9a: {  	v2 =	vld.idx.msk [tilespmem:v1+s9+$0x0], $0xffff;
	_ =	sdelay $0x4  }
0x9b: {  	v2 =	vmax.f32 v2, v3  }
0x9c: {  	[tilespmem:v1+s9+$0x0] =	vst.idx.msk vm6, v2  }
0x9d: {  	v2 =	vld.idx.msk [tilespmem:v1+s9+$0x0], $0xffff;
	_ =	sdelay $0x4  }
0x9e: {  	v2 =	vmax.f32 v2, v3  }
0x9f: {  	[tilespmem:v1+s9+$0x0] =	vst.idx.msk vm7, v2  }
0xa0: {  	v2 =	vld.idx.msk [tilespmem:v1+s9+$0x0], $0xffff;
	_ =	sdelay $0x4  }
0xa1: {  	v2 =	vmax.f32 v2, v3  }
0xa2: {  	[tilespmem:v1+s9+$0x0] =	vst.idx.msk vm8, v2  }
0xa3: {  	v2 =	vld.idx.msk [tilespmem:v1+s9+$0x0], $0xffff;
	_ =	sdelay $0x4  }
0xa4: {  	v2 =	vmax.f32 v2, v3  }
0xa5: {  	[tilespmem:v1+s9+$0x0] =	vst.idx.msk vm9, v2  }
0xa6: {  	v2 =	vld.idx.msk [tilespmem:v1+s9+$0x0], $0xffff;
	_ =	sdelay $0x4  }
0xa7: {  	v2 =	vmax.f32 v2, v3  }
0xa8: {  	[tilespmem:v1+s9+$0x0] =	vst.idx.msk vm10, v2  }
0xa9: {  	v2 =	vld.idx.msk [tilespmem:v1+s9+$0x0], $0xffff;
	_ =	sdelay $0x4  }
0xaa: {  	v2 =	vmax.f32 v2, v3  }
0xab: {  	[tilespmem:v1+s9+$0x0] =	vst.idx.msk vm11, v2  }
0xac: {  	v2 =	vld.idx.msk [tilespmem:v1+s9+$0x0], $0xffff;
	_ =	sdelay $0x4  }
0xad: {  	v2 =	vmax.f32 v2, v3  }
0xae: {  	[tilespmem:v1+s9+$0x0] =	vst.idx.msk vm12, v2  }
0xaf: {  	v2 =	vld.idx.msk [tilespmem:v1+s9+$0x0], $0xffff;
	_ =	sdelay $0x4  }
0xb0: {  	v2 =	vmax.f32 v2, v3  }
0xb1: {  	[tilespmem:v1+s9+$0x0] =	vst.idx.msk vm13, v2  }
0xb2: {  	v2 =	vld.idx.msk [tilespmem:v1+s9+$0x0], $0xffff;
	_ =	sdelay $0x3  }
0xb3: {  	s2 =	sadd.s32 $0x1, s2  }
0xb4: {  	p0 =	sne.s32 s2, s6;
	v2 =	vmax.f32 v2, v3  }
.Ltmp2:
0xb5: {  	[tilespmem:v1+s9+$0x0] =	vst.idx.msk vm14, v2;
	(pc) =	sbr.rel @p0 .LBB2_1-.Ltmp2, $4  }
0xb6: {  	[hbm4b:s5+s10] =	stream.strided.scatter [tilespmem:s9], [sflag:$0x1], $0x5000, s11, s10, $0x38;
	[tilespmem:$0x7800] =	vst v63  }
0xb7: {  	_ =	swait.ge [sflag:s7], $0x5000  }
0xb8: {  	[sflag:s7] =	ssyncset.done $0x0  }
0xb9: {  	[sflag:s7] =	ssyncadd.s32 $0xFFFFB000  }
0xba: {  	_ =	sfence.sel $0x180000  }
0xbb: {  	[bflag:$0x0] =	sbarrier.arrive $0xFFFF  }
0xbc: {  	p0 =	sne.s32 s1, $0x0;
	_ =	strace $0x9000004D  }
0xbd: {  	s0 =	sadd.s32 @!p0 $0x100000, s0;
	[bflag:$0x2] =	sbarrier.arrive $0xFFFF  }
0xbe: {  	[sflag:s0] =	ssyncadd.tile.s32 @!p0 $0x1;
	_ =	shalt  }
.Lfunc_end2:
_tile_overlayer_lowered:
.L_overlay_start_2:
0xbf: {  	(tag) =	ssettag $0x2  }
0xc0: {  	s0 =	rddreg [dreg:$0x0];
	s2 =	stileid.u32  }
0xc1: {  	s1 =	rddreg [dreg:$0x1];
	p0 =	sne.s32 s2, $0x0  }
0xc2: {  	s3 =	rddreg [dreg:$0x2];
	[bflag:$0x3] =	sbarrier.arrive $0xFFFF;
	s2 =	simm.s32 @!p0 $0x1C01  }
0xc3: {  	[timem:s3], [sflag:s2] =	dma.local @!p0 [hbm:s0], s1  }
0xc4: {  	s0 =	simm.s32 @!p0 $0x1  }
0xc5: {  	_ =	swait.ge @!p0 [sflag:s0], s1  }
0xc6: {  	s1 =	ssub.s32 @!p0 $0x0, s1;
	[sflag:s0] =	ssyncset.done @!p0 $0x0  }
0xc7: {  	[sflag:s0] =	ssyncadd.s32 @!p0 s1  }
0xc8: {  	[bflag:$0x3] =	sbarrier.arrive $0xFFFF  }
0xc9: {  	_ =	shalt  }

// kernel: kernel.23.cloned.1.call-start
scs
__scs_entry_jumppad:
0x0: {  	(pc) =	sbr.rel $0x88, $3  }
0x1: {  	(tag) =	ssettag $0x0;
	lr =	simm.s32 $0x1  }
0x2: {  	[smem:$0x3F8E] =	sst lr;
	_ =	strace $0xD0000000  }
0x3: {  	_ = 	snop  }
0x4: {  	_ = 	snop  }
0x5: {  	_ = 	snop  }
0x6: {  	_ = 	snop  }
0x7: {  	_ = 	snop  }
__scs_overlays_trampoline_lowered:
0x8: {  	[smem:$0x3F9D] =	sst s0  }
0x9: {  	[smem:$0x3F9E] =	sst s1  }
0xa: {  	[smem:$0x3F9F] =	sst s2  }
0xb: {  	[smem:$0x3FA0] =	sst s3  }
0xc: {  	[smem:$0x3FA1] =	sst s4  }
0xd: {  	[smem:$0x3FA2] =	sst s5  }
0xe: {  	[smem:$0x3FA3] =	sst s6  }
0xf: {  	[smem:$0x3FA4] =	sst s7  }
0x10: {  	[smem:$0x3FA5] =	sst s8  }
0x11: {  	[smem:$0x3FA6] =	sst s9;
	s0 =	simm.s32 @!p0 $0x0  }
0x12: {  	s1 =	sld [smem:$0x3F8C];
	s0 =	simm.s32 @p0 $0x1  }
0x13: {  	[smem:$0x3FA7] =	sst s0;
	s0 =	simm.s32 @!p1 $0x0  }
0x14: {  	s2 =	sld [smem:$0x3F8B];
	s0 =	simm.s32 @p1 $0x1  }
0x15: {  	[smem:$0x3FA8] =	sst s0;
	s0 =	simm.s32 @!p2 $0x0  }
0x16: {  	s3 =	sld [smem:$0x3FDB];
	s0 =	simm.s32 @p2 $0x1  }
0x17: {  	s4 =	simm.s32 $0x1BF5;
	[smem:$0x3FAA] =	sst s0  }
0x18: {  	s0 =	sld [smem:$0x3F8D];
	_ =	swait.ge [sflag:s4], $0x0  }
0x19: {  	s7 =	sld [smem:$0x3F8E]  }
0x1a: {  	s8 =	sadd.s32 $0xFFFFE003, lr  }
0x1b: {  	s9 =	sadd.s32 $0xFFFFFEF7, lr;
	s5 =	simm.s32 $0xFFFFFFFF;
	p2 =	slt.u32 s8, $0xFFFFF086  }
0x1c: {  	p1 =	slt.u32 s9, $0xF7A;
	s5 =	simm.s32 @!p2 $0x0  }
0x1d: {  	s5 =	simm.s32 @p1 $0x1;
	p0 =	seq.s32 s7, s2  }
0x1e: {  	s7 =	smul.u32 @!p0 $0xF7A, s2;
	p2 =	seq.s32 @!p0 s5, $0x0  }
0x1f: {  	s9 =	smul.u32 $0xF7A, s1;
	s8 =	simm.s32 @!p0 $0x1BF5;
	p2 =	por !p2, p0  }
0x20: {  	[sflag:s8] =	ssyncset.s32 @!p0 $0xFFFFF086;
	s6 =	sadd.s32 @!p0 s3, s7;
	s7 =	simm.s32 @!p0 $0x108  }
0x21: {  	s3 =	sadd.s32 s3, s9;
	s6 =	sadd.s32 @!p0 $0x88, s6;
	s7 =	simm.s32 @p2 $0x1082  }
0x22: {  	[simem:s7], [sflag:s8] =	dma.local @!p0 [hbm:s6], $0xF7A  }
0x23: {  	s9 =	sor.u32 $0xD0000000, s2;
	s6 =	simm.s32 $0x108;
	_ =	swait.ge @!p0 [sflag:s8], $0x0  }
0x24: {  	s3 =	sadd.s32 $0x88, s3;
	s6 =	simm.s32 @!p1 $0x1082;
	[sflag:s4] =	ssyncset.s32 $0xFFFFF086  }
0x25: {  	[simem:s6], [sflag:s4] =	dma.local [hbm:s3], $0xF7A  }
0x26: {  	[smem:$0x3F8E] =	sst s1;
	(tag) =	ssettag s2;
	_ =	strace s9  }
0x27: {  	s1 =	sld [smem:$0x3F9E]  }
0x28: {  	s2 =	sld [smem:$0x3F9F]  }
0x29: {  	s4 =	sld [smem:$0x3FA1]  }
0x2a: {  	p0 =	seq.s32 s5, $0x0;
	s5 =	sld [smem:$0x3FA2]  }
0x2b: {  	s6 =	sld [smem:$0x3FA3]  }
0x2c: {  	s7 =	sld [smem:$0x3FA4]  }
0x2d: {  	s3 =	simm.s32 $0x108;
	s8 =	sld [smem:$0x3FA5]  }
0x2e: {  	s3 =	simm.s32 @!p0 $0x1082;
	s9 =	sld [smem:$0x3FA6]  }
0x2f: {  	lr =	sadd.s32 s0, s3;
	s0 =	sld [smem:$0x3F9D]  }
0x30: {  	s3 =	sld [smem:$0x3FA0]  }
0x31: {  	[smem:$0x3FA9] =	sst s10  }
0x32: {  	s10 =	sld [smem:$0x3FA7];
	_ =	sdelay $0x3  }
0x33: {  	p0 =	seq.s32 s10, $0x1;
	s10 =	sld [smem:$0x3FA9];
	_ =	sdelay $0x3  }
0x34: {  	[smem:$0x3FA9] =	sst s10  }
0x35: {  	s10 =	sld [smem:$0x3FA8];
	_ =	sdelay $0x3  }
0x36: {  	p1 =	seq.s32 s10, $0x1;
	s10 =	sld [smem:$0x3FA9];
	_ =	sdelay $0x3  }
0x37: {  	[smem:$0x3FA9] =	sst s10  }
0x38: {  	s10 =	sld [smem:$0x3FAA]  }
0x39: {  	_ = 	snop;
	(pc) =	sbr.ind lr, $3  }
0x3a: {  	_ = 	snop  }
0x3b: {  	_ = 	snop  }
0x3c: {  	p2 =	seq.s32 s10, $0x1;
	s10 =	sld [smem:$0x3FA9]  }
0x3d: {  	_ =	shalt  }
0x3e: {  	_ =	shalt  }
0x3f: {  	_ =	shalt  }
0x40: {  	_ =	shalt  }
0x41: {  	_ =	shalt  }
0x42: {  	_ =	shalt  }
0x43: {  	_ =	shalt  }
0x44: {  	_ =	shalt  }
0x45: {  	_ =	shalt  }
0x46: {  	_ =	shalt  }
0x47: {  	_ =	shalt  }
0x48: {  	_ =	shalt  }
0x49: {  	_ =	shalt  }
0x4a: {  	_ =	shalt  }
0x4b: {  	_ =	shalt  }
0x4c: {  	_ =	shalt  }
0x4d: {  	_ =	shalt  }
0x4e: {  	_ =	shalt  }
0x4f: {  	_ =	shalt  }
0x50: {  	_ =	shalt  }
0x51: {  	_ =	shalt  }
0x52: {  	_ =	shalt  }
0x53: {  	_ =	shalt  }
0x54: {  	_ =	shalt  }
0x55: {  	_ =	shalt  }
0x56: {  	_ =	shalt  }
0x57: {  	_ =	shalt  }
0x58: {  	_ =	shalt  }
0x59: {  	_ =	shalt  }
0x5a: {  	_ =	shalt  }
0x5b: {  	_ =	shalt  }
0x5c: {  	_ =	shalt  }
0x5d: {  	_ =	shalt  }
0x5e: {  	_ =	shalt  }
0x5f: {  	_ =	shalt  }
0x60: {  	_ =	shalt  }
0x61: {  	_ =	shalt  }
0x62: {  	_ =	shalt  }
0x63: {  	_ =	shalt  }
0x64: {  	_ =	shalt  }
0x65: {  	_ =	shalt  }
0x66: {  	_ =	shalt  }
0x67: {  	_ =	shalt  }
0x68: {  	_ =	shalt  }
0x69: {  	_ =	shalt  }
0x6a: {  	_ =	shalt  }
0x6b: {  	_ =	shalt  }
0x6c: {  	_ =	shalt  }
0x6d: {  	_ =	shalt  }
0x6e: {  	_ =	shalt  }
0x6f: {  	_ =	shalt  }
0x70: {  	_ =	shalt  }
0x71: {  	_ =	shalt  }
0x72: {  	_ =	shalt  }
0x73: {  	_ =	shalt  }
0x74: {  	_ =	shalt  }
0x75: {  	_ =	shalt  }
0x76: {  	_ =	shalt  }
0x77: {  	_ =	shalt  }
0x78: {  	_ =	shalt  }
0x79: {  	_ =	shalt  }
0x7a: {  	_ =	shalt  }
0x7b: {  	_ =	shalt  }
0x7c: {  	_ =	shalt  }
0x7d: {  	_ =	shalt  }
0x7e: {  	_ =	shalt  }
0x7f: {  	_ =	shalt  }
0x80: {  	_ =	shalt  }
0x81: {  	_ =	shalt  }
0x82: {  	_ =	shalt  }
0x83: {  	_ =	shalt  }
0x84: {  	_ =	shalt  }
0x85: {  	_ =	shalt  }
0x86: {  	_ =	shalt  }
0x87: {  	_ =	shalt  }
.Lfunc_end0:
.L_simem_size_0:
called_computation.3_lowered:
.L_overlay_start_0:
0x88: {  	s2 =	sld [smem:$0x3FD9]  }
0x89: {  	s3 =	sld [smem:$0x3FFE];
	_ =	sdelay $0x1  }
0x8a: {  	s1 =	srdreg.scid  }
0x8b: {  	s0 =	sand.u32 $0x1, s1  }
0x8c: {  	s14 =	sshll.u32 s0, $0xA;
	s2 =	sadd.s32 s3, s2  }
0x8d: {  	s2 =	sadd.s32 s2, s14  }
0x8e: {  	[smem:$0x3FB5] =	sst s2  }
0x8f: {  	_ = 	snop  }
0x90: {  	s2 =	sld [smem:$0x3FD0];
	_ =	sdelay $0x2  }
0x91: {  	s15 =	simm.s32 $0xB;
	s4 =	simm.s32 $0x10  }
0x92: {  	[smem:s4], [sflag:s15] =	dma.local [hbm:s2], $0x1  }
0x93: {  	_ =	swait.eq [sflag:s15], $0x1  }
0x94: {  	[sflag:s15] =	ssyncset.done $0x0  }
0x95: {  	s16 =	sld [smem:$0x10];
	[sflag:s15] =	ssyncadd.s32 $0xFFFFFFFF  }
0x96: {  	s17 =	sld [smem:$0x11];
	(tm) =	ssettm $0x1  }
0x97: {  	s18 =	sld [smem:$0x3FFB];
	_ =	sdelay $0x3  }
0x98: {  	_ =	strace s18  }
0x99: {  	s4 =	sld [smem:$0x3FFC];
	_ =	sdelay $0x3  }
0x9a: {  	_ =	strace s4  }
0x9b: {  	s4 =	sld [smem:$0x3FFD];
	_ =	sdelay $0x3  }
0x9c: {  	_ =	strace s4  }
0x9d: {  	_ =	strace $0x8FFFFFFF  }
0x9e: {  	s19 =	sld [smem:$0x3FDB];
	_ =	sdelay $0x1  }
0x9f: {  	s5 =	simm.s32 $_scs_section_size  }
0xa0: {  	s6 =	simm.s32 $_size__tile_overlayer_lowered;
	s7 =	simm.s32 $_tile_overlayer_lowered  }
0xa1: {  	s22 =	simm.s32 $0x1BFF;
	s21 =	sshll.u32 s7, $0x1;
	s4 =	sadd.s32 s5, s19  }
0xa2: {  	s8 =	simm.s32 $0x0;
	s20 =	sshll.u32 s6, $0x1;
	s6 =	sadd.s32 s21, s4  }
0xa3: {  	[timem:s8], [sflag:s22] =	dma.local [hbm:s6], s20  }
0xa4: {  	_ =	swait.ge [sflag:s22], s20  }
0xa5: {  	s5 =	ssub.s32 $0x0, s20;
	[sflag:s22] =	ssyncset.done $0x0  }
0xa6: {  	[sflag:s22] =	ssyncadd.s32 s5;
	_ =	sdelay $0x1  }
0xa7: {  	s23 =	simm.s32 $0x1B8B  }
0xa8: {  	_ =	swait.ge [sflag:s23], $0x1  }
0xa9: {  	[sflag:s23] =	ssyncset.done $0x0  }
0xaa: {  	s25 =	simm.s32 $0x1B8E;
	s24 =	sld [smem:$0x3FFE];
	[sflag:s23] =	ssyncadd.s32 $0xFFFFFFFF  }
0xab: {  	s26 =	simm.s32 $execute0_lowered;
	[smem:$0x3FD2] =	sst s25  }
0xac: {  	s6 =	sshll.u32 s26, $0x1;
	_ =	strace $0x8000004F;
	[dreg:$0x1] =	wrdreg $0xFFFFFFFF  }
0xad: {  	s28 =	simm.s32 $_size_execute0_lowered;
	s4 =	sadd.s32 s4, s6;
	[dreg:$0x0] =	wrdreg $0x0  }
0xae: {  	s6 =	sshll.u32 s28, $0x1;
	[dreg:$0x2] =	wrdreg s4  }
0xaf: {  	[dreg:$0x3] =	wrdreg s6  }
0xb0: {  	[dreg:$0x4] =	wrdreg $0xC0  }
0xb1: {  	_ =	task [dreg:s8], $0x5FFFF  }
0xb2: {  	[dreg:$0x1] =	wrdreg $0xFFFFFFFF  }
0xb3: {  	[dreg:$0x0] =	wrdreg $0x60  }
0xb4: {  	[dreg:$0x2] =	wrdreg s24  }
0xb5: {  	[dreg:$0x3] =	wrdreg s16  }
0xb6: {  	[dreg:$0x4] =	wrdreg s17  }
0xb7: {  	[dreg:$0x5] =	wrdreg $0x9  }
0xb8: {  	_ =	task.clear_ibuf [dreg:s8], $0x6FFFF;
	_ =	strace $0x9000004F  }
0xb9: {  	s29 =	simm.s32 $0x9;
	_ =	strace $0x80000051  }
0xba: {  	_ =	swait.ge [sflag:s29], $0x1  }
0xbb: {  	[sflag:s29] =	ssyncadd.s32 $0xFFFFFFFF  }
0xbc: {  	_ =	strace $0x90000051  }
0xbd: {  	_ =	sfence  }
0xbe: {  	s30 =	sld [smem:$0x0];
	_ =	sdelay $0x2  }
0xbf: {  	s31 =	sshll.u32 s1, $0xD;
	s1 =	sshrl.u32 s1, $0x2  }
0xc0: {  	s3 =	sand.u32 $0x4000, s31;
	s1 =	sadd.s32 s1, s30  }
0xc1: {  	s0 =	sor.u32 s3, s0;
	s1 =	sshll.u32 s1, $0x11  }
0xc2: {  	s0 =	sor.u32 s1, s0  }
0xc3: {  	s0 =	sadd.s32 $0x8F2B, s0  }
0xc4: {  	[sflag:s0] =	ssyncadd.remote.s32 $0x1  }
0xc5: {  	_ =	sfence.sel $0xFFFF  }
0xc6: {  	[dreg:$0x0] =	wrdreg $0xFFFFFFFF;
	(pc) =	sbr.abs _section_cstart, $3  }
0xc7: {  	[dreg:$0x1] =	wrdreg $0xFFFFFFFF  }
0xc8: {  	_ =	task.clear_ibuf [dreg:s8], $0x2FFFF;
	_ =	strace $0x9FFFFFFF  }
0xc9: {  	(tm) =	ssettm $0x7FFFFFFF  }
tec
execute0_lowered:
.L_overlay_start_1:
0x0: {  	(tag) =	ssettag $0x1  }
0x1: {  	s4 =	rddreg [dreg:$0x0]  }
0x2: {  	s2 =	rddreg [dreg:$0x1];
	s1 =	srdreg.scid  }
0x3: {  	s0 =	stileid.u32;
	s7 =	rddreg [dreg:$0x2];
	s11 =	simm.s32 $0x6400  }
0x4: {  	s12 =	simm.s32 $0x8C00;
	s13 =	simm.s32 $0x7800;
	s14 =	simm.s32 $0x80  }
0x5: {  	s15 =	simm.s32 $0x400;
	s16 =	simm.s32 $0x0;
	s5 =	sand.u32 $0x1, s1  }
0x6: {  	s3 =	sshll.u32 s0, $0x1;
	s1 =	rddreg [dreg:$0x3];
	s9 =	sshrl.u32 s0, $0x2  }
0x7: {  	s6 =	sor.u32 s5, s3;
	s3 =	simm.s32 $0x0;
	s9 =	smul.u32 $0x28000, s9  }
0x8: {  	v0 =	vimm.f32 $0.0e+00;
	s5 =	ssub.s32 $0x2, s5;
	s8 =	smul.u32 $0x280, s6;
	[smem:$0x7FF] =	sst s3  }
0x9: {  	vm0 =	vcmask $0x704;
	vm1 =	vcmask $0xB08;
	vm14 =	vcmask $0x3F3C;
	s6 =	sshll.u32 s6, $0x7;
	s30 =	sshrl.u32 s5, $0x1;
	_ =	strace $0x80000050  }
0xa: {  	vm2 =	vcmask $0xF0C;
	vm3 =	vcmask $0x1310;
	vm4 =	vcmask $0x1714;
	s6 =	sand.u32 $0x380, s6;
	s31 =	ssub.s32 s5, s30;
	s8 =	sadd.s32 s8, s4  }
0xb: {  	vm5 =	vcmask $0x1B18;
	vm6 =	vcmask $0x1F1C;
	vm7 =	vcmask $0x2320;
	s6 =	sor.u32 s9, s6;
	s9 =	simm.s32 $0x1;
	s4 =	sadd.s32 $0x64600, s8  }
0xc: {  	vm8 =	vcmask $0x2724;
	vm9 =	vcmask $0x2B28;
	vm10 =	vcmask $0x2F2C;
	s10 =	sshrl.u32 s6, $0x3;
	s5 =	sadd.s32 $0x5F600, s8;
	s6 =	sadd.s32 $0x69600, s8  }
0xd: {  	vm11 =	vcmask $0x3330;
	vm12 =	vcmask $0x3734;
	vm13 =	vcmask $0x3B38;
	s8 =	smax.u32 s31, $0x1;
	s7 =	sadd.s32 s7, s10;
	s10 =	simm.s32 $0x5000  }
.LBB2_1:
0xe: {  	[tilespmem:s3], [sflag:$0x1] =	stream.linear.gather [hbm4b:s2+s3], $0x5000, $0x38;
	[tilespmem:$0xDC00] =	vst v63  }
0xf: {  	_ =	swait.ge [sflag:s9], $0x5000  }
0x10: {  	[sflag:s9] =	ssyncset.done $0x0  }
0x11: {  	s17 =	simm.s32 $0x40;
	s18 =	simm.s32 $0x0;
	[sflag:s9] =	ssyncadd.s32 $0xFFFFB000  }
.LBB2_2:
0x12: {  	p0 =	sne.s32 s17, $0x13FC0;
	[tilespmem:s18+$0x8C00] =	vst v0;
	s18 =	smov.u32 s17;
	s17 =	sadd.s32 $0x40, s17  }
.Ltmp0:
0x13: {  	(pc) =	sbr.rel @p0 .LBB2_2-.Ltmp0, $2  }
0x14: {  	_ =	sdelay $0x2  }
0x15: {  	s18 =	sshra.s32 s18, $0x2  }
0x16: {  	[tilespmem:s18+$0x8C00] =	vst v0;
	s17 =	simm.s32 $0x0  }
0x17: {  	[tilespmem:s10], [sflag:$0x1] =	stream.linear.gather [hbm4b:s4+s17], $0x1400, $0x38;
	[tilespmem:$0xDC00] =	vst v63  }
0x18: {  	_ =	swait.ge [sflag:s9], $0x1400  }
0x19: {  	[sflag:s9] =	ssyncset.done $0x0  }
0x1a: {  	[sflag:s9] =	ssyncadd.s32 $0xFFFFEC00  }
0x1b: {  	[tilespmem:s11], [sflag:$0x1] =	stream.linear.gather [hbm4b:s5+s17], $0x1400, $0x38;
	[tilespmem:$0xDC00] =	vst v63  }
0x1c: {  	_ =	swait.ge [sflag:s9], $0x1400  }
0x1d: {  	[sflag:s9] =	ssyncset.done $0x0  }
0x1e: {  	s31 =	simm.s32 $0x0;
	[sflag:s9] =	ssyncadd.s32 $0xFFFFEC00  }
0x1f: {  	v1 =	vld [tilespmem:s31+$0x6400];
	_ =	sdelay $0x6  }
0x20: {  	v3 =	vld [tilespmem:s31+$0x5000]  }
0x21: {  	v2 =	vld.idx.msk [tilespmem:v1+s3+$0x0], $0xffff;
	_ =	sdelay $0x4  }
0x22: {  	v2 =	vsub.f32 v3, v2;
	_ =	sdelay $0x1  }
0x23: {  	v2 =	vmul.f32 $1.442695020e+00, v2;
	_ =	sdelay $0x1  }
0x24: {  	(erf) = vpow2.f32 v2;
	_ =	sdelay $0x8  }
0x25: {  	v2 =	vpop (erf)  }
0x26: {  	[tilespmem:s31+$0x7800] =	vst v2  }
0x27: {  	v3 =	vld.idx.msk [tilespmem:v1+s12+$0x0], $0xffff;
	_ =	sdelay $0x4  }
0x28: {  	v3 =	vadd.f32 v2, v3;
	_ =	sdelay $0x1  }
0x29: {  	[tilespmem:v1+s12+$0x0] =	vst.idx.msk $0x1, v3  }
0x2a: {  	v3 =	vld.idx.msk [tilespmem:v1+s12+$0x0], $0xffff;
	_ =	sdelay $0x4  }
0x2b: {  	v3 =	vadd.f32 v3, v2;
	_ =	sdelay $0x1  }
0x2c: {  	[tilespmem:v1+s12+$0x0] =	vst.idx.msk vm0, v3  }
0x2d: {  	v3 =	vld.idx.msk [tilespmem:v1+s12+$0x0], $0xffff;
	_ =	sdelay $0x4  }
0x2e: {  	v3 =	vadd.f32 v3, v2;
	_ =	sdelay $0x1  }
0x2f: {  	[tilespmem:v1+s12+$0x0] =	vst.idx.msk vm1, v3  }
0x30: {  	v3 =	vld.idx.msk [tilespmem:v1+s12+$0x0], $0xffff;
	_ =	sdelay $0x4  }
0x31: {  	v3 =	vadd.f32 v3, v2;
	_ =	sdelay $0x1  }
0x32: {  	[tilespmem:v1+s12+$0x0] =	vst.idx.msk vm2, v3  }
0x33: {  	v3 =	vld.idx.msk [tilespmem:v1+s12+$0x0], $0xffff;
	_ =	sdelay $0x4  }
0x34: {  	v3 =	vadd.f32 v3, v2;
	_ =	sdelay $0x1  }
0x35: {  	[tilespmem:v1+s12+$0x0] =	vst.idx.msk vm3, v3  }
0x36: {  	v3 =	vld.idx.msk [tilespmem:v1+s12+$0x0], $0xffff;
	_ =	sdelay $0x4  }
0x37: {  	v3 =	vadd.f32 v3, v2;
	_ =	sdelay $0x1  }
0x38: {  	[tilespmem:v1+s12+$0x0] =	vst.idx.msk vm4, v3  }
0x39: {  	v3 =	vld.idx.msk [tilespmem:v1+s12+$0x0], $0xffff;
	_ =	sdelay $0x4  }
0x3a: {  	v3 =	vadd.f32 v3, v2;
	_ =	sdelay $0x1  }
0x3b: {  	[tilespmem:v1+s12+$0x0] =	vst.idx.msk vm5, v3  }
0x3c: {  	v3 =	vld.idx.msk [tilespmem:v1+s12+$0x0], $0xffff;
	_ =	sdelay $0x4  }
0x3d: {  	v3 =	vadd.f32 v3, v2;
	_ =	sdelay $0x1  }
0x3e: {  	[tilespmem:v1+s12+$0x0] =	vst.idx.msk vm6, v3  }
0x3f: {  	v3 =	vld.idx.msk [tilespmem:v1+s12+$0x0], $0xffff;
	_ =	sdelay $0x4  }
0x40: {  	v3 =	vadd.f32 v3, v2;
	_ =	sdelay $0x1  }
0x41: {  	[tilespmem:v1+s12+$0x0] =	vst.idx.msk vm7, v3  }
0x42: {  	v3 =	vld.idx.msk [tilespmem:v1+s12+$0x0], $0xffff;
	_ =	sdelay $0x4  }
0x43: {  	v3 =	vadd.f32 v3, v2;
	_ =	sdelay $0x1  }
0x44: {  	[tilespmem:v1+s12+$0x0] =	vst.idx.msk vm8, v3  }
0x45: {  	v3 =	vld.idx.msk [tilespmem:v1+s12+$0x0], $0xffff;
	_ =	sdelay $0x4  }
0x46: {  	v3 =	vadd.f32 v3, v2;
	_ =	sdelay $0x1  }
0x47: {  	[tilespmem:v1+s12+$0x0] =	vst.idx.msk vm9, v3  }
0x48: {  	v3 =	vld.idx.msk [tilespmem:v1+s12+$0x0], $0xffff;
	_ =	sdelay $0x4  }
0x49: {  	v3 =	vadd.f32 v3, v2;
	_ =	sdelay $0x1  }
0x4a: {  	[tilespmem:v1+s12+$0x0] =	vst.idx.msk vm10, v3  }
0x4b: {  	v3 =	vld.idx.msk [tilespmem:v1+s12+$0x0], $0xffff;
	_ =	sdelay $0x4  }
0x4c: {  	v3 =	vadd.f32 v3, v2;
	_ =	sdelay $0x1  }
0x4d: {  	[tilespmem:v1+s12+$0x0] =	vst.idx.msk vm11, v3  }
0x4e: {  	v3 =	vld.idx.msk [tilespmem:v1+s12+$0x0], $0xffff;
	_ =	sdelay $0x4  }
0x4f: {  	v3 =	vadd.f32 v3, v2;
	_ =	sdelay $0x1  }
0x50: {  	[tilespmem:v1+s12+$0x0] =	vst.idx.msk vm12, v3  }
0x51: {  	v3 =	vld.idx.msk [tilespmem:v1+s12+$0x0], $0xffff;
	_ =	sdelay $0x4  }
0x52: {  	v3 =	vadd.f32 v3, v2;
	_ =	sdelay $0x1  }
0x53: {  	[tilespmem:v1+s12+$0x0] =	vst.idx.msk vm13, v3  }
0x54: {  	v3 =	vld.idx.msk [tilespmem:v1+s12+$0x0], $0xffff;
	_ =	sdelay $0x4  }
0x55: {  	s18 =	simm.s32 $0x80;
	s17 =	simm.s32 $0x40;
	v2 =	vadd.f32 v3, v2  }
.LBB2_4:
0x56: {  	p0 =	sne.s32 s18, $0x4FC0  }
0x57: {  	s19 =	sshra.s32 s17, $0x2;
	s17 =	smov.u32 s18;
	s18 =	sadd.s32 $0x40, s18;
	[tilespmem:v1+s12+$0x0] =	vst.idx.msk vm14, v2  }
0x58: {  	v1 =	vld [tilespmem:s19+$0x6400];
	_ =	sdelay $0x7  }
0x59: {  	v2 =	vld.idx.msk [tilespmem:v1+s3+$0x0], $0xffff  }
0x5a: {  	v3 =	vld [tilespmem:s19+$0x5000];
	_ =	sdelay $0x4  }
0x5b: {  	v2 =	vsub.f32 v3, v2;
	_ =	sdelay $0x1  }
0x5c: {  	v2 =	vmul.f32 $1.442695020e+00, v2;
	_ =	sdelay $0x1  }
0x5d: {  	(erf) = vpow2.f32 v2;
	_ =	sdelay $0x8  }
0x5e: {  	v2 =	vpop (erf)  }
0x5f: {  	[tilespmem:s19+$0x7800] =	vst v2  }
0x60: {  	v3 =	vld.idx.msk [tilespmem:v1+s12+$0x0], $0xffff;
	_ =	sdelay $0x5  }
0x61: {  	v3 =	vadd.f32 v2, v3;
	_ =	sdelay $0x1  }
0x62: {  	[tilespmem:v1+s12+$0x0] =	vst.idx.msk $0x1, v3  }
0x63: {  	v3 =	vld.idx.msk [tilespmem:v1+s12+$0x0], $0xffff;
	_ =	sdelay $0x5  }
0x64: {  	v3 =	vadd.f32 v3, v2;
	_ =	sdelay $0x1  }
0x65: {  	[tilespmem:v1+s12+$0x0] =	vst.idx.msk vm0, v3  }
0x66: {  	v3 =	vld.idx.msk [tilespmem:v1+s12+$0x0], $0xffff;
	_ =	sdelay $0x5  }
0x67: {  	v3 =	vadd.f32 v3, v2;
	_ =	sdelay $0x1  }
0x68: {  	[tilespmem:v1+s12+$0x0] =	vst.idx.msk vm1, v3  }
0x69: {  	v3 =	vld.idx.msk [tilespmem:v1+s12+$0x0], $0xffff;
	_ =	sdelay $0x5  }
0x6a: {  	v3 =	vadd.f32 v3, v2;
	_ =	sdelay $0x1  }
0x6b: {  	[tilespmem:v1+s12+$0x0] =	vst.idx.msk vm2, v3  }
0x6c: {  	v3 =	vld.idx.msk [tilespmem:v1+s12+$0x0], $0xffff;
	_ =	sdelay $0x5  }
0x6d: {  	v3 =	vadd.f32 v3, v2;
	_ =	sdelay $0x1  }
0x6e: {  	[tilespmem:v1+s12+$0x0] =	vst.idx.msk vm3, v3  }
0x6f: {  	v3 =	vld.idx.msk [tilespmem:v1+s12+$0x0], $0xffff;
	_ =	sdelay $0x5  }
0x70: {  	v3 =	vadd.f32 v3, v2;
	_ =	sdelay $0x1  }
0x71: {  	[tilespmem:v1+s12+$0x0] =	vst.idx.msk vm4, v3  }
0x72: {  	v3 =	vld.idx.msk [tilespmem:v1+s12+$0x0], $0xffff;
	_ =	sdelay $0x5  }
0x73: {  	v3 =	vadd.f32 v3, v2;
	_ =	sdelay $0x1  }
0x74: {  	[tilespmem:v1+s12+$0x0] =	vst.idx.msk vm5, v3  }
0x75: {  	v3 =	vld.idx.msk [tilespmem:v1+s12+$0x0], $0xffff;
	_ =	sdelay $0x5  }
0x76: {  	v3 =	vadd.f32 v3, v2;
	_ =	sdelay $0x1  }
0x77: {  	[tilespmem:v1+s12+$0x0] =	vst.idx.msk vm6, v3  }
0x78: {  	v3 =	vld.idx.msk [tilespmem:v1+s12+$0x0], $0xffff;
	_ =	sdelay $0x5  }
0x79: {  	v3 =	vadd.f32 v3, v2;
	_ =	sdelay $0x1  }
0x7a: {  	[tilespmem:v1+s12+$0x0] =	vst.idx.msk vm7, v3  }
0x7b: {  	v3 =	vld.idx.msk [tilespmem:v1+s12+$0x0], $0xffff;
	_ =	sdelay $0x5  }
0x7c: {  	v3 =	vadd.f32 v3, v2;
	_ =	sdelay $0x1  }
0x7d: {  	[tilespmem:v1+s12+$0x0] =	vst.idx.msk vm8, v3  }
0x7e: {  	v3 =	vld.idx.msk [tilespmem:v1+s12+$0x0], $0xffff;
	_ =	sdelay $0x5  }
0x7f: {  	v3 =	vadd.f32 v3, v2;
	_ =	sdelay $0x1  }
0x80: {  	[tilespmem:v1+s12+$0x0] =	vst.idx.msk vm9, v3  }
0x81: {  	v3 =	vld.idx.msk [tilespmem:v1+s12+$0x0], $0xffff;
	_ =	sdelay $0x5  }
0x82: {  	v3 =	vadd.f32 v3, v2;
	_ =	sdelay $0x1  }
0x83: {  	[tilespmem:v1+s12+$0x0] =	vst.idx.msk vm10, v3  }
0x84: {  	v3 =	vld.idx.msk [tilespmem:v1+s12+$0x0], $0xffff;
	_ =	sdelay $0x5  }
0x85: {  	v3 =	vadd.f32 v3, v2;
	_ =	sdelay $0x1  }
0x86: {  	[tilespmem:v1+s12+$0x0] =	vst.idx.msk vm11, v3  }
0x87: {  	v3 =	vld.idx.msk [tilespmem:v1+s12+$0x0], $0xffff;
	_ =	sdelay $0x5  }
0x88: {  	v3 =	vadd.f32 v3, v2;
	_ =	sdelay $0x1  }
0x89: {  	[tilespmem:v1+s12+$0x0] =	vst.idx.msk vm12, v3  }
0x8a: {  	v3 =	vld.idx.msk [tilespmem:v1+s12+$0x0], $0xffff;
	_ =	sdelay $0x5  }
0x8b: {  	v3 =	vadd.f32 v3, v2;
	_ =	sdelay $0x1  }
0x8c: {  	[tilespmem:v1+s12+$0x0] =	vst.idx.msk vm13, v3  }
0x8d: {  	v3 =	vld.idx.msk [tilespmem:v1+s12+$0x0], $0xffff;
	_ =	sdelay $0x1  }
.Ltmp1:
0x8e: {  	(pc) =	sbr.rel @p0 .LBB2_4-.Ltmp1, $2  }
0x8f: {  	_ =	sdelay $0x2  }
0x90: {  	v2 =	vadd.f32 v3, v2  }
0x91: {  	_ =	sdelay $0x4  }
0x92: {  	s17 =	sshra.s32 s17, $0x2;
	[tilespmem:v1+s12+$0x0] =	vst.idx.msk vm14, v2  }
0x93: {  	v1 =	vld [tilespmem:s17+$0x6400];
	_ =	sdelay $0x6  }
0x94: {  	v3 =	vld [tilespmem:s17+$0x5000]  }
0x95: {  	v2 =	vld.idx.msk [tilespmem:v1+s3+$0x0], $0xffff;
	_ =	sdelay $0x4  }
0x96: {  	v2 =	vsub.f32 v3, v2;
	_ =	sdelay $0x1  }
0x97: {  	v2 =	vmul.f32 $1.442695020e+00, v2;
	_ =	sdelay $0x1  }
0x98: {  	(erf) = vpow2.f32 v2;
	_ =	sdelay $0x8  }
0x99: {  	v2 =	vpop (erf)  }
0x9a: {  	[tilespmem:s17+$0x7800] =	vst v2  }
0x9b: {  	v3 =	vld.idx.msk [tilespmem:v1+s12+$0x0], $0xffff;
	_ =	sdelay $0x4  }
0x9c: {  	v3 =	vadd.f32 v2, v3;
	_ =	sdelay $0x1  }
0x9d: {  	[tilespmem:v1+s12+$0x0] =	vst.idx.msk $0x1, v3  }
0x9e: {  	v3 =	vld.idx.msk [tilespmem:v1+s12+$0x0], $0xffff;
	_ =	sdelay $0x4  }
0x9f: {  	v3 =	vadd.f32 v3, v2;
	_ =	sdelay $0x1  }
0xa0: {  	[tilespmem:v1+s12+$0x0] =	vst.idx.msk vm0, v3  }
0xa1: {  	v3 =	vld.idx.msk [tilespmem:v1+s12+$0x0], $0xffff;
	_ =	sdelay $0x4  }
0xa2: {  	v3 =	vadd.f32 v3, v2;
	_ =	sdelay $0x1  }
0xa3: {  	[tilespmem:v1+s12+$0x0] =	vst.idx.msk vm1, v3  }
0xa4: {  	v3 =	vld.idx.msk [tilespmem:v1+s12+$0x0], $0xffff;
	_ =	sdelay $0x4  }
0xa5: {  	v3 =	vadd.f32 v3, v2;
	_ =	sdelay $0x1  }
0xa6: {  	[tilespmem:v1+s12+$0x0] =	vst.idx.msk vm2, v3  }
0xa7: {  	v3 =	vld.idx.msk [tilespmem:v1+s12+$0x0], $0xffff;
	_ =	sdelay $0x4  }
0xa8: {  	v3 =	vadd.f32 v3, v2;
	_ =	sdelay $0x1  }
0xa9: {  	[tilespmem:v1+s12+$0x0] =	vst.idx.msk vm3, v3  }
0xaa: {  	v3 =	vld.idx.msk [tilespmem:v1+s12+$0x0], $0xffff;
	_ =	sdelay $0x4  }
0xab: {  	v3 =	vadd.f32 v3, v2;
	_ =	sdelay $0x1  }
0xac: {  	[tilespmem:v1+s12+$0x0] =	vst.idx.msk vm4, v3  }
0xad: {  	v3 =	vld.idx.msk [tilespmem:v1+s12+$0x0], $0xffff;
	_ =	sdelay $0x4  }
0xae: {  	v3 =	vadd.f32 v3, v2;
	_ =	sdelay $0x1  }
0xaf: {  	[tilespmem:v1+s12+$0x0] =	vst.idx.msk vm5, v3  }
0xb0: {  	v3 =	vld.idx.msk [tilespmem:v1+s12+$0x0], $0xffff;
	_ =	sdelay $0x4  }
0xb1: {  	v3 =	vadd.f32 v3, v2;
	_ =	sdelay $0x1  }
0xb2: {  	[tilespmem:v1+s12+$0x0] =	vst.idx.msk vm6, v3  }
0xb3: {  	v3 =	vld.idx.msk [tilespmem:v1+s12+$0x0], $0xffff;
	_ =	sdelay $0x4  }
0xb4: {  	v3 =	vadd.f32 v3, v2;
	_ =	sdelay $0x1  }
0xb5: {  	[tilespmem:v1+s12+$0x0] =	vst.idx.msk vm7, v3  }
0xb6: {  	v3 =	vld.idx.msk [tilespmem:v1+s12+$0x0], $0xffff;
	_ =	sdelay $0x4  }
0xb7: {  	v3 =	vadd.f32 v3, v2;
	_ =	sdelay $0x1  }
0xb8: {  	[tilespmem:v1+s12+$0x0] =	vst.idx.msk vm8, v3  }
0xb9: {  	v3 =	vld.idx.msk [tilespmem:v1+s12+$0x0], $0xffff;
	_ =	sdelay $0x4  }
0xba: {  	v3 =	vadd.f32 v3, v2;
	_ =	sdelay $0x1  }
0xbb: {  	[tilespmem:v1+s12+$0x0] =	vst.idx.msk vm9, v3  }
0xbc: {  	v3 =	vld.idx.msk [tilespmem:v1+s12+$0x0], $0xffff;
	_ =	sdelay $0x4  }
0xbd: {  	v3 =	vadd.f32 v3, v2;
	_ =	sdelay $0x1  }
0xbe: {  	[tilespmem:v1+s12+$0x0] =	vst.idx.msk vm10, v3  }
0xbf: {  	v3 =	vld.idx.msk [tilespmem:v1+s12+$0x0], $0xffff;
	_ =	sdelay $0x4  }
0xc0: {  	v3 =	vadd.f32 v3, v2;
	_ =	sdelay $0x1  }
0xc1: {  	[tilespmem:v1+s12+$0x0] =	vst.idx.msk vm11, v3  }
0xc2: {  	v3 =	vld.idx.msk [tilespmem:v1+s12+$0x0], $0xffff;
	_ =	sdelay $0x4  }
0xc3: {  	v3 =	vadd.f32 v3, v2;
	_ =	sdelay $0x1  }
0xc4: {  	[tilespmem:v1+s12+$0x0] =	vst.idx.msk vm12, v3  }
0xc5: {  	v3 =	vld.idx.msk [tilespmem:v1+s12+$0x0], $0xffff;
	_ =	sdelay $0x4  }
0xc6: {  	v3 =	vadd.f32 v3, v2;
	_ =	sdelay $0x1  }
0xc7: {  	[tilespmem:v1+s12+$0x0] =	vst.idx.msk vm13, v3  }
0xc8: {  	v3 =	vld.idx.msk [tilespmem:v1+s12+$0x0], $0xffff;
	_ =	sdelay $0x4  }
0xc9: {  	v2 =	vadd.f32 v3, v2;
	_ =	sdelay $0x1  }
0xca: {  	[tilespmem:v1+s12+$0x0] =	vst.idx.msk vm14, v2  }
0xcb: {  	[hbm4b:s6+s3] =	stream.linear.scatter [tilespmem:s13], [sflag:$0x1], $0x1400, $0x38;
	[tilespmem:$0xDC00] =	vst v63  }
0xcc: {  	s16 =	sadd.s32 $0x1, s16;
	_ =	swait.ge [sflag:s9], $0x1400  }
0xcd: {  	p0 =	sne.s32 s16, s8;
	[sflag:s9] =	ssyncset.done $0x0  }
.Ltmp2:
0xce: {  	[sflag:s9] =	ssyncadd.s32 $0xFFFFEC00;
	(pc) =	sbr.rel @p0 .LBB2_1-.Ltmp2, $4  }
0xcf: {  	[hbm4b:s7+s14] =	stream.strided.scatter [tilespmem:s12], [sflag:$0x1], $0x5000, s15, s14, $0x38;
	[tilespmem:$0xDC00] =	vst v63  }
0xd0: {  	_ =	swait.ge [sflag:s9], $0x5000  }
0xd1: {  	[sflag:s9] =	ssyncset.done $0x0  }
0xd2: {  	[sflag:s9] =	ssyncadd.s32 $0xFFFFB000  }
0xd3: {  	_ =	sfence.sel $0x180000  }
0xd4: {  	[bflag:$0x0] =	sbarrier.arrive $0xFFFF  }
0xd5: {  	p0 =	sne.s32 s0, $0x0;
	_ =	strace $0x90000050  }
0xd6: {  	s0 =	sadd.s32 @!p0 $0x100000, s1;
	[bflag:$0x2] =	sbarrier.arrive $0xFFFF  }
0xd7: {  	[sflag:s0] =	ssyncadd.tile.s32 @!p0 $0x1;
	_ =	shalt  }
.Lfunc_end2:
_tile_overlayer_lowered:
.L_overlay_start_2:
0xd8: {  	(tag) =	ssettag $0x2  }
0xd9: {  	s0 =	rddreg [dreg:$0x0];
	s2 =	stileid.u32  }
0xda: {  	s1 =	rddreg [dreg:$0x1];
	p0 =	sne.s32 s2, $0x0  }
0xdb: {  	s3 =	rddreg [dreg:$0x2];
	[bflag:$0x3] =	sbarrier.arrive $0xFFFF;
	s2 =	simm.s32 @!p0 $0x1C01  }
0xdc: {  	[timem:s3], [sflag:s2] =	dma.local @!p0 [hbm:s0], s1  }
0xdd: {  	s0 =	simm.s32 @!p0 $0x1  }
0xde: {  	_ =	swait.ge @!p0 [sflag:s0], s1  }
0xdf: {  	s1 =	ssub.s32 @!p0 $0x0, s1;
	[sflag:s0] =	ssyncset.done @!p0 $0x0  }
0xe0: {  	[sflag:s0] =	ssyncadd.s32 @!p0 s1  }
0xe1: {  	[bflag:$0x3] =	sbarrier.arrive $0xFFFF  }
0xe2: {  	_ =	shalt  }

// kernel: kernel.26.cloned.1.call-start
scs
__scs_entry_jumppad:
0x0: {  	(pc) =	sbr.rel $0x88, $3  }
0x1: {  	(tag) =	ssettag $0x0;
	lr =	simm.s32 $0x1  }
0x2: {  	[smem:$0x3F8E] =	sst lr;
	_ =	strace $0xD0000000  }
0x3: {  	_ = 	snop  }
0x4: {  	_ = 	snop  }
0x5: {  	_ = 	snop  }
0x6: {  	_ = 	snop  }
0x7: {  	_ = 	snop  }
__scs_overlays_trampoline_lowered:
0x8: {  	[smem:$0x3F9D] =	sst s0  }
0x9: {  	[smem:$0x3F9E] =	sst s1  }
0xa: {  	[smem:$0x3F9F] =	sst s2  }
0xb: {  	[smem:$0x3FA0] =	sst s3  }
0xc: {  	[smem:$0x3FA1] =	sst s4  }
0xd: {  	[smem:$0x3FA2] =	sst s5  }
0xe: {  	[smem:$0x3FA3] =	sst s6  }
0xf: {  	[smem:$0x3FA4] =	sst s7  }
0x10: {  	[smem:$0x3FA5] =	sst s8  }
0x11: {  	[smem:$0x3FA6] =	sst s9;
	s0 =	simm.s32 @!p0 $0x0  }
0x12: {  	s1 =	sld [smem:$0x3F8C];
	s0 =	simm.s32 @p0 $0x1  }
0x13: {  	[smem:$0x3FA7] =	sst s0;
	s0 =	simm.s32 @!p1 $0x0  }
0x14: {  	s2 =	sld [smem:$0x3F8B];
	s0 =	simm.s32 @p1 $0x1  }
0x15: {  	[smem:$0x3FA8] =	sst s0;
	s0 =	simm.s32 @!p2 $0x0  }
0x16: {  	s3 =	sld [smem:$0x3FDB];
	s0 =	simm.s32 @p2 $0x1  }
0x17: {  	s4 =	simm.s32 $0x1BF5;
	[smem:$0x3FAA] =	sst s0  }
0x18: {  	s0 =	sld [smem:$0x3F8D];
	_ =	swait.ge [sflag:s4], $0x0  }
0x19: {  	s7 =	sld [smem:$0x3F8E]  }
0x1a: {  	s8 =	sadd.s32 $0xFFFFE003, lr  }
0x1b: {  	s9 =	sadd.s32 $0xFFFFFEF7, lr;
	s5 =	simm.s32 $0xFFFFFFFF;
	p2 =	slt.u32 s8, $0xFFFFF086  }
0x1c: {  	p1 =	slt.u32 s9, $0xF7A;
	s5 =	simm.s32 @!p2 $0x0  }
0x1d: {  	s5 =	simm.s32 @p1 $0x1;
	p0 =	seq.s32 s7, s2  }
0x1e: {  	s7 =	smul.u32 @!p0 $0xF7A, s2;
	p2 =	seq.s32 @!p0 s5, $0x0  }
0x1f: {  	s9 =	smul.u32 $0xF7A, s1;
	s8 =	simm.s32 @!p0 $0x1BF5;
	p2 =	por !p2, p0  }
0x20: {  	[sflag:s8] =	ssyncset.s32 @!p0 $0xFFFFF086;
	s6 =	sadd.s32 @!p0 s3, s7;
	s7 =	simm.s32 @!p0 $0x108  }
0x21: {  	s3 =	sadd.s32 s3, s9;
	s6 =	sadd.s32 @!p0 $0x88, s6;
	s7 =	simm.s32 @p2 $0x1082  }
0x22: {  	[simem:s7], [sflag:s8] =	dma.local @!p0 [hbm:s6], $0xF7A  }
0x23: {  	s9 =	sor.u32 $0xD0000000, s2;
	s6 =	simm.s32 $0x108;
	_ =	swait.ge @!p0 [sflag:s8], $0x0  }
0x24: {  	s3 =	sadd.s32 $0x88, s3;
	s6 =	simm.s32 @!p1 $0x1082;
	[sflag:s4] =	ssyncset.s32 $0xFFFFF086  }
0x25: {  	[simem:s6], [sflag:s4] =	dma.local [hbm:s3], $0xF7A  }
0x26: {  	[smem:$0x3F8E] =	sst s1;
	(tag) =	ssettag s2;
	_ =	strace s9  }
0x27: {  	s1 =	sld [smem:$0x3F9E]  }
0x28: {  	s2 =	sld [smem:$0x3F9F]  }
0x29: {  	s4 =	sld [smem:$0x3FA1]  }
0x2a: {  	p0 =	seq.s32 s5, $0x0;
	s5 =	sld [smem:$0x3FA2]  }
0x2b: {  	s6 =	sld [smem:$0x3FA3]  }
0x2c: {  	s7 =	sld [smem:$0x3FA4]  }
0x2d: {  	s3 =	simm.s32 $0x108;
	s8 =	sld [smem:$0x3FA5]  }
0x2e: {  	s3 =	simm.s32 @!p0 $0x1082;
	s9 =	sld [smem:$0x3FA6]  }
0x2f: {  	lr =	sadd.s32 s0, s3;
	s0 =	sld [smem:$0x3F9D]  }
0x30: {  	s3 =	sld [smem:$0x3FA0]  }
0x31: {  	[smem:$0x3FA9] =	sst s10  }
0x32: {  	s10 =	sld [smem:$0x3FA7];
	_ =	sdelay $0x3  }
0x33: {  	p0 =	seq.s32 s10, $0x1;
	s10 =	sld [smem:$0x3FA9];
	_ =	sdelay $0x3  }
0x34: {  	[smem:$0x3FA9] =	sst s10  }
0x35: {  	s10 =	sld [smem:$0x3FA8];
	_ =	sdelay $0x3  }
0x36: {  	p1 =	seq.s32 s10, $0x1;
	s10 =	sld [smem:$0x3FA9];
	_ =	sdelay $0x3  }
0x37: {  	[smem:$0x3FA9] =	sst s10  }
0x38: {  	s10 =	sld [smem:$0x3FAA]  }
0x39: {  	_ = 	snop;
	(pc) =	sbr.ind lr, $3  }
0x3a: {  	_ = 	snop  }
0x3b: {  	_ = 	snop  }
0x3c: {  	p2 =	seq.s32 s10, $0x1;
	s10 =	sld [smem:$0x3FA9]  }
0x3d: {  	_ =	shalt  }
0x3e: {  	_ =	shalt  }
0x3f: {  	_ =	shalt  }
0x40: {  	_ =	shalt  }
0x41: {  	_ =	shalt  }
0x42: {  	_ =	shalt  }
0x43: {  	_ =	shalt  }
0x44: {  	_ =	shalt  }
0x45: {  	_ =	shalt  }
0x46: {  	_ =	shalt  }
0x47: {  	_ =	shalt  }
0x48: {  	_ =	shalt  }
0x49: {  	_ =	shalt  }
0x4a: {  	_ =	shalt  }
0x4b: {  	_ =	shalt  }
0x4c: {  	_ =	shalt  }
0x4d: {  	_ =	shalt  }
0x4e: {  	_ =	shalt  }
0x4f: {  	_ =	shalt  }
0x50: {  	_ =	shalt  }
0x51: {  	_ =	shalt  }
0x52: {  	_ =	shalt  }
0x53: {  	_ =	shalt  }
0x54: {  	_ =	shalt  }
0x55: {  	_ =	shalt  }
0x56: {  	_ =	shalt  }
0x57: {  	_ =	shalt  }
0x58: {  	_ =	shalt  }
0x59: {  	_ =	shalt  }
0x5a: {  	_ =	shalt  }
0x5b: {  	_ =	shalt  }
0x5c: {  	_ =	shalt  }
0x5d: {  	_ =	shalt  }
0x5e: {  	_ =	shalt  }
0x5f: {  	_ =	shalt  }
0x60: {  	_ =	shalt  }
0x61: {  	_ =	shalt  }
0x62: {  	_ =	shalt  }
0x63: {  	_ =	shalt  }
0x64: {  	_ =	shalt  }
0x65: {  	_ =	shalt  }
0x66: {  	_ =	shalt  }
0x67: {  	_ =	shalt  }
0x68: {  	_ =	shalt  }
0x69: {  	_ =	shalt  }
0x6a: {  	_ =	shalt  }
0x6b: {  	_ =	shalt  }
0x6c: {  	_ =	shalt  }
0x6d: {  	_ =	shalt  }
0x6e: {  	_ =	shalt  }
0x6f: {  	_ =	shalt  }
0x70: {  	_ =	shalt  }
0x71: {  	_ =	shalt  }
0x72: {  	_ =	shalt  }
0x73: {  	_ =	shalt  }
0x74: {  	_ =	shalt  }
0x75: {  	_ =	shalt  }
0x76: {  	_ =	shalt  }
0x77: {  	_ =	shalt  }
0x78: {  	_ =	shalt  }
0x79: {  	_ =	shalt  }
0x7a: {  	_ =	shalt  }
0x7b: {  	_ =	shalt  }
0x7c: {  	_ =	shalt  }
0x7d: {  	_ =	shalt  }
0x7e: {  	_ =	shalt  }
0x7f: {  	_ =	shalt  }
0x80: {  	_ =	shalt  }
0x81: {  	_ =	shalt  }
0x82: {  	_ =	shalt  }
0x83: {  	_ =	shalt  }
0x84: {  	_ =	shalt  }
0x85: {  	_ =	shalt  }
0x86: {  	_ =	shalt  }
0x87: {  	_ =	shalt  }
.Lfunc_end0:
.L_simem_size_0:
called_computation.4_lowered:
.L_overlay_start_0:
0x88: {  	s2 =	sld [smem:$0x3FD9]  }
0x89: {  	s3 =	sld [smem:$0x3FFE];
	_ =	sdelay $0x1  }
0x8a: {  	s1 =	srdreg.scid  }
0x8b: {  	s0 =	sand.u32 $0x1, s1  }
0x8c: {  	s14 =	sshll.u32 s0, $0xA;
	s2 =	sadd.s32 s3, s2  }
0x8d: {  	s2 =	sadd.s32 s2, s14  }
0x8e: {  	[smem:$0x3FB5] =	sst s2  }
0x8f: {  	_ = 	snop  }
0x90: {  	s2 =	sld [smem:$0x3FD0];
	_ =	sdelay $0x2  }
0x91: {  	s15 =	simm.s32 $0xB;
	s4 =	simm.s32 $0x10  }
0x92: {  	[smem:s4], [sflag:s15] =	dma.local [hbm:s2], $0x1  }
0x93: {  	_ =	swait.eq [sflag:s15], $0x1  }
0x94: {  	[sflag:s15] =	ssyncset.done $0x0  }
0x95: {  	s16 =	sld [smem:$0x10];
	[sflag:s15] =	ssyncadd.s32 $0xFFFFFFFF  }
0x96: {  	s17 =	sld [smem:$0x11];
	(tm) =	ssettm $0x1  }
0x97: {  	s18 =	sld [smem:$0x3FFB];
	_ =	sdelay $0x3  }
0x98: {  	_ =	strace s18  }
0x99: {  	s4 =	sld [smem:$0x3FFC];
	_ =	sdelay $0x3  }
0x9a: {  	_ =	strace s4  }
0x9b: {  	s4 =	sld [smem:$0x3FFD];
	_ =	sdelay $0x3  }
0x9c: {  	_ =	strace s4  }
0x9d: {  	_ =	strace $0x8FFFFFFF  }
0x9e: {  	s19 =	sld [smem:$0x3FDB];
	_ =	sdelay $0x1  }
0x9f: {  	s5 =	simm.s32 $_scs_section_size  }
0xa0: {  	s6 =	simm.s32 $_size__tile_overlayer_lowered;
	s7 =	simm.s32 $_tile_overlayer_lowered  }
0xa1: {  	s22 =	simm.s32 $0x1BFF;
	s21 =	sshll.u32 s7, $0x1;
	s4 =	sadd.s32 s5, s19  }
0xa2: {  	s8 =	simm.s32 $0x0;
	s20 =	sshll.u32 s6, $0x1;
	s6 =	sadd.s32 s21, s4  }
0xa3: {  	[timem:s8], [sflag:s22] =	dma.local [hbm:s6], s20  }
0xa4: {  	_ =	swait.ge [sflag:s22], s20  }
0xa5: {  	s5 =	ssub.s32 $0x0, s20;
	[sflag:s22] =	ssyncset.done $0x0  }
0xa6: {  	[sflag:s22] =	ssyncadd.s32 s5;
	_ =	sdelay $0x1  }
0xa7: {  	s23 =	simm.s32 $0x1B8B  }
0xa8: {  	_ =	swait.ge [sflag:s23], $0x1  }
0xa9: {  	[sflag:s23] =	ssyncset.done $0x0  }
0xaa: {  	s25 =	simm.s32 $0x1B8E;
	s24 =	sld [smem:$0x3FFE];
	[sflag:s23] =	ssyncadd.s32 $0xFFFFFFFF  }
0xab: {  	s26 =	simm.s32 $execute0_lowered;
	[smem:$0x3FD2] =	sst s25  }
0xac: {  	s6 =	sshll.u32 s26, $0x1;
	_ =	strace $0x80000052;
	[dreg:$0x1] =	wrdreg $0xFFFFFFFF  }
0xad: {  	s28 =	simm.s32 $_size_execute0_lowered;
	s4 =	sadd.s32 s4, s6;
	[dreg:$0x0] =	wrdreg $0x0  }
0xae: {  	s6 =	sshll.u32 s28, $0x1;
	[dreg:$0x2] =	wrdreg s4  }
0xaf: {  	[dreg:$0x3] =	wrdreg s6  }
0xb0: {  	[dreg:$0x4] =	wrdreg $0xC0  }
0xb1: {  	_ =	task [dreg:s8], $0x5FFFF  }
0xb2: {  	[dreg:$0x1] =	wrdreg $0xFFFFFFFF  }
0xb3: {  	[dreg:$0x0] =	wrdreg $0x60  }
0xb4: {  	[dreg:$0x2] =	wrdreg s24  }
0xb5: {  	[dreg:$0x3] =	wrdreg s16  }
0xb6: {  	[dreg:$0x4] =	wrdreg s17  }
0xb7: {  	[dreg:$0x5] =	wrdreg $0x9  }
0xb8: {  	_ =	task.clear_ibuf [dreg:s8], $0x6FFFF;
	_ =	strace $0x90000052  }
0xb9: {  	s29 =	simm.s32 $0x9;
	_ =	strace $0x80000054  }
0xba: {  	_ =	swait.ge [sflag:s29], $0x1  }
0xbb: {  	[sflag:s29] =	ssyncadd.s32 $0xFFFFFFFF  }
0xbc: {  	_ =	strace $0x90000054  }
0xbd: {  	_ =	sfence  }
0xbe: {  	s30 =	sld [smem:$0x0];
	_ =	sdelay $0x2  }
0xbf: {  	s31 =	sshll.u32 s1, $0xD;
	s1 =	sshrl.u32 s1, $0x2  }
0xc0: {  	s3 =	sand.u32 $0x4000, s31;
	s1 =	sadd.s32 s1, s30  }
0xc1: {  	s0 =	sor.u32 s3, s0;
	s1 =	sshll.u32 s1, $0x11  }
0xc2: {  	s0 =	sor.u32 s1, s0  }
0xc3: {  	s0 =	sadd.s32 $0x8F2B, s0  }
0xc4: {  	[sflag:s0] =	ssyncadd.remote.s32 $0x1  }
0xc5: {  	_ =	sfence.sel $0xFFFF  }
0xc6: {  	[dreg:$0x0] =	wrdreg $0xFFFFFFFF;
	(pc) =	sbr.abs _section_cstart, $3  }
0xc7: {  	[dreg:$0x1] =	wrdreg $0xFFFFFFFF  }
0xc8: {  	_ =	task.clear_ibuf [dreg:s8], $0x2FFFF;
	_ =	strace $0x9FFFFFFF  }
0xc9: {  	(tm) =	ssettm $0x7FFFFFFF  }
tec
execute0_lowered:
.L_overlay_start_1:
0x0: {  	(tag) =	ssettag $0x1  }
0x1: {  	s4 =	rddreg [dreg:$0x0]  }
0x2: {  	s1 =	srdreg.scid;
	s2 =	rddreg [dreg:$0x1]  }
0x3: {  	s0 =	stileid.u32;
	s8 =	rddreg [dreg:$0x2]  }
0x4: {  	s3 =	simm.s32 $0x0;
	s12 =	simm.s32 $0x5000;
	s13 =	simm.s32 $0x6400  }
0x5: {  	s14 =	simm.s32 $0x7800;
	s15 =	simm.s32 $0x8C00;
	s16 =	simm.s32 $0xA000  }
0x6: {  	s17 =	simm.s32 $0xF000;
	s18 =	simm.s32 $0x80;
	s19 =	simm.s32 $0x400  }
0x7: {  	s20 =	simm.s32 $0x0;
	s5 =	sand.u32 $0x1, s1;
	s28 =	sshll.u32 s0, $0x1  }
0x8: {  	s29 =	sshrl.u32 s0, $0x2;
	s1 =	rddreg [dreg:$0x3];
	s6 =	sor.u32 s5, s28  }
0x9: {  	[smem:$0x7FF] =	sst s3;
	s7 =	smul.u32 $0x28000, s29;
	s9 =	sshll.u32 s6, $0x7  }
0xa: {  	v0 =	vimm.f32 $0.0e+00;
	s5 =	ssub.s32 $0x2, s5;
	s6 =	smul.u32 $0x280, s6;
	s9 =	sand.u32 $0x380, s9  }
0xb: {  	vm0 =	vcmask $0x704;
	vm1 =	vcmask $0xB08;
	vm2 =	vcmask $0xF0C;
	_ =	strace $0x80000053;
	s31 =	sshrl.u32 s5, $0x1;
	s7 =	sor.u32 s7, s9  }
0xc: {  	vm3 =	vcmask $0x1310;
	vm4 =	vcmask $0x1714;
	vm5 =	vcmask $0x1B18;
	s11 =	ssub.s32 s5, s31;
	s30 =	sadd.s32 s6, s4;
	s9 =	sshrl.u32 s7, $0x3  }
0xd: {  	vm6 =	vcmask $0x1F1C;
	vm7 =	vcmask $0x2320;
	vm8 =	vcmask $0x2724;
	s5 =	sadd.s32 $0x73600, s30;
	s6 =	sadd.s32 $0x5F600, s30;
	s7 =	sadd.s32 $0x6E600, s30  }
0xe: {  	vm9 =	vcmask $0x2B28;
	vm10 =	vcmask $0x2F2C;
	vm11 =	vcmask $0x3330;
	s10 =	sadd.s32 s9, s4;
	s4 =	sadd.s32 $0x69600, s30;
	s8 =	sadd.s32 s8, s9  }
0xf: {  	vm12 =	vcmask $0x3734;
	vm13 =	vcmask $0x3B38;
	vm14 =	vcmask $0x3F3C;
	s9 =	sadd.s32 $0x78600, s10;
	s10 =	smax.u32 s11, $0x1;
	s11 =	simm.s32 $0x1  }
.LBB2_1:
0x10: {  	[tilespmem:s3], [sflag:$0x1] =	stream.linear.gather [hbm4b:s2+s3], $0x5000, $0x38;
	[tilespmem:$0x14000] =	vst v63  }
0x11: {  	_ =	swait.ge [sflag:s11], $0x5000  }
0x12: {  	[sflag:s11] =	ssyncset.done $0x0  }
0x13: {  	s21 =	simm.s32 $0x0;
	[sflag:s11] =	ssyncadd.s32 $0xFFFFB000  }
.LBB2_2:
0x14: {  	p0 =	sne.s32 s21, $0x13FC0  }
.Ltmp0:
0x15: {  	_ = 	snop;
	(pc) =	sbr.rel @p0 .LBB2_2-.Ltmp0, $3  }
0x16: {  	_ =	sdelay $0x1  }
0x17: {  	s22 =	sshra.s32 s21, $0x2  }
0x18: {  	s21 =	sadd.s32 $0x40, s21;
	[tilespmem:s22+$0xA000] =	vst v0  }
0x19: {  	s21 =	simm.s32 $0x40;
	s22 =	simm.s32 $0x0  }
.LBB2_4:
0x1a: {  	p0 =	sne.s32 s21, $0x13FC0;
	[tilespmem:s22+$0xF000] =	vst v0;
	s22 =	smov.u32 s21;
	s21 =	sadd.s32 $0x40, s21  }
.Ltmp1:
0x1b: {  	(pc) =	sbr.rel @p0 .LBB2_4-.Ltmp1, $2  }
0x1c: {  	_ =	sdelay $0x2  }
0x1d: {  	s22 =	sshra.s32 s22, $0x2  }
0x1e: {  	[tilespmem:s22+$0xF000] =	vst v0;
	s21 =	simm.s32 $0x0  }
0x1f: {  	[tilespmem:s12], [sflag:$0x1] =	stream.linear.gather [hbm4b:s4+s21], $0x1400, $0x38;
	[tilespmem:$0x14000] =	vst v63  }
0x20: {  	_ =	swait.ge [sflag:s11], $0x1400  }
0x21: {  	[sflag:s11] =	ssyncset.done $0x0  }
0x22: {  	[sflag:s11] =	ssyncadd.s32 $0xFFFFEC00  }
0x23: {  	[tilespmem:s13], [sflag:$0x1] =	stream.linear.gather [hbm4b:s5+s21], $0x1400, $0x38;
	[tilespmem:$0x14000] =	vst v63  }
0x24: {  	_ =	swait.ge [sflag:s11], $0x1400  }
0x25: {  	[sflag:s11] =	ssyncset.done $0x0  }
0x26: {  	[sflag:s11] =	ssyncadd.s32 $0xFFFFEC00  }
0x27: {  	[tilespmem:s14], [sflag:$0x1] =	stream.linear.gather [hbm4b:s6+s21], $0x1400, $0x38;
	[tilespmem:$0x14000] =	vst v63  }
0x28: {  	_ =	swait.ge [sflag:s11], $0x1400  }
0x29: {  	[sflag:s11] =	ssyncset.done $0x0  }
0x2a: {  	[sflag:s11] =	ssyncadd.s32 $0xFFFFEC00  }
0x2b: {  	[tilespmem:s15], [sflag:$0x1] =	stream.linear.gather [hbm4b:s7+s21], $0x1400, $0x38;
	[tilespmem:$0x14000] =	vst v63  }
0x2c: {  	_ =	swait.ge [sflag:s11], $0x1400  }
0x2d: {  	[sflag:s11] =	ssyncset.done $0x0  }
0x2e: {  	[sflag:s11] =	ssyncadd.s32 $0xFFFFEC00  }
.LBB2_6:
0x2f: {  	s22 =	sshra.s32 s21, $0x2  }
0x30: {  	v1 =	vld [tilespmem:s22+$0x7800];
	_ =	sdelay $0x7  }
0x31: {  	v1 =	vld.idx.msk [tilespmem:v1+s3+$0x0], $0xffff;
	_ =	sdelay $0x4  }
0x32: {  	v1 =	vadd.f32 $9.999999680e-21, v1  }
0x33: {  	v2 =	vld [tilespmem:s22+$0x8C00]  }
0x34: {  	(erf) = vrcp.f32 v1;
	_ =	sdelay $0x4  }
0x35: {  	v1 =	vld [tilespmem:s22+$0x5000];
	_ =	sdelay $0x1  }
0x36: {  	v3 =	vld.idx.msk [tilespmem:v2+s16+$0x0], $0xffff;
	_ =	sdelay $0x1  }
0x37: {  	v4 =	vpop (erf)  }
0x38: {  	v1 =	vmul.f32 v4, v1;
	_ =	sdelay $0x1  }
0x39: {  	v3 =	vadd.f32 v1, v3;
	_ =	sdelay $0x1  }
0x3a: {  	v63 =	vld [tilespmem:s22+$0x6400];
	[tilespmem:v2+s16+$0x0] =	vst.idx.msk $0x1, v3  }
0x3b: {  	v3 =	vld.idx.msk [tilespmem:v2+s16+$0x0], $0xffff;
	_ =	sdelay $0x4  }
0x3c: {  	v3 =	vadd.f32 v1, v3;
	_ =	sdelay $0x1  }
0x3d: {  	[tilespmem:v2+s16+$0x0] =	vst.idx.msk vm0, v3  }
0x3e: {  	v3 =	vld.idx.msk [tilespmem:v2+s16+$0x0], $0xffff;
	_ =	sdelay $0x4  }
0x3f: {  	v3 =	vadd.f32 v3, v1;
	_ =	sdelay $0x1  }
0x40: {  	[tilespmem:v2+s16+$0x0] =	vst.idx.msk vm1, v3  }
0x41: {  	v3 =	vld.idx.msk [tilespmem:v2+s16+$0x0], $0xffff;
	_ =	sdelay $0x4  }
0x42: {  	v3 =	vadd.f32 v3, v1;
	_ =	sdelay $0x1  }
0x43: {  	[tilespmem:v2+s16+$0x0] =	vst.idx.msk vm2, v3  }
0x44: {  	v3 =	vld.idx.msk [tilespmem:v2+s16+$0x0], $0xffff;
	_ =	sdelay $0x4  }
0x45: {  	v3 =	vadd.f32 v3, v1;
	_ =	sdelay $0x1  }
0x46: {  	[tilespmem:v2+s16+$0x0] =	vst.idx.msk vm3, v3  }
0x47: {  	v3 =	vld.idx.msk [tilespmem:v2+s16+$0x0], $0xffff;
	_ =	sdelay $0x4  }
0x48: {  	v3 =	vadd.f32 v3, v1;
	_ =	sdelay $0x1  }
0x49: {  	[tilespmem:v2+s16+$0x0] =	vst.idx.msk vm4, v3  }
0x4a: {  	v3 =	vld.idx.msk [tilespmem:v2+s16+$0x0], $0xffff;
	_ =	sdelay $0x4  }
0x4b: {  	v3 =	vadd.f32 v3, v1;
	_ =	sdelay $0x1  }
0x4c: {  	[tilespmem:v2+s16+$0x0] =	vst.idx.msk vm5, v3  }
0x4d: {  	v3 =	vld.idx.msk [tilespmem:v2+s16+$0x0], $0xffff;
	_ =	sdelay $0x4  }
0x4e: {  	v3 =	vadd.f32 v3, v1;
	_ =	sdelay $0x1  }
0x4f: {  	[tilespmem:v2+s16+$0x0] =	vst.idx.msk vm6, v3  }
0x50: {  	v3 =	vld.idx.msk [tilespmem:v2+s16+$0x0], $0xffff;
	_ =	sdelay $0x4  }
0x51: {  	v3 =	vadd.f32 v3, v1;
	_ =	sdelay $0x1  }
0x52: {  	[tilespmem:v2+s16+$0x0] =	vst.idx.msk vm7, v3  }
0x53: {  	v3 =	vld.idx.msk [tilespmem:v2+s16+$0x0], $0xffff;
	_ =	sdelay $0x4  }
0x54: {  	v3 =	vadd.f32 v3, v1;
	_ =	sdelay $0x1  }
0x55: {  	[tilespmem:v2+s16+$0x0] =	vst.idx.msk vm8, v3  }
0x56: {  	v3 =	vld.idx.msk [tilespmem:v2+s16+$0x0], $0xffff;
	_ =	sdelay $0x4  }
0x57: {  	v3 =	vadd.f32 v3, v1;
	_ =	sdelay $0x1  }
0x58: {  	[tilespmem:v2+s16+$0x0] =	vst.idx.msk vm9, v3  }
0x59: {  	v3 =	vld.idx.msk [tilespmem:v2+s16+$0x0], $0xffff;
	_ =	sdelay $0x4  }
0x5a: {  	v3 =	vadd.f32 v3, v1;
	_ =	sdelay $0x1  }
0x5b: {  	[tilespmem:v2+s16+$0x0] =	vst.idx.msk vm10, v3  }
0x5c: {  	v3 =	vld.idx.msk [tilespmem:v2+s16+$0x0], $0xffff;
	_ =	sdelay $0x4  }
0x5d: {  	v3 =	vadd.f32 v3, v1;
	_ =	sdelay $0x1  }
0x5e: {  	[tilespmem:v2+s16+$0x0] =	vst.idx.msk vm11, v3  }
0x5f: {  	v3 =	vld.idx.msk [tilespmem:v2+s16+$0x0], $0xffff;
	_ =	sdelay $0x4  }
0x60: {  	v3 =	vadd.f32 v3, v1;
	_ =	sdelay $0x1  }
0x61: {  	[tilespmem:v2+s16+$0x0] =	vst.idx.msk vm12, v3  }
0x62: {  	v3 =	vld.idx.msk [tilespmem:v2+s16+$0x0], $0xffff;
	_ =	sdelay $0x4  }
0x63: {  	v3 =	vadd.f32 v3, v1;
	_ =	sdelay $0x1  }
0x64: {  	[tilespmem:v2+s16+$0x0] =	vst.idx.msk vm13, v3  }
0x65: {  	v3 =	vld.idx.msk [tilespmem:v2+s16+$0x0], $0xffff;
	_ =	sdelay $0x4  }
0x66: {  	v3 =	vadd.f32 v3, v1;
	_ =	sdelay $0x1  }
0x67: {  	[tilespmem:v2+s16+$0x0] =	vst.idx.msk vm14, v3  }
0x68: {  	v3 =	vld.idx.msk [tilespmem:v2+s17+$0x0], $0xffff;
	_ =	sdelay $0x2  }
0x69: {  	v1 =	vmul.f32 v1, v63;
	_ =	sdelay $0x1  }
0x6a: {  	v3 =	vadd.f32 v3, v1;
	_ =	sdelay $0x1  }
0x6b: {  	[tilespmem:v2+s17+$0x0] =	vst.idx.msk $0x1, v3  }
0x6c: {  	v3 =	vld.idx.msk [tilespmem:v2+s17+$0x0], $0xffff;
	_ =	sdelay $0x4  }
0x6d: {  	v3 =	vadd.f32 v3, v1;
	_ =	sdelay $0x1  }
0x6e: {  	[tilespmem:v2+s17+$0x0] =	vst.idx.msk vm0, v3  }
0x6f: {  	v3 =	vld.idx.msk [tilespmem:v2+s17+$0x0], $0xffff;
	_ =	sdelay $0x4  }
0x70: {  	v3 =	vadd.f32 v3, v1;
	_ =	sdelay $0x1  }
0x71: {  	[tilespmem:v2+s17+$0x0] =	vst.idx.msk vm1, v3  }
0x72: {  	v3 =	vld.idx.msk [tilespmem:v2+s17+$0x0], $0xffff;
	_ =	sdelay $0x4  }
0x73: {  	v3 =	vadd.f32 v3, v1;
	_ =	sdelay $0x1  }
0x74: {  	[tilespmem:v2+s17+$0x0] =	vst.idx.msk vm2, v3  }
0x75: {  	v3 =	vld.idx.msk [tilespmem:v2+s17+$0x0], $0xffff;
	_ =	sdelay $0x4  }
0x76: {  	v3 =	vadd.f32 v3, v1;
	_ =	sdelay $0x1  }
0x77: {  	[tilespmem:v2+s17+$0x0] =	vst.idx.msk vm3, v3  }
0x78: {  	v3 =	vld.idx.msk [tilespmem:v2+s17+$0x0], $0xffff;
	_ =	sdelay $0x4  }
0x79: {  	v3 =	vadd.f32 v3, v1;
	_ =	sdelay $0x1  }
0x7a: {  	[tilespmem:v2+s17+$0x0] =	vst.idx.msk vm4, v3  }
0x7b: {  	v3 =	vld.idx.msk [tilespmem:v2+s17+$0x0], $0xffff;
	_ =	sdelay $0x4  }
0x7c: {  	v3 =	vadd.f32 v3, v1;
	_ =	sdelay $0x1  }
0x7d: {  	[tilespmem:v2+s17+$0x0] =	vst.idx.msk vm5, v3  }
0x7e: {  	v3 =	vld.idx.msk [tilespmem:v2+s17+$0x0], $0xffff;
	_ =	sdelay $0x4  }
0x7f: {  	v3 =	vadd.f32 v3, v1;
	_ =	sdelay $0x1  }
0x80: {  	[tilespmem:v2+s17+$0x0] =	vst.idx.msk vm6, v3  }
0x81: {  	v3 =	vld.idx.msk [tilespmem:v2+s17+$0x0], $0xffff;
	_ =	sdelay $0x4  }
0x82: {  	v3 =	vadd.f32 v3, v1;
	_ =	sdelay $0x1  }
0x83: {  	[tilespmem:v2+s17+$0x0] =	vst.idx.msk vm7, v3  }
0x84: {  	v3 =	vld.idx.msk [tilespmem:v2+s17+$0x0], $0xffff;
	_ =	sdelay $0x4  }
0x85: {  	v3 =	vadd.f32 v3, v1;
	_ =	sdelay $0x1  }
0x86: {  	[tilespmem:v2+s17+$0x0] =	vst.idx.msk vm8, v3  }
0x87: {  	v3 =	vld.idx.msk [tilespmem:v2+s17+$0x0], $0xffff;
	_ =	sdelay $0x4  }
0x88: {  	v3 =	vadd.f32 v3, v1;
	_ =	sdelay $0x1  }
0x89: {  	[tilespmem:v2+s17+$0x0] =	vst.idx.msk vm9, v3  }
0x8a: {  	v3 =	vld.idx.msk [tilespmem:v2+s17+$0x0], $0xffff;
	_ =	sdelay $0x4  }
0x8b: {  	v3 =	vadd.f32 v3, v1;
	_ =	sdelay $0x1  }
0x8c: {  	[tilespmem:v2+s17+$0x0] =	vst.idx.msk vm10, v3  }
0x8d: {  	v3 =	vld.idx.msk [tilespmem:v2+s17+$0x0], $0xffff;
	_ =	sdelay $0x4  }
0x8e: {  	v3 =	vadd.f32 v3, v1;
	_ =	sdelay $0x1  }
0x8f: {  	[tilespmem:v2+s17+$0x0] =	vst.idx.msk vm11, v3  }
0x90: {  	v3 =	vld.idx.msk [tilespmem:v2+s17+$0x0], $0xffff;
	_ =	sdelay $0x4  }
0x91: {  	v3 =	vadd.f32 v3, v1;
	_ =	sdelay $0x1  }
0x92: {  	[tilespmem:v2+s17+$0x0] =	vst.idx.msk vm12, v3  }
0x93: {  	v3 =	vld.idx.msk [tilespmem:v2+s17+$0x0], $0xffff;
	_ =	sdelay $0x4  }
0x94: {  	v3 =	vadd.f32 v3, v1;
	_ =	sdelay $0x1  }
0x95: {  	[tilespmem:v2+s17+$0x0] =	vst.idx.msk vm13, v3  }
0x96: {  	v3 =	vld.idx.msk [tilespmem:v2+s17+$0x0], $0xffff;
	_ =	sdelay $0x1  }
0x97: {  	p0 =	sne.s32 s21, $0x4FC0  }
.Ltmp2:
0x98: {  	_ = 	snop;
	(pc) =	sbr.rel @p0 .LBB2_6-.Ltmp2, $3  }
0x99: {  	_ = 	snop  }
0x9a: {  	v1 =	vadd.f32 v3, v1;
	_ =	sdelay $0x1  }
0x9b: {  	s21 =	sadd.s32 $0x40, s21;
	[tilespmem:v2+s17+$0x0] =	vst.idx.msk vm14, v1  }
0x9c: {  	[hbm4b:s8+s18] =	stream.strided.scatter [tilespmem:s16], [sflag:$0x1], $0x5000, s19, s18, $0x38;
	[tilespmem:$0x14000] =	vst v63  }
0x9d: {  	s20 =	sadd.s32 $0x1, s20;
	_ =	swait.ge [sflag:s11], $0x5000  }
0x9e: {  	p0 =	sne.s32 s20, s10;
	[sflag:s11] =	ssyncset.done $0x0  }
.Ltmp3:
0x9f: {  	[sflag:s11] =	ssyncadd.s32 $0xFFFFB000;
	(pc) =	sbr.rel @p0 .LBB2_1-.Ltmp3, $4  }
0xa0: {  	[hbm4b:s9+s18] =	stream.strided.scatter [tilespmem:s17], [sflag:$0x1], $0x5000, s19, s18, $0x38;
	[tilespmem:$0x14000] =	vst v63  }
0xa1: {  	_ =	swait.ge [sflag:s11], $0x5000  }
0xa2: {  	[sflag:s11] =	ssyncset.done $0x0  }
0xa3: {  	[sflag:s11] =	ssyncadd.s32 $0xFFFFB000  }
0xa4: {  	_ =	sfence.sel $0x180000  }
0xa5: {  	[bflag:$0x0] =	sbarrier.arrive $0xFFFF  }
0xa6: {  	p0 =	sne.s32 s0, $0x0;
	_ =	strace $0x90000053  }
0xa7: {  	s0 =	sadd.s32 @!p0 $0x100000, s1;
	[bflag:$0x2] =	sbarrier.arrive $0xFFFF  }
0xa8: {  	[sflag:s0] =	ssyncadd.tile.s32 @!p0 $0x1;
	_ =	shalt  }
.Lfunc_end2:
_tile_overlayer_lowered:
.L_overlay_start_2:
0xa9: {  	(tag) =	ssettag $0x2  }
0xaa: {  	s0 =	rddreg [dreg:$0x0];
	s2 =	stileid.u32  }
0xab: {  	s1 =	rddreg [dreg:$0x1];
	p0 =	sne.s32 s2, $0x0  }
0xac: {  	s3 =	rddreg [dreg:$0x2];
	[bflag:$0x3] =	sbarrier.arrive $0xFFFF;
	s2 =	simm.s32 @!p0 $0x1C01  }
0xad: {  	[timem:s3], [sflag:s2] =	dma.local @!p0 [hbm:s0], s1  }
0xae: {  	s0 =	simm.s32 @!p0 $0x1  }
0xaf: {  	_ =	swait.ge @!p0 [sflag:s0], s1  }
0xb0: {  	s1 =	ssub.s32 @!p0 $0x0, s1;
	[sflag:s0] =	ssyncset.done @!p0 $0x0  }
0xb1: {  	[sflag:s0] =	ssyncadd.s32 @!p0 s1  }
0xb2: {  	[bflag:$0x3] =	sbarrier.arrive $0xFFFF  }
0xb3: {  	_ =	shalt  }

</sc_bundles>
